<compile_context>
chip_gen: v7x
topology: tpu7x:2x2x1
jax: 0.10.2.dev20260603
libtpu: 0.0.44.dev20260713+nightly
codegen_flags: <defaults>
</compile_context>

<pallas_src>
import functools

import jax
import jax.numpy as jnp
from jax import lax
from jax.experimental import pallas as pl
from jax.experimental.pallas import tpu as pltpu
from jax.experimental.pallas import tpu_sc as plsc

_LAYOUT = [(21, 4.0, 4), (21, 8.0, 4), (21, 16.0, 4), (21, 32.0, 4)]
_N = 1048576
_L = 16
_NW = 32
_P = 256
_PW = _N // _NW
_NCHUNK = _PW // _P
_HASH_P2 = 2654435761 - (1 << 32)
_EPS = 1e-5


def _rsqrt(x):
    i = plsc.bitcast(x, jnp.int32)
    y = plsc.bitcast(jnp.int32(0x5F3759DF) - (i >> 1), jnp.float32)
    hx = x * 0.5
    for _ in range(3):
        y = y * (1.5 - hx * y * y)
    return y


def _body(px_hbm, py_hbm, t0, t1, t2, t3, lw_hbm, out_hbm,
          px_v, py_v, fx_v, fy_v, idx_v, e_v, rows_v, out_v, lw_v, sems,
          semo):
    tables = [t0, t1, t2, t3]
    wid = lax.axis_index("s") * 2 + lax.axis_index("c")
    wbase = wid * _PW
    lane = lax.iota(jnp.int32, _L)

    pltpu.sync_copy(lw_hbm, lw_v)

    def hash_level(lvl, b, cm):
        _hs, cs, _dim = _LAYOUT[lvl]
        mask = jnp.int32((1 << 21) - 1)
        inv_cs = jnp.float32(1.0 / cs)

        def hash_body(g, _):
            o = pl.multiple_of(g * _L, _L)
            po = cm * _P + o
            sx = px_v[pl.ds(po, _L)] * inv_cs
            sy = py_v[pl.ds(po, _L)] * inv_cs
            ix = sx.astype(jnp.int32)
            iy = sy.astype(jnp.int32)
            fx_v[pl.ds(b * _P + o, _L)] = sx - ix.astype(jnp.float32)
            fy_v[pl.ds(b * _P + o, _L)] = sy - iy.astype(jnp.float32)
            p2 = jnp.int32(_HASH_P2)
            hy0 = iy * p2
            hy1 = (iy + 1) * p2
            ix1 = ix + 1
            for ci, h in enumerate(((ix ^ hy0) & mask,
                                    (ix1 ^ hy0) & mask,
                                    (ix ^ hy1) & mask,
                                    (ix1 ^ hy1) & mask)):
                q0 = ((h >> 7) << 6) + ((h >> 3) & 15)
                e_v[pl.ds((4 * b + ci) * _P + o, _L)] = h & 7
                for d in range(4):
                    idx_v[pl.ds((16 * b + 4 * ci + d) * _P + o, _L)] = (
                        q0 + (d << 4))
            return ()

        lax.fori_loop(0, _P // _L, hash_body, (), unroll=False)

    def start_gather(lvl, b):
        h1 = pltpu.async_copy(
            tables[lvl].at[idx_v.at[pl.ds(16 * b * _P, 8 * _P)]],
            rows_v.at[pl.ds(16 * b * _P, 8 * _P)], sems[b])
        h2 = pltpu.async_copy(
            tables[lvl].at[idx_v.at[pl.ds((16 * b + 8) * _P, 8 * _P)]],
            rows_v.at[pl.ds((16 * b + 8) * _P, 8 * _P)], sems[b])
        return (h1, h2)

    def blend_level(lvl, b, ob):
        lw = lw_v[pl.ds(lvl * _L, _L)]

        def blend_body(g, _):
            o = pl.multiple_of(g * _L, _L)
            rows = lane + o
            fx = fx_v[pl.ds(b * _P + o, _L)]
            fy = fy_v[pl.ds(b * _P + o, _L)]
            wx0 = 1.0 - fx
            wy0 = 1.0 - fy
            w00 = wx0 * wy0
            w10 = fx * wy0
            w01 = wx0 * fy
            w11 = fx * fy
            ws = (w00, w10, w01, w11)
            es = [e_v[pl.ds((4 * b + ci) * _P + o, _L)] for ci in range(4)]
            acc = []
            for d in range(4):
                t = None
                for ci in range(4):
                    f = plsc.load_gather(
                        rows_v, [rows + (16 * b + 4 * ci + d) * _P, es[ci]])
                    t = ws[ci] * f if t is None else t + ws[ci] * f
                acc.append(t)
            mu = (acc[0] + acc[1] + acc[2] + acc[3]) * 0.25
            c0 = acc[0] - mu
            c1 = acc[1] - mu
            c2 = acc[2] - mu
            c3 = acc[3] - mu
            var = (c0 * c0 + c1 * c1 + c2 * c2 + c3 * c3) * 0.25
            scale = _rsqrt(var + _EPS) * lw
            orows = rows + ob
            for d, cd in enumerate((c0, c1, c2, c3)):
                colo = jnp.full((_L,), lvl * 4 + d, jnp.int32)
                plsc.store_scatter(out_v, [orows, colo], cd * scale)
            return ()

        lax.fori_loop(0, _P // _L, blend_body, (), unroll=False)

    def chunk_body(c, _):
        base = wbase + c * _P
        cm = c % 8

        @pl.when(cm == 0)
        def _():
            pltpu.sync_copy(px_hbm.at[pl.ds(base, 8 * _P)], px_v)
            pltpu.sync_copy(py_hbm.at[pl.ds(base, 8 * _P)], py_v)

        ob = (c & 1) * _P

        @pl.when(c >= 2)
        def _():
            pltpu.make_async_copy(out_v.at[pl.ds(ob, _P)],
                                  out_hbm.at[pl.ds(base, _P)], semo).wait()

        hash_level(0, 0, cm)
        dma = start_gather(0, 0)
        for lvl in range(4):
            nb = (lvl + 1) & 1
            nxt_dma = None
            if lvl + 1 < 4:
                hash_level(lvl + 1, nb, cm)
                nxt_dma = start_gather(lvl + 1, nb)
            for h in dma:
                h.wait()
            blend_level(lvl, lvl & 1, ob)
            dma = nxt_dma

        pltpu.async_copy(out_v.at[pl.ds(ob, _P)],
                         out_hbm.at[pl.ds(base, _P)], semo)
        return ()

    lax.fori_loop(0, _NCHUNK, chunk_body, (), unroll=False)

    for tail in (_NCHUNK - 2, _NCHUNK - 1):
        pltpu.make_async_copy(
            out_v.at[pl.ds((tail & 1) * _P, _P)],
            out_hbm.at[pl.ds(wbase + tail * _P, _P)], semo).wait()


@jax.jit
def _run(px, py, t0, t1, t2, t3, lw64):
    mesh = plsc.VectorSubcoreMesh(core_axis_name="c", subcore_axis_name="s")
    return pl.kernel(
        _body,
        out_type=jax.ShapeDtypeStruct((_N, 16), jnp.float32),
        mesh=mesh,
        scratch_types=[
            pltpu.VMEM((8 * _P,), jnp.float32),
            pltpu.VMEM((8 * _P,), jnp.float32),
            pltpu.VMEM((2 * _P,), jnp.float32),
            pltpu.VMEM((2 * _P,), jnp.float32),
            pltpu.VMEM((32 * _P,), jnp.int32),
            pltpu.VMEM((8 * _P,), jnp.int32),
            pltpu.VMEM((32 * _P, 8), jnp.float32),
            pltpu.VMEM((2 * _P, 16), jnp.float32),
            pltpu.VMEM((64,), jnp.float32),
            [pltpu.SemaphoreType.DMA, pltpu.SemaphoreType.DMA],
            pltpu.SemaphoreType.DMA,
        ],
        compiler_params=pltpu.CompilerParams(use_tc_tiling_on_sc=False,
                                             needs_layout_passes=False),
    )(px, py, t0, t1, t2, t3, lw64)


def _native_view(t):
    return (t.reshape(16384, 128, 4).transpose(0, 2, 1).reshape(1048576, 8))


def kernel(positions, table0, table1, table2, table3, level_weights):
    px = positions[:, 0]
    py = positions[:, 1]
    lw64 = jnp.repeat(level_weights, _L)
    return _run(px, py, *(_native_view(t) for t in
                          (table0, table1, table2, table3)), lw64)

# --- scband reference (transcript-rebuilt; emitter-appended) ---
"""Pipeline reference for scband-mrhg2-d-11269994184712 (READ-ONLY COPY).

The authoritative reference and input builder live on the scoring server;
editing this copy changes nothing except your own understanding.
"""

import jax, jax.numpy as jnp
import numpy as np

# layout: (hash_size_log2, cell_size, dimensions) per level
LAYOUT = [(21, 4.0, 4), (21, 8.0, 4), (21, 16.0, 4), (21, 32.0, 4)]
N_POS = 1048576


def _hash2d(ix, iy, hash_size):
    # instant-NGP style spatial hash for 2D integer coords
    p2 = jnp.uint32(2654435761)
    h = ix.astype(jnp.uint32) ^ (iy.astype(jnp.uint32) * p2)
    return (h & jnp.uint32((1 << hash_size) - 1)).astype(jnp.int32)


def _grid_lookup(positions, table, cell_size, hash_size):
    # bilinear interpolation of hashed grid features at continuous positions
    scaled = positions / cell_size
    base = jnp.floor(scaled)
    frac = scaled - base
    ix = base[:, 0].astype(jnp.int32)
    iy = base[:, 1].astype(jnp.int32)
    fx = frac[:, 0:1]
    fy = frac[:, 1:2]
    f00 = jnp.take(table, _hash2d(ix, iy, hash_size), axis=0)
    f10 = jnp.take(table, _hash2d(ix + 1, iy, hash_size), axis=0)
    f01 = jnp.take(table, _hash2d(ix, iy + 1, hash_size), axis=0)
    f11 = jnp.take(table, _hash2d(ix + 1, iy + 1, hash_size), axis=0)
    return (f00 * (1.0 - fx) * (1.0 - fy)
            + f10 * fx * (1.0 - fy)
            + f01 * (1.0 - fx) * fy
            + f11 * fx * fy)


def _layer_norm(x, eps=1e-5):
    mu = jnp.mean(x, axis=-1, keepdims=True)
    var = jnp.var(x, axis=-1, keepdims=True)
    return (x - mu) / jnp.sqrt(var + eps)


def setup_inputs(seed: int = 0) -> dict:
    key = jax.random.key(seed)
    keys = jax.random.split(key, 2 + len(LAYOUT))
    kp, kw, kt = keys[0], keys[1], keys[2:]
    positions = jax.random.uniform(kp, (N_POS, 2), dtype=jnp.float32) * 1024.0
    inp = {"positions": positions}
    for i, (hs, cs, dim) in enumerate(LAYOUT):
        inp[f"table{i}"] = jax.random.uniform(
            kt[i], ((1 << hs), dim), dtype=jnp.float32, minval=-1e-2, maxval=1e-2)
    inp["level_weights"] = 0.9 * jax.random.uniform(kw, (len(LAYOUT),), dtype=jnp.float32) + 0.1
    return inp


def reference(positions, table0, table1, table2, table3, level_weights):
    tables = [table0, table1, table2, table3]
    feats = []
    for i, (hs, cs, dim) in enumerate(LAYOUT):
        feat = _grid_lookup(positions, tables[i], cs, hs)
        norm_feat = _layer_norm(feat)
        feats.append(level_weights[i] * norm_feat)
    return jnp.concatenate(feats, axis=1)

if __name__ == "__main__":
    import jax
    _d = setup_inputs()
    print(jax.jit(kernel)(*tuple(_d.values())))

</pallas_src>

<mosaic_0001>
#map = affine_map<(d0, d1) -> (0)>
#map1 = affine_map<(d0, d1) -> (0, 0)>
module attributes {stable_mosaic.version = 14 : i64} {
  func.func @_body(%arg0: i32, %arg1: i32, %arg2: memref<1048576xf32, #tpu.memory_space<hbm>>, %arg3: memref<1048576xf32, #tpu.memory_space<hbm>>, %arg4: memref<1048576x8xf32, #tpu.memory_space<hbm>>, %arg5: memref<1048576x8xf32, #tpu.memory_space<hbm>>, %arg6: memref<1048576x8xf32, #tpu.memory_space<hbm>>, %arg7: memref<1048576x8xf32, #tpu.memory_space<hbm>>, %arg8: memref<64xf32, #tpu.memory_space<hbm>>, %arg9: memref<1048576x16xf32, #tpu.memory_space<hbm>>, %arg10: memref<2048xf32, #tpu.memory_space<vmem>>, %arg11: memref<2048xf32, #tpu.memory_space<vmem>>, %arg12: memref<512xf32, #tpu.memory_space<vmem>>, %arg13: memref<512xf32, #tpu.memory_space<vmem>>, %arg14: memref<8192xi32, #tpu.memory_space<vmem>>, %arg15: memref<2048xi32, #tpu.memory_space<vmem>>, %arg16: memref<8192x8xf32, #tpu.memory_space<vmem>>, %arg17: memref<512x16xf32, #tpu.memory_space<vmem>>, %arg18: memref<64xf32, #tpu.memory_space<vmem>>, %arg19: memref<!tpu.dma_semaphore, #tpu.memory_space<semaphore_mem>>, %arg20: memref<!tpu.dma_semaphore, #tpu.memory_space<semaphore_mem>>, %arg21: memref<!tpu.dma_semaphore, #tpu.memory_space<semaphore_mem>>) attributes {dimension_semantics = [#tpu.dimension_semantics<core_parallel>, #tpu.dimension_semantics<subcore_parallel>], iteration_bounds = array<i64: 2, 16>, scalar_prefetch = 0 : i64, scratch_operands = 12 : i64, tpu.core_type = #tpu.core_type<sc_vector_subcore>, window_params = [{transform_indices = #map}, {transform_indices = #map}, {transform_indices = #map1}, {transform_indices = #map1}, {transform_indices = #map1}, {transform_indices = #map1}, {transform_indices = #map}, {transform_indices = #map1}]} {
    %mul3A = arith.constant 2 : i32
    %mul3A_0 = arith.muli %arg1, %mul3A : i32
    %add3A = arith.addi %mul3A_0, %arg0 : i32
    %mul3A_1 = arith.constant 32768 : i32
    %mul3A_2 = arith.muli %add3A, %mul3A_1 : i32
    %iota3A = tpu.iota {dimensions = array<i32: 0>} : vector<16xi32>
    "tpu.region"() ({
      %run_scoped3A = tpu.sem_alloc : memref<!tpu.dma_semaphore, #tpu.memory_space<semaphore_mem>>
      tpu.enqueue_dma source(%arg8 : memref<64xf32, #tpu.memory_space<hbm>>) target(%arg18 : memref<64xf32, #tpu.memory_space<vmem>>) target_semaphore(%run_scoped3A : memref<!tpu.dma_semaphore, #tpu.memory_space<semaphore_mem>>)
      tpu.wait_dma2 semaphore(%run_scoped3A : memref<!tpu.dma_semaphore, #tpu.memory_space<semaphore_mem>>) src(%arg8 : memref<64xf32, #tpu.memory_space<hbm>>) dst(%arg18 : memref<64xf32, #tpu.memory_space<vmem>>)
      tpu.yield
    }) : () -> ()
    %scan3A = arith.constant 0 : i32
    %scan3A_3 = arith.constant 128 : i32
    %scan3A_4 = arith.addi %scan3A, %scan3A_3 : i32
    %scan3A_5 = arith.constant 1 : i32
    scf.for %scan3A_30 = %scan3A to %scan3A_4 step %scan3A_5  : i32 {
      %mul3A_31 = arith.constant 256 : i32
      %mul3A_32 = arith.muli %scan3A_30, %mul3A_31 : i32
      %add3A_33 = arith.addi %mul3A_2, %mul3A_32 : i32
      %jit3A = arith.constant 8 : i32
      %eq3A = arith.constant 0 : i32
      %eq3A_34 = arith.cmpi eq, %jit3A, %eq3A : i32
      %jit3A_35 = arith.constant 1 : i32
      %select_n3A = arith.select %eq3A_34, %jit3A_35, %jit3A : i32
      %rem3A = arith.remsi %scan3A_30, %select_n3A : i32
      %ne3A = arith.constant 0 : i32
      %ne3A_36 = arith.cmpi ne, %rem3A, %ne3A : i32
      %lt3A = arith.constant 0 : i32
      %lt3A_37 = arith.cmpi slt, %rem3A, %lt3A : i32
      %lt3A_38 = arith.constant 0 : i32
      %lt3A_39 = arith.cmpi slt, %select_n3A, %lt3A_38 : i32
      %ne3A_40 = arith.xori %lt3A_37, %lt3A_39 : i1
      %and3A = arith.andi %ne3A_40, %ne3A_36 : i1
      %add3A_41 = arith.addi %rem3A, %select_n3A : i32
      %select_n3A_42 = arith.select %and3A, %add3A_41, %rem3A : i32
      %eq3A_43 = arith.constant 0 : i32
      %eq3A_44 = arith.cmpi eq, %select_n3A_42, %eq3A_43 : i32
      %convert_element_type3A = arith.extui %eq3A_44 : i1 to i32
      %cond3A = arith.constant 0 : i32
      %cond3A_45 = arith.cmpi ne, %convert_element_type3A, %cond3A : i32
      scf.if %cond3A_45 {
        "tpu.region"() ({
          %run_scoped3A = tpu.sem_alloc : memref<!tpu.dma_semaphore, #tpu.memory_space<semaphore_mem>>
          %dma_start3A_244 = tpu.memref_slice %arg2[%add3A_33] : memref<1048576xf32, #tpu.memory_space<hbm>> -> memref<2048xf32, #tpu.memory_space<hbm>>
          %dma_start3A_245 = tpu.memref_slice %arg2[%add3A_33] : memref<1048576xf32, #tpu.memory_space<hbm>> -> memref<2048xf32, #tpu.memory_space<hbm>>
          tpu.enqueue_dma source(%dma_start3A_245 : memref<2048xf32, #tpu.memory_space<hbm>>) target(%arg10 : memref<2048xf32, #tpu.memory_space<vmem>>) target_semaphore(%run_scoped3A : memref<!tpu.dma_semaphore, #tpu.memory_space<semaphore_mem>>)
          %dma_wait3A_246 = tpu.memref_slice %arg2[%add3A_33] : memref<1048576xf32, #tpu.memory_space<hbm>> -> memref<2048xf32, #tpu.memory_space<hbm>>
          %dma_wait3A_247 = tpu.memref_slice %arg2[%add3A_33] : memref<1048576xf32, #tpu.memory_space<hbm>> -> memref<2048xf32, #tpu.memory_space<hbm>>
          tpu.wait_dma2 semaphore(%run_scoped3A : memref<!tpu.dma_semaphore, #tpu.memory_space<semaphore_mem>>) src(%dma_wait3A_247 : memref<2048xf32, #tpu.memory_space<hbm>>) dst(%arg10 : memref<2048xf32, #tpu.memory_space<vmem>>)
          tpu.yield
        }) : () -> ()
        "tpu.region"() ({
          %run_scoped3A = tpu.sem_alloc : memref<!tpu.dma_semaphore, #tpu.memory_space<semaphore_mem>>
          %dma_start3A_244 = tpu.memref_slice %arg3[%add3A_33] : memref<1048576xf32, #tpu.memory_space<hbm>> -> memref<2048xf32, #tpu.memory_space<hbm>>
          %dma_start3A_245 = tpu.memref_slice %arg3[%add3A_33] : memref<1048576xf32, #tpu.memory_space<hbm>> -> memref<2048xf32, #tpu.memory_space<hbm>>
          tpu.enqueue_dma source(%dma_start3A_245 : memref<2048xf32, #tpu.memory_space<hbm>>) target(%arg11 : memref<2048xf32, #tpu.memory_space<vmem>>) target_semaphore(%run_scoped3A : memref<!tpu.dma_semaphore, #tpu.memory_space<semaphore_mem>>)
          %dma_wait3A_246 = tpu.memref_slice %arg3[%add3A_33] : memref<1048576xf32, #tpu.memory_space<hbm>> -> memref<2048xf32, #tpu.memory_space<hbm>>
          %dma_wait3A_247 = tpu.memref_slice %arg3[%add3A_33] : memref<1048576xf32, #tpu.memory_space<hbm>> -> memref<2048xf32, #tpu.memory_space<hbm>>
          tpu.wait_dma2 semaphore(%run_scoped3A : memref<!tpu.dma_semaphore, #tpu.memory_space<semaphore_mem>>) src(%dma_wait3A_247 : memref<2048xf32, #tpu.memory_space<hbm>>) dst(%arg11 : memref<2048xf32, #tpu.memory_space<vmem>>)
          tpu.yield
        }) : () -> ()
      } else {
      }
      %and3A_46 = arith.constant 1 : i32
      %and3A_47 = arith.andi %scan3A_30, %and3A_46 : i32
      %mul3A_48 = arith.constant 256 : i32
      %mul3A_49 = arith.muli %and3A_47, %mul3A_48 : i32
      %ge3A = arith.constant 2 : i32
      %ge3A_50 = arith.cmpi sge, %scan3A_30, %ge3A : i32
      %convert_element_type3A_51 = arith.extui %ge3A_50 : i1 to i32
      %cond3A_52 = arith.constant 0 : i32
      %cond3A_53 = arith.cmpi ne, %convert_element_type3A_51, %cond3A_52 : i32
      scf.if %cond3A_53 {
        %dma_wait3A_244 = arith.constant 0 : i32
        %dma_wait3A_245 = tpu.memref_slice %arg17[%mul3A_49, %dma_wait3A_244] : memref<512x16xf32, #tpu.memory_space<vmem>> -> memref<256x16xf32, #tpu.memory_space<vmem>>
        %dma_wait3A_246 = arith.constant 0 : i32
        %dma_wait3A_247 = tpu.memref_slice %arg9[%add3A_33, %dma_wait3A_246] : memref<1048576x16xf32, #tpu.memory_space<hbm>> -> memref<256x16xf32, #tpu.memory_space<hbm>>
        %dma_wait3A_248 = arith.constant 0 : i32
        %dma_wait3A_249 = tpu.memref_slice %arg9[%add3A_33, %dma_wait3A_248] : memref<1048576x16xf32, #tpu.memory_space<hbm>> -> memref<256x16xf32, #tpu.memory_space<hbm>>
        %dma_wait3A_250 = arith.constant 0 : i32
        %dma_wait3A_251 = tpu.memref_slice %arg17[%mul3A_49, %dma_wait3A_250] : memref<512x16xf32, #tpu.memory_space<vmem>> -> memref<256x16xf32, #tpu.memory_space<vmem>>
        tpu.wait_dma2 semaphore(%arg21 : memref<!tpu.dma_semaphore, #tpu.memory_space<semaphore_mem>>) src(%dma_wait3A_251 : memref<256x16xf32, #tpu.memory_space<vmem>>) dst(%dma_wait3A_249 : memref<256x16xf32, #tpu.memory_space<hbm>>)
      } else {
      }
      %scan3A_54 = arith.constant 2.500000e-01 : f32
      %scan3A_55 = arith.constant 2097151 : i32
      %scan3A_56 = arith.constant 0 : i32
      %scan3A_57 = arith.constant 16 : i32
      %scan3A_58 = arith.addi %scan3A_56, %scan3A_57 : i32
      %scan3A_59 = arith.constant 1 : i32
      scf.for %scan3A_244 = %scan3A_56 to %scan3A_58 step %scan3A_59  : i32 {
        %mul3A_245 = arith.constant 16 : i32
        %mul3A_246 = arith.muli %scan3A_244, %mul3A_245 : i32
        %multiple_of3A = tpu.assume_multiple %mul3A_246, 16 : i32
        %mul3A_247 = arith.constant 256 : i32
        %mul3A_248 = arith.muli %select_n3A_42, %mul3A_247 : i32
        %add3A_249 = arith.addi %mul3A_248, %multiple_of3A : i32
        %get3A_250 = arith.index_cast %add3A_249 : i32 to index
        %get3A_251 = tpu.vector_load %arg10[%get3A_250] {strides = array<i32>} : memref<2048xf32, #tpu.memory_space<vmem>>, vector<16xf32>,
        %mul3A_252 = vector.broadcast %scan3A_54 : f32 to vector<16xf32>
        %mul3A_253 = arith.mulf %get3A_251, %mul3A_252 : vector<16xf32>
        %get3A_254 = arith.index_cast %add3A_249 : i32 to index
        %get3A_255 = tpu.vector_load %arg11[%get3A_254] {strides = array<i32>} : memref<2048xf32, #tpu.memory_space<vmem>>, vector<16xf32>,
        %mul3A_256 = vector.broadcast %scan3A_54 : f32 to vector<16xf32>
        %mul3A_257 = arith.mulf %get3A_255, %mul3A_256 : vector<16xf32>
        %convert_element_type3A_258 = arith.fptosi %mul3A_253 : vector<16xf32> to vector<16xi32>
        %convert_element_type3A_259 = arith.fptosi %mul3A_257 : vector<16xf32> to vector<16xi32>
        %convert_element_type3A_260 = arith.sitofp %convert_element_type3A_258 : vector<16xi32> to vector<16xf32>
        %sub3A = arith.subf %mul3A_253, %convert_element_type3A_260 : vector<16xf32>
        %add3A_261 = arith.constant 0 : i32
        %add3A_262 = arith.addi %add3A_261, %multiple_of3A : i32
        %swap3A = arith.index_cast %add3A_262 : i32 to index
        %swap3A_263 = tpu.vector_load %arg12[%swap3A] {strides = array<i32>} : memref<512xf32, #tpu.memory_space<vmem>>, vector<16xf32>,
        tpu.vector_store %arg12[%swap3A], %sub3A {strides = array<i32>} : memref<512xf32, #tpu.memory_space<vmem>>, vector<16xf32>,
        %convert_element_type3A_264 = arith.sitofp %convert_element_type3A_259 : vector<16xi32> to vector<16xf32>
        %sub3A_265 = arith.subf %mul3A_257, %convert_element_type3A_264 : vector<16xf32>
        %add3A_266 = arith.constant 0 : i32
        %add3A_267 = arith.addi %add3A_266, %multiple_of3A : i32
        %swap3A_268 = arith.index_cast %add3A_267 : i32 to index
        %swap3A_269 = tpu.vector_load %arg13[%swap3A_268] {strides = array<i32>} : memref<512xf32, #tpu.memory_space<vmem>>, vector<16xf32>,
        tpu.vector_store %arg13[%swap3A_268], %sub3A_265 {strides = array<i32>} : memref<512xf32, #tpu.memory_space<vmem>>, vector<16xf32>,
        %mul3A_270 = arith.constant -1640531535 : i32
        %mul3A_271 = vector.broadcast %mul3A_270 : i32 to vector<16xi32>
        %mul3A_272 = arith.muli %convert_element_type3A_259, %mul3A_271 : vector<16xi32>
        %add3A_273 = arith.constant 1 : i32
        %add3A_274 = vector.broadcast %add3A_273 : i32 to vector<16xi32>
        %add3A_275 = arith.addi %convert_element_type3A_259, %add3A_274 : vector<16xi32>
        %mul3A_276 = arith.constant -1640531535 : i32
        %mul3A_277 = vector.broadcast %mul3A_276 : i32 to vector<16xi32>
        %mul3A_278 = arith.muli %add3A_275, %mul3A_277 : vector<16xi32>
        %add3A_279 = arith.constant 1 : i32
        %add3A_280 = vector.broadcast %add3A_279 : i32 to vector<16xi32>
        %add3A_281 = arith.addi %convert_element_type3A_258, %add3A_280 : vector<16xi32>
        %xor3A = arith.xori %convert_element_type3A_258, %mul3A_272 : vector<16xi32>
        %and3A_282 = vector.broadcast %scan3A_55 : i32 to vector<16xi32>
        %and3A_283 = arith.andi %xor3A, %and3A_282 : vector<16xi32>
        %xor3A_284 = arith.xori %add3A_281, %mul3A_272 : vector<16xi32>
        %and3A_285 = vector.broadcast %scan3A_55 : i32 to vector<16xi32>
        %and3A_286 = arith.andi %xor3A_284, %and3A_285 : vector<16xi32>
        %xor3A_287 = arith.xori %convert_element_type3A_258, %mul3A_278 : vector<16xi32>
        %and3A_288 = vector.broadcast %scan3A_55 : i32 to vector<16xi32>
        %and3A_289 = arith.andi %xor3A_287, %and3A_288 : vector<16xi32>
        %xor3A_290 = arith.xori %add3A_281, %mul3A_278 : vector<16xi32>
        %and3A_291 = vector.broadcast %scan3A_55 : i32 to vector<16xi32>
        %and3A_292 = arith.andi %xor3A_290, %and3A_291 : vector<16xi32>
        %shift_right_arithmetic3A = arith.constant 7 : i32
        %shift_right_arithmetic3A_293 = vector.broadcast %shift_right_arithmetic3A : i32 to vector<16xi32>
        %shift_right_arithmetic3A_294 = arith.shrsi %and3A_283, %shift_right_arithmetic3A_293 : vector<16xi32>
        %shift_left3A = arith.constant 6 : i32
        %shift_left3A_295 = vector.broadcast %shift_left3A : i32 to vector<16xi32>
        %shift_left3A_296 = arith.shli %shift_right_arithmetic3A_294, %shift_left3A_295 : vector<16xi32>
        %shift_right_arithmetic3A_297 = arith.constant 3 : i32
        %shift_right_arithmetic3A_298 = vector.broadcast %shift_right_arithmetic3A_297 : i32 to vector<16xi32>
        %shift_right_arithmetic3A_299 = arith.shrsi %and3A_283, %shift_right_arithmetic3A_298 : vector<16xi32>
        %and3A_300 = arith.constant 15 : i32
        %and3A_301 = vector.broadcast %and3A_300 : i32 to vector<16xi32>
        %and3A_302 = arith.andi %shift_right_arithmetic3A_299, %and3A_301 : vector<16xi32>
        %add3A_303 = arith.addi %shift_left3A_296, %and3A_302 : vector<16xi32>
        %and3A_304 = arith.constant 7 : i32
        %and3A_305 = vector.broadcast %and3A_304 : i32 to vector<16xi32>
        %and3A_306 = arith.andi %and3A_283, %and3A_305 : vector<16xi32>
        %add3A_307 = arith.constant 0 : i32
        %add3A_308 = arith.addi %add3A_307, %multiple_of3A : i32
        %swap3A_309 = arith.index_cast %add3A_308 : i32 to index
        %swap3A_310 = tpu.vector_load %arg15[%swap3A_309] {strides = array<i32>} : memref<2048xi32, #tpu.memory_space<vmem>>, vector<16xi32>,
        tpu.vector_store %arg15[%swap3A_309], %and3A_306 {strides = array<i32>} : memref<2048xi32, #tpu.memory_space<vmem>>, vector<16xi32>,
        %add3A_311 = arith.constant 0 : i32
        %add3A_312 = vector.broadcast %add3A_311 : i32 to vector<16xi32>
        %add3A_313 = arith.addi %add3A_303, %add3A_312 : vector<16xi32>
        %add3A_314 = arith.constant 0 : i32
        %add3A_315 = arith.addi %add3A_314, %multiple_of3A : i32
        %swap3A_316 = arith.index_cast %add3A_315 : i32 to index
        %swap3A_317 = tpu.vector_load %arg14[%swap3A_316] {strides = array<i32>} : memref<8192xi32, #tpu.memory_space<vmem>>, vector<16xi32>,
        tpu.vector_store %arg14[%swap3A_316], %add3A_313 {strides = array<i32>} : memref<8192xi32, #tpu.memory_space<vmem>>, vector<16xi32>,
        %add3A_318 = arith.constant 16 : i32
        %add3A_319 = vector.broadcast %add3A_318 : i32 to vector<16xi32>
        %add3A_320 = arith.addi %add3A_303, %add3A_319 : vector<16xi32>
        %add3A_321 = arith.constant 256 : i32
        %add3A_322 = arith.addi %add3A_321, %multiple_of3A : i32
        %swap3A_323 = arith.index_cast %add3A_322 : i32 to index
        %swap3A_324 = tpu.vector_load %arg14[%swap3A_323] {strides = array<i32>} : memref<8192xi32, #tpu.memory_space<vmem>>, vector<16xi32>,
        tpu.vector_store %arg14[%swap3A_323], %add3A_320 {strides = array<i32>} : memref<8192xi32, #tpu.memory_space<vmem>>, vector<16xi32>,
        %add3A_325 = arith.constant 32 : i32
        %add3A_326 = vector.broadcast %add3A_325 : i32 to vector<16xi32>
        %add3A_327 = arith.addi %add3A_303, %add3A_326 : vector<16xi32>
        %add3A_328 = arith.constant 512 : i32
        %add3A_329 = arith.addi %add3A_328, %multiple_of3A : i32
        %swap3A_330 = arith.index_cast %add3A_329 : i32 to index
        %swap3A_331 = tpu.vector_load %arg14[%swap3A_330] {strides = array<i32>} : memref<8192xi32, #tpu.memory_space<vmem>>, vector<16xi32>,
        tpu.vector_store %arg14[%swap3A_330], %add3A_327 {strides = array<i32>} : memref<8192xi32, #tpu.memory_space<vmem>>, vector<16xi32>,
        %add3A_332 = arith.constant 48 : i32
        %add3A_333 = vector.broadcast %add3A_332 : i32 to vector<16xi32>
        %add3A_334 = arith.addi %add3A_303, %add3A_333 : vector<16xi32>
        %add3A_335 = arith.constant 768 : i32
        %add3A_336 = arith.addi %add3A_335, %multiple_of3A : i32
        %swap3A_337 = arith.index_cast %add3A_336 : i32 to index
        %swap3A_338 = tpu.vector_load %arg14[%swap3A_337] {strides = array<i32>} : memref<8192xi32, #tpu.memory_space<vmem>>, vector<16xi32>,
        tpu.vector_store %arg14[%swap3A_337], %add3A_334 {strides = array<i32>} : memref<8192xi32, #tpu.memory_space<vmem>>, vector<16xi32>,
        %shift_right_arithmetic3A_339 = arith.constant 7 : i32
        %shift_right_arithmetic3A_340 = vector.broadcast %shift_right_arithmetic3A_339 : i32 to vector<16xi32>
        %shift_right_arithmetic3A_341 = arith.shrsi %and3A_286, %shift_right_arithmetic3A_340 : vector<16xi32>
        %shift_left3A_342 = arith.constant 6 : i32
        %shift_left3A_343 = vector.broadcast %shift_left3A_342 : i32 to vector<16xi32>
        %shift_left3A_344 = arith.shli %shift_right_arithmetic3A_341, %shift_left3A_343 : vector<16xi32>
        %shift_right_arithmetic3A_345 = arith.constant 3 : i32
        %shift_right_arithmetic3A_346 = vector.broadcast %shift_right_arithmetic3A_345 : i32 to vector<16xi32>
        %shift_right_arithmetic3A_347 = arith.shrsi %and3A_286, %shift_right_arithmetic3A_346 : vector<16xi32>
        %and3A_348 = arith.constant 15 : i32
        %and3A_349 = vector.broadcast %and3A_348 : i32 to vector<16xi32>
        %and3A_350 = arith.andi %shift_right_arithmetic3A_347, %and3A_349 : vector<16xi32>
        %add3A_351 = arith.addi %shift_left3A_344, %and3A_350 : vector<16xi32>
        %and3A_352 = arith.constant 7 : i32
        %and3A_353 = vector.broadcast %and3A_352 : i32 to vector<16xi32>
        %and3A_354 = arith.andi %and3A_286, %and3A_353 : vector<16xi32>
        %add3A_355 = arith.constant 256 : i32
        %add3A_356 = arith.addi %add3A_355, %multiple_of3A : i32
        %swap3A_357 = arith.index_cast %add3A_356 : i32 to index
        %swap3A_358 = tpu.vector_load %arg15[%swap3A_357] {strides = array<i32>} : memref<2048xi32, #tpu.memory_space<vmem>>, vector<16xi32>,
        tpu.vector_store %arg15[%swap3A_357], %and3A_354 {strides = array<i32>} : memref<2048xi32, #tpu.memory_space<vmem>>, vector<16xi32>,
        %add3A_359 = arith.constant 0 : i32
        %add3A_360 = vector.broadcast %add3A_359 : i32 to vector<16xi32>
        %add3A_361 = arith.addi %add3A_351, %add3A_360 : vector<16xi32>
        %add3A_362 = arith.constant 1024 : i32
        %add3A_363 = arith.addi %add3A_362, %multiple_of3A : i32
        %swap3A_364 = arith.index_cast %add3A_363 : i32 to index
        %swap3A_365 = tpu.vector_load %arg14[%swap3A_364] {strides = array<i32>} : memref<8192xi32, #tpu.memory_space<vmem>>, vector<16xi32>,
        tpu.vector_store %arg14[%swap3A_364], %add3A_361 {strides = array<i32>} : memref<8192xi32, #tpu.memory_space<vmem>>, vector<16xi32>,
        %add3A_366 = arith.constant 16 : i32
        %add3A_367 = vector.broadcast %add3A_366 : i32 to vector<16xi32>
        %add3A_368 = arith.addi %add3A_351, %add3A_367 : vector<16xi32>
        %add3A_369 = arith.constant 1280 : i32
        %add3A_370 = arith.addi %add3A_369, %multiple_of3A : i32
        %swap3A_371 = arith.index_cast %add3A_370 : i32 to index
        %swap3A_372 = tpu.vector_load %arg14[%swap3A_371] {strides = array<i32>} : memref<8192xi32, #tpu.memory_space<vmem>>, vector<16xi32>,
        tpu.vector_store %arg14[%swap3A_371], %add3A_368 {strides = array<i32>} : memref<8192xi32, #tpu.memory_space<vmem>>, vector<16xi32>,
        %add3A_373 = arith.constant 32 : i32
        %add3A_374 = vector.broadcast %add3A_373 : i32 to vector<16xi32>
        %add3A_375 = arith.addi %add3A_351, %add3A_374 : vector<16xi32>
        %add3A_376 = arith.constant 1536 : i32
        %add3A_377 = arith.addi %add3A_376, %multiple_of3A : i32
        %swap3A_378 = arith.index_cast %add3A_377 : i32 to index
        %swap3A_379 = tpu.vector_load %arg14[%swap3A_378] {strides = array<i32>} : memref<8192xi32, #tpu.memory_space<vmem>>, vector<16xi32>,
        tpu.vector_store %arg14[%swap3A_378], %add3A_375 {strides = array<i32>} : memref<8192xi32, #tpu.memory_space<vmem>>, vector<16xi32>,
        %add3A_380 = arith.constant 48 : i32
        %add3A_381 = vector.broadcast %add3A_380 : i32 to vector<16xi32>
        %add3A_382 = arith.addi %add3A_351, %add3A_381 : vector<16xi32>
        %add3A_383 = arith.constant 1792 : i32
        %add3A_384 = arith.addi %add3A_383, %multiple_of3A : i32
        %swap3A_385 = arith.index_cast %add3A_384 : i32 to index
        %swap3A_386 = tpu.vector_load %arg14[%swap3A_385] {strides = array<i32>} : memref<8192xi32, #tpu.memory_space<vmem>>, vector<16xi32>,
        tpu.vector_store %arg14[%swap3A_385], %add3A_382 {strides = array<i32>} : memref<8192xi32, #tpu.memory_space<vmem>>, vector<16xi32>,
        %shift_right_arithmetic3A_387 = arith.constant 7 : i32
        %shift_right_arithmetic3A_388 = vector.broadcast %shift_right_arithmetic3A_387 : i32 to vector<16xi32>
        %shift_right_arithmetic3A_389 = arith.shrsi %and3A_289, %shift_right_arithmetic3A_388 : vector<16xi32>
        %shift_left3A_390 = arith.constant 6 : i32
        %shift_left3A_391 = vector.broadcast %shift_left3A_390 : i32 to vector<16xi32>
        %shift_left3A_392 = arith.shli %shift_right_arithmetic3A_389, %shift_left3A_391 : vector<16xi32>
        %shift_right_arithmetic3A_393 = arith.constant 3 : i32
        %shift_right_arithmetic3A_394 = vector.broadcast %shift_right_arithmetic3A_393 : i32 to vector<16xi32>
        %shift_right_arithmetic3A_395 = arith.shrsi %and3A_289, %shift_right_arithmetic3A_394 : vector<16xi32>
        %and3A_396 = arith.constant 15 : i32
        %and3A_397 = vector.broadcast %and3A_396 : i32 to vector<16xi32>
        %and3A_398 = arith.andi %shift_right_arithmetic3A_395, %and3A_397 : vector<16xi32>
        %add3A_399 = arith.addi %shift_left3A_392, %and3A_398 : vector<16xi32>
        %and3A_400 = arith.constant 7 : i32
        %and3A_401 = vector.broadcast %and3A_400 : i32 to vector<16xi32>
        %and3A_402 = arith.andi %and3A_289, %and3A_401 : vector<16xi32>
        %add3A_403 = arith.constant 512 : i32
        %add3A_404 = arith.addi %add3A_403, %multiple_of3A : i32
        %swap3A_405 = arith.index_cast %add3A_404 : i32 to index
        %swap3A_406 = tpu.vector_load %arg15[%swap3A_405] {strides = array<i32>} : memref<2048xi32, #tpu.memory_space<vmem>>, vector<16xi32>,
        tpu.vector_store %arg15[%swap3A_405], %and3A_402 {strides = array<i32>} : memref<2048xi32, #tpu.memory_space<vmem>>, vector<16xi32>,
        %add3A_407 = arith.constant 0 : i32
        %add3A_408 = vector.broadcast %add3A_407 : i32 to vector<16xi32>
        %add3A_409 = arith.addi %add3A_399, %add3A_408 : vector<16xi32>
        %add3A_410 = arith.constant 2048 : i32
        %add3A_411 = arith.addi %add3A_410, %multiple_of3A : i32
        %swap3A_412 = arith.index_cast %add3A_411 : i32 to index
        %swap3A_413 = tpu.vector_load %arg14[%swap3A_412] {strides = array<i32>} : memref<8192xi32, #tpu.memory_space<vmem>>, vector<16xi32>,
        tpu.vector_store %arg14[%swap3A_412], %add3A_409 {strides = array<i32>} : memref<8192xi32, #tpu.memory_space<vmem>>, vector<16xi32>,
        %add3A_414 = arith.constant 16 : i32
        %add3A_415 = vector.broadcast %add3A_414 : i32 to vector<16xi32>
        %add3A_416 = arith.addi %add3A_399, %add3A_415 : vector<16xi32>
        %add3A_417 = arith.constant 2304 : i32
        %add3A_418 = arith.addi %add3A_417, %multiple_of3A : i32
        %swap3A_419 = arith.index_cast %add3A_418 : i32 to index
        %swap3A_420 = tpu.vector_load %arg14[%swap3A_419] {strides = array<i32>} : memref<8192xi32, #tpu.memory_space<vmem>>, vector<16xi32>,
        tpu.vector_store %arg14[%swap3A_419], %add3A_416 {strides = array<i32>} : memref<8192xi32, #tpu.memory_space<vmem>>, vector<16xi32>,
        %add3A_421 = arith.constant 32 : i32
        %add3A_422 = vector.broadcast %add3A_421 : i32 to vector<16xi32>
        %add3A_423 = arith.addi %add3A_399, %add3A_422 : vector<16xi32>
        %add3A_424 = arith.constant 2560 : i32
        %add3A_425 = arith.addi %add3A_424, %multiple_of3A : i32
        %swap3A_426 = arith.index_cast %add3A_425 : i32 to index
        %swap3A_427 = tpu.vector_load %arg14[%swap3A_426] {strides = array<i32>} : memref<8192xi32, #tpu.memory_space<vmem>>, vector<16xi32>,
        tpu.vector_store %arg14[%swap3A_426], %add3A_423 {strides = array<i32>} : memref<8192xi32, #tpu.memory_space<vmem>>, vector<16xi32>,
        %add3A_428 = arith.constant 48 : i32
        %add3A_429 = vector.broadcast %add3A_428 : i32 to vector<16xi32>
        %add3A_430 = arith.addi %add3A_399, %add3A_429 : vector<16xi32>
        %add3A_431 = arith.constant 2816 : i32
        %add3A_432 = arith.addi %add3A_431, %multiple_of3A : i32
        %swap3A_433 = arith.index_cast %add3A_432 : i32 to index
        %swap3A_434 = tpu.vector_load %arg14[%swap3A_433] {strides = array<i32>} : memref<8192xi32, #tpu.memory_space<vmem>>, vector<16xi32>,
        tpu.vector_store %arg14[%swap3A_433], %add3A_430 {strides = array<i32>} : memref<8192xi32, #tpu.memory_space<vmem>>, vector<16xi32>,
        %shift_right_arithmetic3A_435 = arith.constant 7 : i32
        %shift_right_arithmetic3A_436 = vector.broadcast %shift_right_arithmetic3A_435 : i32 to vector<16xi32>
        %shift_right_arithmetic3A_437 = arith.shrsi %and3A_292, %shift_right_arithmetic3A_436 : vector<16xi32>
        %shift_left3A_438 = arith.constant 6 : i32
        %shift_left3A_439 = vector.broadcast %shift_left3A_438 : i32 to vector<16xi32>
        %shift_left3A_440 = arith.shli %shift_right_arithmetic3A_437, %shift_left3A_439 : vector<16xi32>
        %shift_right_arithmetic3A_441 = arith.constant 3 : i32
        %shift_right_arithmetic3A_442 = vector.broadcast %shift_right_arithmetic3A_441 : i32 to vector<16xi32>
        %shift_right_arithmetic3A_443 = arith.shrsi %and3A_292, %shift_right_arithmetic3A_442 : vector<16xi32>
        %and3A_444 = arith.constant 15 : i32
        %and3A_445 = vector.broadcast %and3A_444 : i32 to vector<16xi32>
        %and3A_446 = arith.andi %shift_right_arithmetic3A_443, %and3A_445 : vector<16xi32>
        %add3A_447 = arith.addi %shift_left3A_440, %and3A_446 : vector<16xi32>
        %and3A_448 = arith.constant 7 : i32
        %and3A_449 = vector.broadcast %and3A_448 : i32 to vector<16xi32>
        %and3A_450 = arith.andi %and3A_292, %and3A_449 : vector<16xi32>
        %add3A_451 = arith.constant 768 : i32
        %add3A_452 = arith.addi %add3A_451, %multiple_of3A : i32
        %swap3A_453 = arith.index_cast %add3A_452 : i32 to index
        %swap3A_454 = tpu.vector_load %arg15[%swap3A_453] {strides = array<i32>} : memref<2048xi32, #tpu.memory_space<vmem>>, vector<16xi32>,
        tpu.vector_store %arg15[%swap3A_453], %and3A_450 {strides = array<i32>} : memref<2048xi32, #tpu.memory_space<vmem>>, vector<16xi32>,
        %add3A_455 = arith.constant 0 : i32
        %add3A_456 = vector.broadcast %add3A_455 : i32 to vector<16xi32>
        %add3A_457 = arith.addi %add3A_447, %add3A_456 : vector<16xi32>
        %add3A_458 = arith.constant 3072 : i32
        %add3A_459 = arith.addi %add3A_458, %multiple_of3A : i32
        %swap3A_460 = arith.index_cast %add3A_459 : i32 to index
        %swap3A_461 = tpu.vector_load %arg14[%swap3A_460] {strides = array<i32>} : memref<8192xi32, #tpu.memory_space<vmem>>, vector<16xi32>,
        tpu.vector_store %arg14[%swap3A_460], %add3A_457 {strides = array<i32>} : memref<8192xi32, #tpu.memory_space<vmem>>, vector<16xi32>,
        %add3A_462 = arith.constant 16 : i32
        %add3A_463 = vector.broadcast %add3A_462 : i32 to vector<16xi32>
        %add3A_464 = arith.addi %add3A_447, %add3A_463 : vector<16xi32>
        %add3A_465 = arith.constant 3328 : i32
        %add3A_466 = arith.addi %add3A_465, %multiple_of3A : i32
        %swap3A_467 = arith.index_cast %add3A_466 : i32 to index
        %swap3A_468 = tpu.vector_load %arg14[%swap3A_467] {strides = array<i32>} : memref<8192xi32, #tpu.memory_space<vmem>>, vector<16xi32>,
        tpu.vector_store %arg14[%swap3A_467], %add3A_464 {strides = array<i32>} : memref<8192xi32, #tpu.memory_space<vmem>>, vector<16xi32>,
        %add3A_469 = arith.constant 32 : i32
        %add3A_470 = vector.broadcast %add3A_469 : i32 to vector<16xi32>
        %add3A_471 = arith.addi %add3A_447, %add3A_470 : vector<16xi32>
        %add3A_472 = arith.constant 3584 : i32
        %add3A_473 = arith.addi %add3A_472, %multiple_of3A : i32
        %swap3A_474 = arith.index_cast %add3A_473 : i32 to index
        %swap3A_475 = tpu.vector_load %arg14[%swap3A_474] {strides = array<i32>} : memref<8192xi32, #tpu.memory_space<vmem>>, vector<16xi32>,
        tpu.vector_store %arg14[%swap3A_474], %add3A_471 {strides = array<i32>} : memref<8192xi32, #tpu.memory_space<vmem>>, vector<16xi32>,
        %add3A_476 = arith.constant 48 : i32
        %add3A_477 = vector.broadcast %add3A_476 : i32 to vector<16xi32>
        %add3A_478 = arith.addi %add3A_447, %add3A_477 : vector<16xi32>
        %add3A_479 = arith.constant 3840 : i32
        %add3A_480 = arith.addi %add3A_479, %multiple_of3A : i32
        %swap3A_481 = arith.index_cast %add3A_480 : i32 to index
        %swap3A_482 = tpu.vector_load %arg14[%swap3A_481] {strides = array<i32>} : memref<8192xi32, #tpu.memory_space<vmem>>, vector<16xi32>,
        tpu.vector_store %arg14[%swap3A_481], %add3A_478 {strides = array<i32>} : memref<8192xi32, #tpu.memory_space<vmem>>, vector<16xi32>,
      }
      %scan3A_60 = arith.constant 16 : i32
      %dma_start3A = arith.constant 0 : i32
      %dma_start3A_61 = arith.constant 0 : i32
      %dma_start3A_62 = tpu.memref_slice %arg16[%dma_start3A, %dma_start3A_61] : memref<8192x8xf32, #tpu.memory_space<vmem>> -> memref<2048x8xf32, #tpu.memory_space<vmem>>
      %dma_start3A_63 = arith.constant 0 : i32
      %dma_start3A_64 = tpu.memref_slice %arg14[%dma_start3A_63] : memref<8192xi32, #tpu.memory_space<vmem>> -> memref<2048xi32, #tpu.memory_space<vmem>>
      %dma_start3A_65 = arith.constant 0 : i32
      %dma_start3A_66 = arith.constant 0 : i32
      %dma_start3A_67 = tpu.memref_slice %arg4[%dma_start3A_65, %dma_start3A_66] : memref<1048576x8xf32, #tpu.memory_space<hbm>> -> memref<1048576x8xf32, #tpu.memory_space<hbm>>
      tpu.enqueue_indirect_dma source(%dma_start3A_67 : memref<1048576x8xf32, #tpu.memory_space<hbm>>) target(%dma_start3A_62 : memref<2048x8xf32, #tpu.memory_space<vmem>>) offsets(%dma_start3A_64 : memref<2048xi32, #tpu.memory_space<vmem>>) semaphore(%arg19 : memref<!tpu.dma_semaphore, #tpu.memory_space<semaphore_mem>>)
      %dma_start3A_68 = arith.constant 2048 : i32
      %dma_start3A_69 = arith.constant 0 : i32
      %dma_start3A_70 = tpu.memref_slice %arg16[%dma_start3A_68, %dma_start3A_69] : memref<8192x8xf32, #tpu.memory_space<vmem>> -> memref<2048x8xf32, #tpu.memory_space<vmem>>
      %dma_start3A_71 = arith.constant 2048 : i32
      %dma_start3A_72 = tpu.memref_slice %arg14[%dma_start3A_71] : memref<8192xi32, #tpu.memory_space<vmem>> -> memref<2048xi32, #tpu.memory_space<vmem>>
      %dma_start3A_73 = arith.constant 0 : i32
      %dma_start3A_74 = arith.constant 0 : i32
      %dma_start3A_75 = tpu.memref_slice %arg4[%dma_start3A_73, %dma_start3A_74] : memref<1048576x8xf32, #tpu.memory_space<hbm>> -> memref<1048576x8xf32, #tpu.memory_space<hbm>>
      tpu.enqueue_indirect_dma source(%dma_start3A_75 : memref<1048576x8xf32, #tpu.memory_space<hbm>>) target(%dma_start3A_70 : memref<2048x8xf32, #tpu.memory_space<vmem>>) offsets(%dma_start3A_72 : memref<2048xi32, #tpu.memory_space<vmem>>) semaphore(%arg19 : memref<!tpu.dma_semaphore, #tpu.memory_space<semaphore_mem>>)
      %scan3A_76 = arith.constant 1.250000e-01 : f32
      %scan3A_77 = arith.constant 2097151 : i32
      %scan3A_78 = arith.constant 0 : i32
      %scan3A_79 = arith.constant 16 : i32
      %scan3A_80 = arith.addi %scan3A_78, %scan3A_79 : i32
      %scan3A_81 = arith.constant 1 : i32
      scf.for %scan3A_244 = %scan3A_78 to %scan3A_80 step %scan3A_81  : i32 {
        %mul3A_245 = arith.constant 16 : i32
        %mul3A_246 = arith.muli %scan3A_244, %mul3A_245 : i32
        %multiple_of3A = tpu.assume_multiple %mul3A_246, 16 : i32
        %mul3A_247 = arith.constant 256 : i32
        %mul3A_248 = arith.muli %select_n3A_42, %mul3A_247 : i32
        %add3A_249 = arith.addi %mul3A_248, %multiple_of3A : i32
        %get3A_250 = arith.index_cast %add3A_249 : i32 to index
        %get3A_251 = tpu.vector_load %arg10[%get3A_250] {strides = array<i32>} : memref<2048xf32, #tpu.memory_space<vmem>>, vector<16xf32>,
        %mul3A_252 = vector.broadcast %scan3A_76 : f32 to vector<16xf32>
        %mul3A_253 = arith.mulf %get3A_251, %mul3A_252 : vector<16xf32>
        %get3A_254 = arith.index_cast %add3A_249 : i32 to index
        %get3A_255 = tpu.vector_load %arg11[%get3A_254] {strides = array<i32>} : memref<2048xf32, #tpu.memory_space<vmem>>, vector<16xf32>,
        %mul3A_256 = vector.broadcast %scan3A_76 : f32 to vector<16xf32>
        %mul3A_257 = arith.mulf %get3A_255, %mul3A_256 : vector<16xf32>
        %convert_element_type3A_258 = arith.fptosi %mul3A_253 : vector<16xf32> to vector<16xi32>
        %convert_element_type3A_259 = arith.fptosi %mul3A_257 : vector<16xf32> to vector<16xi32>
        %convert_element_type3A_260 = arith.sitofp %convert_element_type3A_258 : vector<16xi32> to vector<16xf32>
        %sub3A = arith.subf %mul3A_253, %convert_element_type3A_260 : vector<16xf32>
        %add3A_261 = arith.constant 256 : i32
        %add3A_262 = arith.addi %add3A_261, %multiple_of3A : i32
        %swap3A = arith.index_cast %add3A_262 : i32 to index
        %swap3A_263 = tpu.vector_load %arg12[%swap3A] {strides = array<i32>} : memref<512xf32, #tpu.memory_space<vmem>>, vector<16xf32>,
        tpu.vector_store %arg12[%swap3A], %sub3A {strides = array<i32>} : memref<512xf32, #tpu.memory_space<vmem>>, vector<16xf32>,
        %convert_element_type3A_264 = arith.sitofp %convert_element_type3A_259 : vector<16xi32> to vector<16xf32>
        %sub3A_265 = arith.subf %mul3A_257, %convert_element_type3A_264 : vector<16xf32>
        %add3A_266 = arith.constant 256 : i32
        %add3A_267 = arith.addi %add3A_266, %multiple_of3A : i32
        %swap3A_268 = arith.index_cast %add3A_267 : i32 to index
        %swap3A_269 = tpu.vector_load %arg13[%swap3A_268] {strides = array<i32>} : memref<512xf32, #tpu.memory_space<vmem>>, vector<16xf32>,
        tpu.vector_store %arg13[%swap3A_268], %sub3A_265 {strides = array<i32>} : memref<512xf32, #tpu.memory_space<vmem>>, vector<16xf32>,
        %mul3A_270 = arith.constant -1640531535 : i32
        %mul3A_271 = vector.broadcast %mul3A_270 : i32 to vector<16xi32>
        %mul3A_272 = arith.muli %convert_element_type3A_259, %mul3A_271 : vector<16xi32>
        %add3A_273 = arith.constant 1 : i32
        %add3A_274 = vector.broadcast %add3A_273 : i32 to vector<16xi32>
        %add3A_275 = arith.addi %convert_element_type3A_259, %add3A_274 : vector<16xi32>
        %mul3A_276 = arith.constant -1640531535 : i32
        %mul3A_277 = vector.broadcast %mul3A_276 : i32 to vector<16xi32>
        %mul3A_278 = arith.muli %add3A_275, %mul3A_277 : vector<16xi32>
        %add3A_279 = arith.constant 1 : i32
        %add3A_280 = vector.broadcast %add3A_279 : i32 to vector<16xi32>
        %add3A_281 = arith.addi %convert_element_type3A_258, %add3A_280 : vector<16xi32>
        %xor3A = arith.xori %convert_element_type3A_258, %mul3A_272 : vector<16xi32>
        %and3A_282 = vector.broadcast %scan3A_77 : i32 to vector<16xi32>
        %and3A_283 = arith.andi %xor3A, %and3A_282 : vector<16xi32>
        %xor3A_284 = arith.xori %add3A_281, %mul3A_272 : vector<16xi32>
        %and3A_285 = vector.broadcast %scan3A_77 : i32 to vector<16xi32>
        %and3A_286 = arith.andi %xor3A_284, %and3A_285 : vector<16xi32>
        %xor3A_287 = arith.xori %convert_element_type3A_258, %mul3A_278 : vector<16xi32>
        %and3A_288 = vector.broadcast %scan3A_77 : i32 to vector<16xi32>
        %and3A_289 = arith.andi %xor3A_287, %and3A_288 : vector<16xi32>
        %xor3A_290 = arith.xori %add3A_281, %mul3A_278 : vector<16xi32>
        %and3A_291 = vector.broadcast %scan3A_77 : i32 to vector<16xi32>
        %and3A_292 = arith.andi %xor3A_290, %and3A_291 : vector<16xi32>
        %shift_right_arithmetic3A = arith.constant 7 : i32
        %shift_right_arithmetic3A_293 = vector.broadcast %shift_right_arithmetic3A : i32 to vector<16xi32>
        %shift_right_arithmetic3A_294 = arith.shrsi %and3A_283, %shift_right_arithmetic3A_293 : vector<16xi32>
        %shift_left3A = arith.constant 6 : i32
        %shift_left3A_295 = vector.broadcast %shift_left3A : i32 to vector<16xi32>
        %shift_left3A_296 = arith.shli %shift_right_arithmetic3A_294, %shift_left3A_295 : vector<16xi32>
        %shift_right_arithmetic3A_297 = arith.constant 3 : i32
        %shift_right_arithmetic3A_298 = vector.broadcast %shift_right_arithmetic3A_297 : i32 to vector<16xi32>
        %shift_right_arithmetic3A_299 = arith.shrsi %and3A_283, %shift_right_arithmetic3A_298 : vector<16xi32>
        %and3A_300 = arith.constant 15 : i32
        %and3A_301 = vector.broadcast %and3A_300 : i32 to vector<16xi32>
        %and3A_302 = arith.andi %shift_right_arithmetic3A_299, %and3A_301 : vector<16xi32>
        %add3A_303 = arith.addi %shift_left3A_296, %and3A_302 : vector<16xi32>
        %and3A_304 = arith.constant 7 : i32
        %and3A_305 = vector.broadcast %and3A_304 : i32 to vector<16xi32>
        %and3A_306 = arith.andi %and3A_283, %and3A_305 : vector<16xi32>
        %add3A_307 = arith.constant 1024 : i32
        %add3A_308 = arith.addi %add3A_307, %multiple_of3A : i32
        %swap3A_309 = arith.index_cast %add3A_308 : i32 to index
        %swap3A_310 = tpu.vector_load %arg15[%swap3A_309] {strides = array<i32>} : memref<2048xi32, #tpu.memory_space<vmem>>, vector<16xi32>,
        tpu.vector_store %arg15[%swap3A_309], %and3A_306 {strides = array<i32>} : memref<2048xi32, #tpu.memory_space<vmem>>, vector<16xi32>,
        %add3A_311 = arith.constant 0 : i32
        %add3A_312 = vector.broadcast %add3A_311 : i32 to vector<16xi32>
        %add3A_313 = arith.addi %add3A_303, %add3A_312 : vector<16xi32>
        %add3A_314 = arith.constant 4096 : i32
        %add3A_315 = arith.addi %add3A_314, %multiple_of3A : i32
        %swap3A_316 = arith.index_cast %add3A_315 : i32 to index
        %swap3A_317 = tpu.vector_load %arg14[%swap3A_316] {strides = array<i32>} : memref<8192xi32, #tpu.memory_space<vmem>>, vector<16xi32>,
        tpu.vector_store %arg14[%swap3A_316], %add3A_313 {strides = array<i32>} : memref<8192xi32, #tpu.memory_space<vmem>>, vector<16xi32>,
        %add3A_318 = arith.constant 16 : i32
        %add3A_319 = vector.broadcast %add3A_318 : i32 to vector<16xi32>
        %add3A_320 = arith.addi %add3A_303, %add3A_319 : vector<16xi32>
        %add3A_321 = arith.constant 4352 : i32
        %add3A_322 = arith.addi %add3A_321, %multiple_of3A : i32
        %swap3A_323 = arith.index_cast %add3A_322 : i32 to index
        %swap3A_324 = tpu.vector_load %arg14[%swap3A_323] {strides = array<i32>} : memref<8192xi32, #tpu.memory_space<vmem>>, vector<16xi32>,
        tpu.vector_store %arg14[%swap3A_323], %add3A_320 {strides = array<i32>} : memref<8192xi32, #tpu.memory_space<vmem>>, vector<16xi32>,
        %add3A_325 = arith.constant 32 : i32
        %add3A_326 = vector.broadcast %add3A_325 : i32 to vector<16xi32>
        %add3A_327 = arith.addi %add3A_303, %add3A_326 : vector<16xi32>
        %add3A_328 = arith.constant 4608 : i32
        %add3A_329 = arith.addi %add3A_328, %multiple_of3A : i32
        %swap3A_330 = arith.index_cast %add3A_329 : i32 to index
        %swap3A_331 = tpu.vector_load %arg14[%swap3A_330] {strides = array<i32>} : memref<8192xi32, #tpu.memory_space<vmem>>, vector<16xi32>,
        tpu.vector_store %arg14[%swap3A_330], %add3A_327 {strides = array<i32>} : memref<8192xi32, #tpu.memory_space<vmem>>, vector<16xi32>,
        %add3A_332 = arith.constant 48 : i32
        %add3A_333 = vector.broadcast %add3A_332 : i32 to vector<16xi32>
        %add3A_334 = arith.addi %add3A_303, %add3A_333 : vector<16xi32>
        %add3A_335 = arith.constant 4864 : i32
        %add3A_336 = arith.addi %add3A_335, %multiple_of3A : i32
        %swap3A_337 = arith.index_cast %add3A_336 : i32 to index
        %swap3A_338 = tpu.vector_load %arg14[%swap3A_337] {strides = array<i32>} : memref<8192xi32, #tpu.memory_space<vmem>>, vector<16xi32>,
        tpu.vector_store %arg14[%swap3A_337], %add3A_334 {strides = array<i32>} : memref<8192xi32, #tpu.memory_space<vmem>>, vector<16xi32>,
        %shift_right_arithmetic3A_339 = arith.constant 7 : i32
        %shift_right_arithmetic3A_340 = vector.broadcast %shift_right_arithmetic3A_339 : i32 to vector<16xi32>
        %shift_right_arithmetic3A_341 = arith.shrsi %and3A_286, %shift_right_arithmetic3A_340 : vector<16xi32>
        %shift_left3A_342 = arith.constant 6 : i32
        %shift_left3A_343 = vector.broadcast %shift_left3A_342 : i32 to vector<16xi32>
        %shift_left3A_344 = arith.shli %shift_right_arithmetic3A_341, %shift_left3A_343 : vector<16xi32>
        %shift_right_arithmetic3A_345 = arith.constant 3 : i32
        %shift_right_arithmetic3A_346 = vector.broadcast %shift_right_arithmetic3A_345 : i32 to vector<16xi32>
        %shift_right_arithmetic3A_347 = arith.shrsi %and3A_286, %shift_right_arithmetic3A_346 : vector<16xi32>
        %and3A_348 = arith.constant 15 : i32
        %and3A_349 = vector.broadcast %and3A_348 : i32 to vector<16xi32>
        %and3A_350 = arith.andi %shift_right_arithmetic3A_347, %and3A_349 : vector<16xi32>
        %add3A_351 = arith.addi %shift_left3A_344, %and3A_350 : vector<16xi32>
        %and3A_352 = arith.constant 7 : i32
        %and3A_353 = vector.broadcast %and3A_352 : i32 to vector<16xi32>
        %and3A_354 = arith.andi %and3A_286, %and3A_353 : vector<16xi32>
        %add3A_355 = arith.constant 1280 : i32
        %add3A_356 = arith.addi %add3A_355, %multiple_of3A : i32
        %swap3A_357 = arith.index_cast %add3A_356 : i32 to index
        %swap3A_358 = tpu.vector_load %arg15[%swap3A_357] {strides = array<i32>} : memref<2048xi32, #tpu.memory_space<vmem>>, vector<16xi32>,
        tpu.vector_store %arg15[%swap3A_357], %and3A_354 {strides = array<i32>} : memref<2048xi32, #tpu.memory_space<vmem>>, vector<16xi32>,
        %add3A_359 = arith.constant 0 : i32
        %add3A_360 = vector.broadcast %add3A_359 : i32 to vector<16xi32>
        %add3A_361 = arith.addi %add3A_351, %add3A_360 : vector<16xi32>
        %add3A_362 = arith.constant 5120 : i32
        %add3A_363 = arith.addi %add3A_362, %multiple_of3A : i32
        %swap3A_364 = arith.index_cast %add3A_363 : i32 to index
        %swap3A_365 = tpu.vector_load %arg14[%swap3A_364] {strides = array<i32>} : memref<8192xi32, #tpu.memory_space<vmem>>, vector<16xi32>,
        tpu.vector_store %arg14[%swap3A_364], %add3A_361 {strides = array<i32>} : memref<8192xi32, #tpu.memory_space<vmem>>, vector<16xi32>,
        %add3A_366 = arith.constant 16 : i32
        %add3A_367 = vector.broadcast %add3A_366 : i32 to vector<16xi32>
        %add3A_368 = arith.addi %add3A_351, %add3A_367 : vector<16xi32>
        %add3A_369 = arith.constant 5376 : i32
        %add3A_370 = arith.addi %add3A_369, %multiple_of3A : i32
        %swap3A_371 = arith.index_cast %add3A_370 : i32 to index
        %swap3A_372 = tpu.vector_load %arg14[%swap3A_371] {strides = array<i32>} : memref<8192xi32, #tpu.memory_space<vmem>>, vector<16xi32>,
        tpu.vector_store %arg14[%swap3A_371], %add3A_368 {strides = array<i32>} : memref<8192xi32, #tpu.memory_space<vmem>>, vector<16xi32>,
        %add3A_373 = arith.constant 32 : i32
        %add3A_374 = vector.broadcast %add3A_373 : i32 to vector<16xi32>
        %add3A_375 = arith.addi %add3A_351, %add3A_374 : vector<16xi32>
        %add3A_376 = arith.constant 5632 : i32
        %add3A_377 = arith.addi %add3A_376, %multiple_of3A : i32
        %swap3A_378 = arith.index_cast %add3A_377 : i32 to index
        %swap3A_379 = tpu.vector_load %arg14[%swap3A_378] {strides = array<i32>} : memref<8192xi32, #tpu.memory_space<vmem>>, vector<16xi32>,
        tpu.vector_store %arg14[%swap3A_378], %add3A_375 {strides = array<i32>} : memref<8192xi32, #tpu.memory_space<vmem>>, vector<16xi32>,
        %add3A_380 = arith.constant 48 : i32
        %add3A_381 = vector.broadcast %add3A_380 : i32 to vector<16xi32>
        %add3A_382 = arith.addi %add3A_351, %add3A_381 : vector<16xi32>
        %add3A_383 = arith.constant 5888 : i32
        %add3A_384 = arith.addi %add3A_383, %multiple_of3A : i32
        %swap3A_385 = arith.index_cast %add3A_384 : i32 to index
        %swap3A_386 = tpu.vector_load %arg14[%swap3A_385] {strides = array<i32>} : memref<8192xi32, #tpu.memory_space<vmem>>, vector<16xi32>,
        tpu.vector_store %arg14[%swap3A_385], %add3A_382 {strides = array<i32>} : memref<8192xi32, #tpu.memory_space<vmem>>, vector<16xi32>,
        %shift_right_arithmetic3A_387 = arith.constant 7 : i32
        %shift_right_arithmetic3A_388 = vector.broadcast %shift_right_arithmetic3A_387 : i32 to vector<16xi32>
        %shift_right_arithmetic3A_389 = arith.shrsi %and3A_289, %shift_right_arithmetic3A_388 : vector<16xi32>
        %shift_left3A_390 = arith.constant 6 : i32
        %shift_left3A_391 = vector.broadcast %shift_left3A_390 : i32 to vector<16xi32>
        %shift_left3A_392 = arith.shli %shift_right_arithmetic3A_389, %shift_left3A_391 : vector<16xi32>
        %shift_right_arithmetic3A_393 = arith.constant 3 : i32
        %shift_right_arithmetic3A_394 = vector.broadcast %shift_right_arithmetic3A_393 : i32 to vector<16xi32>
        %shift_right_arithmetic3A_395 = arith.shrsi %and3A_289, %shift_right_arithmetic3A_394 : vector<16xi32>
        %and3A_396 = arith.constant 15 : i32
        %and3A_397 = vector.broadcast %and3A_396 : i32 to vector<16xi32>
        %and3A_398 = arith.andi %shift_right_arithmetic3A_395, %and3A_397 : vector<16xi32>
        %add3A_399 = arith.addi %shift_left3A_392, %and3A_398 : vector<16xi32>
        %and3A_400 = arith.constant 7 : i32
        %and3A_401 = vector.broadcast %and3A_400 : i32 to vector<16xi32>
        %and3A_402 = arith.andi %and3A_289, %and3A_401 : vector<16xi32>
        %add3A_403 = arith.constant 1536 : i32
        %add3A_404 = arith.addi %add3A_403, %multiple_of3A : i32
        %swap3A_405 = arith.index_cast %add3A_404 : i32 to index
        %swap3A_406 = tpu.vector_load %arg15[%swap3A_405] {strides = array<i32>} : memref<2048xi32, #tpu.memory_space<vmem>>, vector<16xi32>,
        tpu.vector_store %arg15[%swap3A_405], %and3A_402 {strides = array<i32>} : memref<2048xi32, #tpu.memory_space<vmem>>, vector<16xi32>,
        %add3A_407 = arith.constant 0 : i32
        %add3A_408 = vector.broadcast %add3A_407 : i32 to vector<16xi32>
        %add3A_409 = arith.addi %add3A_399, %add3A_408 : vector<16xi32>
        %add3A_410 = arith.constant 6144 : i32
        %add3A_411 = arith.addi %add3A_410, %multiple_of3A : i32
        %swap3A_412 = arith.index_cast %add3A_411 : i32 to index
        %swap3A_413 = tpu.vector_load %arg14[%swap3A_412] {strides = array<i32>} : memref<8192xi32, #tpu.memory_space<vmem>>, vector<16xi32>,
        tpu.vector_store %arg14[%swap3A_412], %add3A_409 {strides = array<i32>} : memref<8192xi32, #tpu.memory_space<vmem>>, vector<16xi32>,
        %add3A_414 = arith.constant 16 : i32
        %add3A_415 = vector.broadcast %add3A_414 : i32 to vector<16xi32>
        %add3A_416 = arith.addi %add3A_399, %add3A_415 : vector<16xi32>
        %add3A_417 = arith.constant 6400 : i32
        %add3A_418 = arith.addi %add3A_417, %multiple_of3A : i32
        %swap3A_419 = arith.index_cast %add3A_418 : i32 to index
        %swap3A_420 = tpu.vector_load %arg14[%swap3A_419] {strides = array<i32>} : memref<8192xi32, #tpu.memory_space<vmem>>, vector<16xi32>,
        tpu.vector_store %arg14[%swap3A_419], %add3A_416 {strides = array<i32>} : memref<8192xi32, #tpu.memory_space<vmem>>, vector<16xi32>,
        %add3A_421 = arith.constant 32 : i32
        %add3A_422 = vector.broadcast %add3A_421 : i32 to vector<16xi32>
        %add3A_423 = arith.addi %add3A_399, %add3A_422 : vector<16xi32>
        %add3A_424 = arith.constant 6656 : i32
        %add3A_425 = arith.addi %add3A_424, %multiple_of3A : i32
        %swap3A_426 = arith.index_cast %add3A_425 : i32 to index
        %swap3A_427 = tpu.vector_load %arg14[%swap3A_426] {strides = array<i32>} : memref<8192xi32, #tpu.memory_space<vmem>>, vector<16xi32>,
        tpu.vector_store %arg14[%swap3A_426], %add3A_423 {strides = array<i32>} : memref<8192xi32, #tpu.memory_space<vmem>>, vector<16xi32>,
        %add3A_428 = arith.constant 48 : i32
        %add3A_429 = vector.broadcast %add3A_428 : i32 to vector<16xi32>
        %add3A_430 = arith.addi %add3A_399, %add3A_429 : vector<16xi32>
        %add3A_431 = arith.constant 6912 : i32
        %add3A_432 = arith.addi %add3A_431, %multiple_of3A : i32
        %swap3A_433 = arith.index_cast %add3A_432 : i32 to index
        %swap3A_434 = tpu.vector_load %arg14[%swap3A_433] {strides = array<i32>} : memref<8192xi32, #tpu.memory_space<vmem>>, vector<16xi32>,
        tpu.vector_store %arg14[%swap3A_433], %add3A_430 {strides = array<i32>} : memref<8192xi32, #tpu.memory_space<vmem>>, vector<16xi32>,
        %shift_right_arithmetic3A_435 = arith.constant 7 : i32
        %shift_right_arithmetic3A_436 = vector.broadcast %shift_right_arithmetic3A_435 : i32 to vector<16xi32>
        %shift_right_arithmetic3A_437 = arith.shrsi %and3A_292, %shift_right_arithmetic3A_436 : vector<16xi32>
        %shift_left3A_438 = arith.constant 6 : i32
        %shift_left3A_439 = vector.broadcast %shift_left3A_438 : i32 to vector<16xi32>
        %shift_left3A_440 = arith.shli %shift_right_arithmetic3A_437, %shift_left3A_439 : vector<16xi32>
        %shift_right_arithmetic3A_441 = arith.constant 3 : i32
        %shift_right_arithmetic3A_442 = vector.broadcast %shift_right_arithmetic3A_441 : i32 to vector<16xi32>
        %shift_right_arithmetic3A_443 = arith.shrsi %and3A_292, %shift_right_arithmetic3A_442 : vector<16xi32>
        %and3A_444 = arith.constant 15 : i32
        %and3A_445 = vector.broadcast %and3A_444 : i32 to vector<16xi32>
        %and3A_446 = arith.andi %shift_right_arithmetic3A_443, %and3A_445 : vector<16xi32>
        %add3A_447 = arith.addi %shift_left3A_440, %and3A_446 : vector<16xi32>
        %and3A_448 = arith.constant 7 : i32
        %and3A_449 = vector.broadcast %and3A_448 : i32 to vector<16xi32>
        %and3A_450 = arith.andi %and3A_292, %and3A_449 : vector<16xi32>
        %add3A_451 = arith.constant 1792 : i32
        %add3A_452 = arith.addi %add3A_451, %multiple_of3A : i32
        %swap3A_453 = arith.index_cast %add3A_452 : i32 to index
        %swap3A_454 = tpu.vector_load %arg15[%swap3A_453] {strides = array<i32>} : memref<2048xi32, #tpu.memory_space<vmem>>, vector<16xi32>,
        tpu.vector_store %arg15[%swap3A_453], %and3A_450 {strides = array<i32>} : memref<2048xi32, #tpu.memory_space<vmem>>, vector<16xi32>,
        %add3A_455 = arith.constant 0 : i32
        %add3A_456 = vector.broadcast %add3A_455 : i32 to vector<16xi32>
        %add3A_457 = arith.addi %add3A_447, %add3A_456 : vector<16xi32>
        %add3A_458 = arith.constant 7168 : i32
        %add3A_459 = arith.addi %add3A_458, %multiple_of3A : i32
        %swap3A_460 = arith.index_cast %add3A_459 : i32 to index
        %swap3A_461 = tpu.vector_load %arg14[%swap3A_460] {strides = array<i32>} : memref<8192xi32, #tpu.memory_space<vmem>>, vector<16xi32>,
        tpu.vector_store %arg14[%swap3A_460], %add3A_457 {strides = array<i32>} : memref<8192xi32, #tpu.memory_space<vmem>>, vector<16xi32>,
        %add3A_462 = arith.constant 16 : i32
        %add3A_463 = vector.broadcast %add3A_462 : i32 to vector<16xi32>
        %add3A_464 = arith.addi %add3A_447, %add3A_463 : vector<16xi32>
        %add3A_465 = arith.constant 7424 : i32
        %add3A_466 = arith.addi %add3A_465, %multiple_of3A : i32
        %swap3A_467 = arith.index_cast %add3A_466 : i32 to index
        %swap3A_468 = tpu.vector_load %arg14[%swap3A_467] {strides = array<i32>} : memref<8192xi32, #tpu.memory_space<vmem>>, vector<16xi32>,
        tpu.vector_store %arg14[%swap3A_467], %add3A_464 {strides = array<i32>} : memref<8192xi32, #tpu.memory_space<vmem>>, vector<16xi32>,
        %add3A_469 = arith.constant 32 : i32
        %add3A_470 = vector.broadcast %add3A_469 : i32 to vector<16xi32>
        %add3A_471 = arith.addi %add3A_447, %add3A_470 : vector<16xi32>
        %add3A_472 = arith.constant 7680 : i32
        %add3A_473 = arith.addi %add3A_472, %multiple_of3A : i32
        %swap3A_474 = arith.index_cast %add3A_473 : i32 to index
        %swap3A_475 = tpu.vector_load %arg14[%swap3A_474] {strides = array<i32>} : memref<8192xi32, #tpu.memory_space<vmem>>, vector<16xi32>,
        tpu.vector_store %arg14[%swap3A_474], %add3A_471 {strides = array<i32>} : memref<8192xi32, #tpu.memory_space<vmem>>, vector<16xi32>,
        %add3A_476 = arith.constant 48 : i32
        %add3A_477 = vector.broadcast %add3A_476 : i32 to vector<16xi32>
        %add3A_478 = arith.addi %add3A_447, %add3A_477 : vector<16xi32>
        %add3A_479 = arith.constant 7936 : i32
        %add3A_480 = arith.addi %add3A_479, %multiple_of3A : i32
        %swap3A_481 = arith.index_cast %add3A_480 : i32 to index
        %swap3A_482 = tpu.vector_load %arg14[%swap3A_481] {strides = array<i32>} : memref<8192xi32, #tpu.memory_space<vmem>>, vector<16xi32>,
        tpu.vector_store %arg14[%swap3A_481], %add3A_478 {strides = array<i32>} : memref<8192xi32, #tpu.memory_space<vmem>>, vector<16xi32>,
      }
      %scan3A_82 = arith.constant 16 : i32
      %dma_start3A_83 = arith.constant 4096 : i32
      %dma_start3A_84 = arith.constant 0 : i32
      %dma_start3A_85 = tpu.memref_slice %arg16[%dma_start3A_83, %dma_start3A_84] : memref<8192x8xf32, #tpu.memory_space<vmem>> -> memref<2048x8xf32, #tpu.memory_space<vmem>>
      %dma_start3A_86 = arith.constant 4096 : i32
      %dma_start3A_87 = tpu.memref_slice %arg14[%dma_start3A_86] : memref<8192xi32, #tpu.memory_space<vmem>> -> memref<2048xi32, #tpu.memory_space<vmem>>
      %dma_start3A_88 = arith.constant 0 : i32
      %dma_start3A_89 = arith.constant 0 : i32
      %dma_start3A_90 = tpu.memref_slice %arg5[%dma_start3A_88, %dma_start3A_89] : memref<1048576x8xf32, #tpu.memory_space<hbm>> -> memref<1048576x8xf32, #tpu.memory_space<hbm>>
      tpu.enqueue_indirect_dma source(%dma_start3A_90 : memref<1048576x8xf32, #tpu.memory_space<hbm>>) target(%dma_start3A_85 : memref<2048x8xf32, #tpu.memory_space<vmem>>) offsets(%dma_start3A_87 : memref<2048xi32, #tpu.memory_space<vmem>>) semaphore(%arg20 : memref<!tpu.dma_semaphore, #tpu.memory_space<semaphore_mem>>)
      %dma_start3A_91 = arith.constant 6144 : i32
      %dma_start3A_92 = arith.constant 0 : i32
      %dma_start3A_93 = tpu.memref_slice %arg16[%dma_start3A_91, %dma_start3A_92] : memref<8192x8xf32, #tpu.memory_space<vmem>> -> memref<2048x8xf32, #tpu.memory_space<vmem>>
      %dma_start3A_94 = arith.constant 6144 : i32
      %dma_start3A_95 = tpu.memref_slice %arg14[%dma_start3A_94] : memref<8192xi32, #tpu.memory_space<vmem>> -> memref<2048xi32, #tpu.memory_space<vmem>>
      %dma_start3A_96 = arith.constant 0 : i32
      %dma_start3A_97 = arith.constant 0 : i32
      %dma_start3A_98 = tpu.memref_slice %arg5[%dma_start3A_96, %dma_start3A_97] : memref<1048576x8xf32, #tpu.memory_space<hbm>> -> memref<1048576x8xf32, #tpu.memory_space<hbm>>
      tpu.enqueue_indirect_dma source(%dma_start3A_98 : memref<1048576x8xf32, #tpu.memory_space<hbm>>) target(%dma_start3A_93 : memref<2048x8xf32, #tpu.memory_space<vmem>>) offsets(%dma_start3A_95 : memref<2048xi32, #tpu.memory_space<vmem>>) semaphore(%arg20 : memref<!tpu.dma_semaphore, #tpu.memory_space<semaphore_mem>>)
      %dma_wait3A_99 = arith.constant 0 : i32
      %dma_wait3A_100 = arith.constant 0 : i32
      %dma_wait3A_101 = tpu.memref_slice %arg16[%dma_wait3A_99, %dma_wait3A_100] : memref<8192x8xf32, #tpu.memory_space<vmem>> -> memref<2048x8xf32, #tpu.memory_space<vmem>>
      %dma_wait3A_102 = arith.constant 0 : i32
      %dma_wait3A_103 = tpu.memref_slice %arg14[%dma_wait3A_102] : memref<8192xi32, #tpu.memory_space<vmem>> -> memref<2048xi32, #tpu.memory_space<vmem>>
      %dma_wait3A_104 = arith.constant 0 : i32
      %dma_wait3A_105 = arith.constant 0 : i32
      %dma_wait3A_106 = tpu.memref_slice %arg4[%dma_wait3A_104, %dma_wait3A_105] : memref<1048576x8xf32, #tpu.memory_space<hbm>> -> memref<1048576x8xf32, #tpu.memory_space<hbm>>
      tpu.wait_indirect_dma semaphore(%arg19 : memref<!tpu.dma_semaphore, #tpu.memory_space<semaphore_mem>>) src(%dma_wait3A_106 : memref<1048576x8xf32, #tpu.memory_space<hbm>>) dst(%dma_wait3A_101 : memref<2048x8xf32, #tpu.memory_space<vmem>>)
      %dma_wait3A_107 = arith.constant 2048 : i32
      %dma_wait3A_108 = arith.constant 0 : i32
      %dma_wait3A_109 = tpu.memref_slice %arg16[%dma_wait3A_107, %dma_wait3A_108] : memref<8192x8xf32, #tpu.memory_space<vmem>> -> memref<2048x8xf32, #tpu.memory_space<vmem>>
      %dma_wait3A_110 = arith.constant 2048 : i32
      %dma_wait3A_111 = tpu.memref_slice %arg14[%dma_wait3A_110] : memref<8192xi32, #tpu.memory_space<vmem>> -> memref<2048xi32, #tpu.memory_space<vmem>>
      %dma_wait3A_112 = arith.constant 0 : i32
      %dma_wait3A_113 = arith.constant 0 : i32
      %dma_wait3A_114 = tpu.memref_slice %arg4[%dma_wait3A_112, %dma_wait3A_113] : memref<1048576x8xf32, #tpu.memory_space<hbm>> -> memref<1048576x8xf32, #tpu.memory_space<hbm>>
      tpu.wait_indirect_dma semaphore(%arg19 : memref<!tpu.dma_semaphore, #tpu.memory_space<semaphore_mem>>) src(%dma_wait3A_114 : memref<1048576x8xf32, #tpu.memory_space<hbm>>) dst(%dma_wait3A_109 : memref<2048x8xf32, #tpu.memory_space<vmem>>)
      %get3A = arith.constant 0 : index
      %get3A_115 = tpu.vector_load %arg18[%get3A] {strides = array<i32>} : memref<64xf32, #tpu.memory_space<vmem>>, vector<16xf32>,
      %scan3A_116 = arith.constant 0 : i32
      %scan3A_117 = arith.constant 16 : i32
      %scan3A_118 = arith.addi %scan3A_116, %scan3A_117 : i32
      %scan3A_119 = arith.constant 1 : i32
      scf.for %scan3A_244 = %scan3A_116 to %scan3A_118 step %scan3A_119  : i32 {
        %mul3A_245 = arith.constant 16 : i32
        %mul3A_246 = arith.muli %scan3A_244, %mul3A_245 : i32
        %multiple_of3A = tpu.assume_multiple %mul3A_246, 16 : i32
        %add3A_247 = vector.broadcast %multiple_of3A : i32 to vector<16xi32>
        %add3A_248 = arith.addi %iota3A, %add3A_247 : vector<16xi32>
        %add3A_249 = arith.constant 0 : i32
        %add3A_250 = arith.addi %add3A_249, %multiple_of3A : i32
        %get3A_251 = arith.index_cast %add3A_250 : i32 to index
        %get3A_252 = tpu.vector_load %arg12[%get3A_251] {strides = array<i32>} : memref<512xf32, #tpu.memory_space<vmem>>, vector<16xf32>,
        %add3A_253 = arith.constant 0 : i32
        %add3A_254 = arith.addi %add3A_253, %multiple_of3A : i32
        %get3A_255 = arith.index_cast %add3A_254 : i32 to index
        %get3A_256 = tpu.vector_load %arg13[%get3A_255] {strides = array<i32>} : memref<512xf32, #tpu.memory_space<vmem>>, vector<16xf32>,
        %sub3A = arith.constant 1.000000e+00 : f32
        %sub3A_257 = vector.broadcast %sub3A : f32 to vector<16xf32>
        %sub3A_258 = arith.subf %sub3A_257, %get3A_252 : vector<16xf32>
        %sub3A_259 = arith.constant 1.000000e+00 : f32
        %sub3A_260 = vector.broadcast %sub3A_259 : f32 to vector<16xf32>
        %sub3A_261 = arith.subf %sub3A_260, %get3A_256 : vector<16xf32>
        %mul3A_262 = arith.mulf %sub3A_258, %sub3A_261 : vector<16xf32>
        %mul3A_263 = arith.mulf %get3A_252, %sub3A_261 : vector<16xf32>
        %mul3A_264 = arith.mulf %sub3A_258, %get3A_256 : vector<16xf32>
        %mul3A_265 = arith.mulf %get3A_252, %get3A_256 : vector<16xf32>
        %add3A_266 = arith.constant 0 : i32
        %add3A_267 = arith.addi %add3A_266, %multiple_of3A : i32
        %get3A_268 = arith.index_cast %add3A_267 : i32 to index
        %get3A_269 = tpu.vector_load %arg15[%get3A_268] {strides = array<i32>} : memref<2048xi32, #tpu.memory_space<vmem>>, vector<16xi32>,
        %add3A_270 = arith.constant 256 : i32
        %add3A_271 = arith.addi %add3A_270, %multiple_of3A : i32
        %get3A_272 = arith.index_cast %add3A_271 : i32 to index
        %get3A_273 = tpu.vector_load %arg15[%get3A_272] {strides = array<i32>} : memref<2048xi32, #tpu.memory_space<vmem>>, vector<16xi32>,
        %add3A_274 = arith.constant 512 : i32
        %add3A_275 = arith.addi %add3A_274, %multiple_of3A : i32
        %get3A_276 = arith.index_cast %add3A_275 : i32 to index
        %get3A_277 = tpu.vector_load %arg15[%get3A_276] {strides = array<i32>} : memref<2048xi32, #tpu.memory_space<vmem>>, vector<16xi32>,
        %add3A_278 = arith.constant 768 : i32
        %add3A_279 = arith.addi %add3A_278, %multiple_of3A : i32
        %get3A_280 = arith.index_cast %add3A_279 : i32 to index
        %get3A_281 = tpu.vector_load %arg15[%get3A_280] {strides = array<i32>} : memref<2048xi32, #tpu.memory_space<vmem>>, vector<16xi32>,
        %add3A_282 = arith.constant 0 : i32
        %add3A_283 = vector.broadcast %add3A_282 : i32 to vector<16xi32>
        %add3A_284 = arith.addi %add3A_248, %add3A_283 : vector<16xi32>
        %gather3A = tpu.vector_load_idx %arg16[%add3A_284, %get3A_269] : memref<8192x8xf32, #tpu.memory_space<vmem>>[vector<16xi32>, vector<16xi32>], vector<16xf32>,
        %mul3A_285 = arith.mulf %mul3A_262, %gather3A : vector<16xf32>
        %add3A_286 = arith.constant 1024 : i32
        %add3A_287 = vector.broadcast %add3A_286 : i32 to vector<16xi32>
        %add3A_288 = arith.addi %add3A_248, %add3A_287 : vector<16xi32>
        %gather3A_289 = tpu.vector_load_idx %arg16[%add3A_288, %get3A_273] : memref<8192x8xf32, #tpu.memory_space<vmem>>[vector<16xi32>, vector<16xi32>], vector<16xf32>,
        %mul3A_290 = arith.mulf %mul3A_263, %gather3A_289 : vector<16xf32>
        %add3A_291 = arith.addf %mul3A_285, %mul3A_290 : vector<16xf32>
        %add3A_292 = arith.constant 2048 : i32
        %add3A_293 = vector.broadcast %add3A_292 : i32 to vector<16xi32>
        %add3A_294 = arith.addi %add3A_248, %add3A_293 : vector<16xi32>
        %gather3A_295 = tpu.vector_load_idx %arg16[%add3A_294, %get3A_277] : memref<8192x8xf32, #tpu.memory_space<vmem>>[vector<16xi32>, vector<16xi32>], vector<16xf32>,
        %mul3A_296 = arith.mulf %mul3A_264, %gather3A_295 : vector<16xf32>
        %add3A_297 = arith.addf %add3A_291, %mul3A_296 : vector<16xf32>
        %add3A_298 = arith.constant 3072 : i32
        %add3A_299 = vector.broadcast %add3A_298 : i32 to vector<16xi32>
        %add3A_300 = arith.addi %add3A_248, %add3A_299 : vector<16xi32>
        %gather3A_301 = tpu.vector_load_idx %arg16[%add3A_300, %get3A_281] : memref<8192x8xf32, #tpu.memory_space<vmem>>[vector<16xi32>, vector<16xi32>], vector<16xf32>,
        %mul3A_302 = arith.mulf %mul3A_265, %gather3A_301 : vector<16xf32>
        %add3A_303 = arith.addf %add3A_297, %mul3A_302 : vector<16xf32>
        %add3A_304 = arith.constant 256 : i32
        %add3A_305 = vector.broadcast %add3A_304 : i32 to vector<16xi32>
        %add3A_306 = arith.addi %add3A_248, %add3A_305 : vector<16xi32>
        %gather3A_307 = tpu.vector_load_idx %arg16[%add3A_306, %get3A_269] : memref<8192x8xf32, #tpu.memory_space<vmem>>[vector<16xi32>, vector<16xi32>], vector<16xf32>,
        %mul3A_308 = arith.mulf %mul3A_262, %gather3A_307 : vector<16xf32>
        %add3A_309 = arith.constant 1280 : i32
        %add3A_310 = vector.broadcast %add3A_309 : i32 to vector<16xi32>
        %add3A_311 = arith.addi %add3A_248, %add3A_310 : vector<16xi32>
        %gather3A_312 = tpu.vector_load_idx %arg16[%add3A_311, %get3A_273] : memref<8192x8xf32, #tpu.memory_space<vmem>>[vector<16xi32>, vector<16xi32>], vector<16xf32>,
        %mul3A_313 = arith.mulf %mul3A_263, %gather3A_312 : vector<16xf32>
        %add3A_314 = arith.addf %mul3A_308, %mul3A_313 : vector<16xf32>
        %add3A_315 = arith.constant 2304 : i32
        %add3A_316 = vector.broadcast %add3A_315 : i32 to vector<16xi32>
        %add3A_317 = arith.addi %add3A_248, %add3A_316 : vector<16xi32>
        %gather3A_318 = tpu.vector_load_idx %arg16[%add3A_317, %get3A_277] : memref<8192x8xf32, #tpu.memory_space<vmem>>[vector<16xi32>, vector<16xi32>], vector<16xf32>,
        %mul3A_319 = arith.mulf %mul3A_264, %gather3A_318 : vector<16xf32>
        %add3A_320 = arith.addf %add3A_314, %mul3A_319 : vector<16xf32>
        %add3A_321 = arith.constant 3328 : i32
        %add3A_322 = vector.broadcast %add3A_321 : i32 to vector<16xi32>
        %add3A_323 = arith.addi %add3A_248, %add3A_322 : vector<16xi32>
        %gather3A_324 = tpu.vector_load_idx %arg16[%add3A_323, %get3A_281] : memref<8192x8xf32, #tpu.memory_space<vmem>>[vector<16xi32>, vector<16xi32>], vector<16xf32>,
        %mul3A_325 = arith.mulf %mul3A_265, %gather3A_324 : vector<16xf32>
        %add3A_326 = arith.addf %add3A_320, %mul3A_325 : vector<16xf32>
        %add3A_327 = arith.constant 512 : i32
        %add3A_328 = vector.broadcast %add3A_327 : i32 to vector<16xi32>
        %add3A_329 = arith.addi %add3A_248, %add3A_328 : vector<16xi32>
        %gather3A_330 = tpu.vector_load_idx %arg16[%add3A_329, %get3A_269] : memref<8192x8xf32, #tpu.memory_space<vmem>>[vector<16xi32>, vector<16xi32>], vector<16xf32>,
        %mul3A_331 = arith.mulf %mul3A_262, %gather3A_330 : vector<16xf32>
        %add3A_332 = arith.constant 1536 : i32
        %add3A_333 = vector.broadcast %add3A_332 : i32 to vector<16xi32>
        %add3A_334 = arith.addi %add3A_248, %add3A_333 : vector<16xi32>
        %gather3A_335 = tpu.vector_load_idx %arg16[%add3A_334, %get3A_273] : memref<8192x8xf32, #tpu.memory_space<vmem>>[vector<16xi32>, vector<16xi32>], vector<16xf32>,
        %mul3A_336 = arith.mulf %mul3A_263, %gather3A_335 : vector<16xf32>
        %add3A_337 = arith.addf %mul3A_331, %mul3A_336 : vector<16xf32>
        %add3A_338 = arith.constant 2560 : i32
        %add3A_339 = vector.broadcast %add3A_338 : i32 to vector<16xi32>
        %add3A_340 = arith.addi %add3A_248, %add3A_339 : vector<16xi32>
        %gather3A_341 = tpu.vector_load_idx %arg16[%add3A_340, %get3A_277] : memref<8192x8xf32, #tpu.memory_space<vmem>>[vector<16xi32>, vector<16xi32>], vector<16xf32>,
        %mul3A_342 = arith.mulf %mul3A_264, %gather3A_341 : vector<16xf32>
        %add3A_343 = arith.addf %add3A_337, %mul3A_342 : vector<16xf32>
        %add3A_344 = arith.constant 3584 : i32
        %add3A_345 = vector.broadcast %add3A_344 : i32 to vector<16xi32>
        %add3A_346 = arith.addi %add3A_248, %add3A_345 : vector<16xi32>
        %gather3A_347 = tpu.vector_load_idx %arg16[%add3A_346, %get3A_281] : memref<8192x8xf32, #tpu.memory_space<vmem>>[vector<16xi32>, vector<16xi32>], vector<16xf32>,
        %mul3A_348 = arith.mulf %mul3A_265, %gather3A_347 : vector<16xf32>
        %add3A_349 = arith.addf %add3A_343, %mul3A_348 : vector<16xf32>
        %add3A_350 = arith.constant 768 : i32
        %add3A_351 = vector.broadcast %add3A_350 : i32 to vector<16xi32>
        %add3A_352 = arith.addi %add3A_248, %add3A_351 : vector<16xi32>
        %gather3A_353 = tpu.vector_load_idx %arg16[%add3A_352, %get3A_269] : memref<8192x8xf32, #tpu.memory_space<vmem>>[vector<16xi32>, vector<16xi32>], vector<16xf32>,
        %mul3A_354 = arith.mulf %mul3A_262, %gather3A_353 : vector<16xf32>
        %add3A_355 = arith.constant 1792 : i32
        %add3A_356 = vector.broadcast %add3A_355 : i32 to vector<16xi32>
        %add3A_357 = arith.addi %add3A_248, %add3A_356 : vector<16xi32>
        %gather3A_358 = tpu.vector_load_idx %arg16[%add3A_357, %get3A_273] : memref<8192x8xf32, #tpu.memory_space<vmem>>[vector<16xi32>, vector<16xi32>], vector<16xf32>,
        %mul3A_359 = arith.mulf %mul3A_263, %gather3A_358 : vector<16xf32>
        %add3A_360 = arith.addf %mul3A_354, %mul3A_359 : vector<16xf32>
        %add3A_361 = arith.constant 2816 : i32
        %add3A_362 = vector.broadcast %add3A_361 : i32 to vector<16xi32>
        %add3A_363 = arith.addi %add3A_248, %add3A_362 : vector<16xi32>
        %gather3A_364 = tpu.vector_load_idx %arg16[%add3A_363, %get3A_277] : memref<8192x8xf32, #tpu.memory_space<vmem>>[vector<16xi32>, vector<16xi32>], vector<16xf32>,
        %mul3A_365 = arith.mulf %mul3A_264, %gather3A_364 : vector<16xf32>
        %add3A_366 = arith.addf %add3A_360, %mul3A_365 : vector<16xf32>
        %add3A_367 = arith.constant 3840 : i32
        %add3A_368 = vector.broadcast %add3A_367 : i32 to vector<16xi32>
        %add3A_369 = arith.addi %add3A_248, %add3A_368 : vector<16xi32>
        %gather3A_370 = tpu.vector_load_idx %arg16[%add3A_369, %get3A_281] : memref<8192x8xf32, #tpu.memory_space<vmem>>[vector<16xi32>, vector<16xi32>], vector<16xf32>,
        %mul3A_371 = arith.mulf %mul3A_265, %gather3A_370 : vector<16xf32>
        %add3A_372 = arith.addf %add3A_366, %mul3A_371 : vector<16xf32>
        %add3A_373 = arith.addf %add3A_303, %add3A_326 : vector<16xf32>
        %add3A_374 = arith.addf %add3A_373, %add3A_349 : vector<16xf32>
        %add3A_375 = arith.addf %add3A_374, %add3A_372 : vector<16xf32>
        %mul3A_376 = arith.constant 2.500000e-01 : f32
        %mul3A_377 = vector.broadcast %mul3A_376 : f32 to vector<16xf32>
        %mul3A_378 = arith.mulf %add3A_375, %mul3A_377 : vector<16xf32>
        %sub3A_379 = arith.subf %add3A_303, %mul3A_378 : vector<16xf32>
        %sub3A_380 = arith.subf %add3A_326, %mul3A_378 : vector<16xf32>
        %sub3A_381 = arith.subf %add3A_349, %mul3A_378 : vector<16xf32>
        %sub3A_382 = arith.subf %add3A_372, %mul3A_378 : vector<16xf32>
        %mul3A_383 = arith.mulf %sub3A_379, %sub3A_379 : vector<16xf32>
        %mul3A_384 = arith.mulf %sub3A_380, %sub3A_380 : vector<16xf32>
        %add3A_385 = arith.addf %mul3A_383, %mul3A_384 : vector<16xf32>
        %mul3A_386 = arith.mulf %sub3A_381, %sub3A_381 : vector<16xf32>
        %add3A_387 = arith.addf %add3A_385, %mul3A_386 : vector<16xf32>
        %mul3A_388 = arith.mulf %sub3A_382, %sub3A_382 : vector<16xf32>
        %add3A_389 = arith.addf %add3A_387, %mul3A_388 : vector<16xf32>
        %mul3A_390 = arith.constant 2.500000e-01 : f32
        %mul3A_391 = vector.broadcast %mul3A_390 : f32 to vector<16xf32>
        %mul3A_392 = arith.mulf %add3A_389, %mul3A_391 : vector<16xf32>
        %add3A_393 = arith.constant 9.99999974E-6 : f32
        %add3A_394 = vector.broadcast %add3A_393 : f32 to vector<16xf32>
        %add3A_395 = arith.addf %mul3A_392, %add3A_394 : vector<16xf32>
        %bitcast3A = vector.bitcast %add3A_395 : vector<16xf32> to vector<16xi32>
        %shift_right_arithmetic3A = arith.constant 1 : i32
        %shift_right_arithmetic3A_396 = vector.broadcast %shift_right_arithmetic3A : i32 to vector<16xi32>
        %shift_right_arithmetic3A_397 = arith.shrsi %bitcast3A, %shift_right_arithmetic3A_396 : vector<16xi32>
        %sub3A_398 = arith.constant 1597463007 : i32
        %sub3A_399 = vector.broadcast %sub3A_398 : i32 to vector<16xi32>
        %sub3A_400 = arith.subi %sub3A_399, %shift_right_arithmetic3A_397 : vector<16xi32>
        %bitcast3A_401 = vector.bitcast %sub3A_400 : vector<16xi32> to vector<16xf32>
        %mul3A_402 = arith.constant 5.000000e-01 : f32
        %mul3A_403 = vector.broadcast %mul3A_402 : f32 to vector<16xf32>
        %mul3A_404 = arith.mulf %add3A_395, %mul3A_403 : vector<16xf32>
        %mul3A_405 = arith.mulf %mul3A_404, %bitcast3A_401 : vector<16xf32>
        %mul3A_406 = arith.mulf %mul3A_405, %bitcast3A_401 : vector<16xf32>
        %sub3A_407 = arith.constant 1.500000e+00 : f32
        %sub3A_408 = vector.broadcast %sub3A_407 : f32 to vector<16xf32>
        %sub3A_409 = arith.subf %sub3A_408, %mul3A_406 : vector<16xf32>
        %mul3A_410 = arith.mulf %bitcast3A_401, %sub3A_409 : vector<16xf32>
        %mul3A_411 = arith.mulf %mul3A_404, %mul3A_410 : vector<16xf32>
        %mul3A_412 = arith.mulf %mul3A_411, %mul3A_410 : vector<16xf32>
        %sub3A_413 = arith.constant 1.500000e+00 : f32
        %sub3A_414 = vector.broadcast %sub3A_413 : f32 to vector<16xf32>
        %sub3A_415 = arith.subf %sub3A_414, %mul3A_412 : vector<16xf32>
        %mul3A_416 = arith.mulf %mul3A_410, %sub3A_415 : vector<16xf32>
        %mul3A_417 = arith.mulf %mul3A_404, %mul3A_416 : vector<16xf32>
        %mul3A_418 = arith.mulf %mul3A_417, %mul3A_416 : vector<16xf32>
        %sub3A_419 = arith.constant 1.500000e+00 : f32
        %sub3A_420 = vector.broadcast %sub3A_419 : f32 to vector<16xf32>
        %sub3A_421 = arith.subf %sub3A_420, %mul3A_418 : vector<16xf32>
        %mul3A_422 = arith.mulf %mul3A_416, %sub3A_421 : vector<16xf32>
        %mul3A_423 = arith.mulf %mul3A_422, %get3A_115 : vector<16xf32>
        %add3A_424 = vector.broadcast %mul3A_49 : i32 to vector<16xi32>
        %add3A_425 = arith.addi %add3A_248, %add3A_424 : vector<16xi32>
        %broadcast_in_dim3A = arith.constant 0 : i32
        %broadcast_in_dim3A_426 = vector.broadcast %broadcast_in_dim3A : i32 to vector<16xi32>
        %mul3A_427 = arith.mulf %sub3A_379, %mul3A_423 : vector<16xf32>
        tpu.vector_store_idx %arg17[%add3A_425, %broadcast_in_dim3A_426], %mul3A_427 : memref<512x16xf32, #tpu.memory_space<vmem>>[vector<16xi32>, vector<16xi32>], vector<16xf32>,
        %broadcast_in_dim3A_428 = arith.constant 1 : i32
        %broadcast_in_dim3A_429 = vector.broadcast %broadcast_in_dim3A_428 : i32 to vector<16xi32>
        %mul3A_430 = arith.mulf %sub3A_380, %mul3A_423 : vector<16xf32>
        tpu.vector_store_idx %arg17[%add3A_425, %broadcast_in_dim3A_429], %mul3A_430 : memref<512x16xf32, #tpu.memory_space<vmem>>[vector<16xi32>, vector<16xi32>], vector<16xf32>,
        %broadcast_in_dim3A_431 = arith.constant 2 : i32
        %broadcast_in_dim3A_432 = vector.broadcast %broadcast_in_dim3A_431 : i32 to vector<16xi32>
        %mul3A_433 = arith.mulf %sub3A_381, %mul3A_423 : vector<16xf32>
        tpu.vector_store_idx %arg17[%add3A_425, %broadcast_in_dim3A_432], %mul3A_433 : memref<512x16xf32, #tpu.memory_space<vmem>>[vector<16xi32>, vector<16xi32>], vector<16xf32>,
        %broadcast_in_dim3A_434 = arith.constant 3 : i32
        %broadcast_in_dim3A_435 = vector.broadcast %broadcast_in_dim3A_434 : i32 to vector<16xi32>
        %mul3A_436 = arith.mulf %sub3A_382, %mul3A_423 : vector<16xf32>
        tpu.vector_store_idx %arg17[%add3A_425, %broadcast_in_dim3A_435], %mul3A_436 : memref<512x16xf32, #tpu.memory_space<vmem>>[vector<16xi32>, vector<16xi32>], vector<16xf32>,
      }
      %scan3A_120 = arith.constant 16 : i32
      %scan3A_121 = arith.constant 6.250000e-02 : f32
      %scan3A_122 = arith.constant 2097151 : i32
      %scan3A_123 = arith.constant 0 : i32
      %scan3A_124 = arith.constant 16 : i32
      %scan3A_125 = arith.addi %scan3A_123, %scan3A_124 : i32
      %scan3A_126 = arith.constant 1 : i32
      scf.for %scan3A_244 = %scan3A_123 to %scan3A_125 step %scan3A_126  : i32 {
        %mul3A_245 = arith.constant 16 : i32
        %mul3A_246 = arith.muli %scan3A_244, %mul3A_245 : i32
        %multiple_of3A = tpu.assume_multiple %mul3A_246, 16 : i32
        %mul3A_247 = arith.constant 256 : i32
        %mul3A_248 = arith.muli %select_n3A_42, %mul3A_247 : i32
        %add3A_249 = arith.addi %mul3A_248, %multiple_of3A : i32
        %get3A_250 = arith.index_cast %add3A_249 : i32 to index
        %get3A_251 = tpu.vector_load %arg10[%get3A_250] {strides = array<i32>} : memref<2048xf32, #tpu.memory_space<vmem>>, vector<16xf32>,
        %mul3A_252 = vector.broadcast %scan3A_121 : f32 to vector<16xf32>
        %mul3A_253 = arith.mulf %get3A_251, %mul3A_252 : vector<16xf32>
        %get3A_254 = arith.index_cast %add3A_249 : i32 to index
        %get3A_255 = tpu.vector_load %arg11[%get3A_254] {strides = array<i32>} : memref<2048xf32, #tpu.memory_space<vmem>>, vector<16xf32>,
        %mul3A_256 = vector.broadcast %scan3A_121 : f32 to vector<16xf32>
        %mul3A_257 = arith.mulf %get3A_255, %mul3A_256 : vector<16xf32>
        %convert_element_type3A_258 = arith.fptosi %mul3A_253 : vector<16xf32> to vector<16xi32>
        %convert_element_type3A_259 = arith.fptosi %mul3A_257 : vector<16xf32> to vector<16xi32>
        %convert_element_type3A_260 = arith.sitofp %convert_element_type3A_258 : vector<16xi32> to vector<16xf32>
        %sub3A = arith.subf %mul3A_253, %convert_element_type3A_260 : vector<16xf32>
        %add3A_261 = arith.constant 0 : i32
        %add3A_262 = arith.addi %add3A_261, %multiple_of3A : i32
        %swap3A = arith.index_cast %add3A_262 : i32 to index
        %swap3A_263 = tpu.vector_load %arg12[%swap3A] {strides = array<i32>} : memref<512xf32, #tpu.memory_space<vmem>>, vector<16xf32>,
        tpu.vector_store %arg12[%swap3A], %sub3A {strides = array<i32>} : memref<512xf32, #tpu.memory_space<vmem>>, vector<16xf32>,
        %convert_element_type3A_264 = arith.sitofp %convert_element_type3A_259 : vector<16xi32> to vector<16xf32>
        %sub3A_265 = arith.subf %mul3A_257, %convert_element_type3A_264 : vector<16xf32>
        %add3A_266 = arith.constant 0 : i32
        %add3A_267 = arith.addi %add3A_266, %multiple_of3A : i32
        %swap3A_268 = arith.index_cast %add3A_267 : i32 to index
        %swap3A_269 = tpu.vector_load %arg13[%swap3A_268] {strides = array<i32>} : memref<512xf32, #tpu.memory_space<vmem>>, vector<16xf32>,
        tpu.vector_store %arg13[%swap3A_268], %sub3A_265 {strides = array<i32>} : memref<512xf32, #tpu.memory_space<vmem>>, vector<16xf32>,
        %mul3A_270 = arith.constant -1640531535 : i32
        %mul3A_271 = vector.broadcast %mul3A_270 : i32 to vector<16xi32>
        %mul3A_272 = arith.muli %convert_element_type3A_259, %mul3A_271 : vector<16xi32>
        %add3A_273 = arith.constant 1 : i32
        %add3A_274 = vector.broadcast %add3A_273 : i32 to vector<16xi32>
        %add3A_275 = arith.addi %convert_element_type3A_259, %add3A_274 : vector<16xi32>
        %mul3A_276 = arith.constant -1640531535 : i32
        %mul3A_277 = vector.broadcast %mul3A_276 : i32 to vector<16xi32>
        %mul3A_278 = arith.muli %add3A_275, %mul3A_277 : vector<16xi32>
        %add3A_279 = arith.constant 1 : i32
        %add3A_280 = vector.broadcast %add3A_279 : i32 to vector<16xi32>
        %add3A_281 = arith.addi %convert_element_type3A_258, %add3A_280 : vector<16xi32>
        %xor3A = arith.xori %convert_element_type3A_258, %mul3A_272 : vector<16xi32>
        %and3A_282 = vector.broadcast %scan3A_122 : i32 to vector<16xi32>
        %and3A_283 = arith.andi %xor3A, %and3A_282 : vector<16xi32>
        %xor3A_284 = arith.xori %add3A_281, %mul3A_272 : vector<16xi32>
        %and3A_285 = vector.broadcast %scan3A_122 : i32 to vector<16xi32>
        %and3A_286 = arith.andi %xor3A_284, %and3A_285 : vector<16xi32>
        %xor3A_287 = arith.xori %convert_element_type3A_258, %mul3A_278 : vector<16xi32>
        %and3A_288 = vector.broadcast %scan3A_122 : i32 to vector<16xi32>
        %and3A_289 = arith.andi %xor3A_287, %and3A_288 : vector<16xi32>
        %xor3A_290 = arith.xori %add3A_281, %mul3A_278 : vector<16xi32>
        %and3A_291 = vector.broadcast %scan3A_122 : i32 to vector<16xi32>
        %and3A_292 = arith.andi %xor3A_290, %and3A_291 : vector<16xi32>
        %shift_right_arithmetic3A = arith.constant 7 : i32
        %shift_right_arithmetic3A_293 = vector.broadcast %shift_right_arithmetic3A : i32 to vector<16xi32>
        %shift_right_arithmetic3A_294 = arith.shrsi %and3A_283, %shift_right_arithmetic3A_293 : vector<16xi32>
        %shift_left3A = arith.constant 6 : i32
        %shift_left3A_295 = vector.broadcast %shift_left3A : i32 to vector<16xi32>
        %shift_left3A_296 = arith.shli %shift_right_arithmetic3A_294, %shift_left3A_295 : vector<16xi32>
        %shift_right_arithmetic3A_297 = arith.constant 3 : i32
        %shift_right_arithmetic3A_298 = vector.broadcast %shift_right_arithmetic3A_297 : i32 to vector<16xi32>
        %shift_right_arithmetic3A_299 = arith.shrsi %and3A_283, %shift_right_arithmetic3A_298 : vector<16xi32>
        %and3A_300 = arith.constant 15 : i32
        %and3A_301 = vector.broadcast %and3A_300 : i32 to vector<16xi32>
        %and3A_302 = arith.andi %shift_right_arithmetic3A_299, %and3A_301 : vector<16xi32>
        %add3A_303 = arith.addi %shift_left3A_296, %and3A_302 : vector<16xi32>
        %and3A_304 = arith.constant 7 : i32
        %and3A_305 = vector.broadcast %and3A_304 : i32 to vector<16xi32>
        %and3A_306 = arith.andi %and3A_283, %and3A_305 : vector<16xi32>
        %add3A_307 = arith.constant 0 : i32
        %add3A_308 = arith.addi %add3A_307, %multiple_of3A : i32
        %swap3A_309 = arith.index_cast %add3A_308 : i32 to index
        %swap3A_310 = tpu.vector_load %arg15[%swap3A_309] {strides = array<i32>} : memref<2048xi32, #tpu.memory_space<vmem>>, vector<16xi32>,
        tpu.vector_store %arg15[%swap3A_309], %and3A_306 {strides = array<i32>} : memref<2048xi32, #tpu.memory_space<vmem>>, vector<16xi32>,
        %add3A_311 = arith.constant 0 : i32
        %add3A_312 = vector.broadcast %add3A_311 : i32 to vector<16xi32>
        %add3A_313 = arith.addi %add3A_303, %add3A_312 : vector<16xi32>
        %add3A_314 = arith.constant 0 : i32
        %add3A_315 = arith.addi %add3A_314, %multiple_of3A : i32
        %swap3A_316 = arith.index_cast %add3A_315 : i32 to index
        %swap3A_317 = tpu.vector_load %arg14[%swap3A_316] {strides = array<i32>} : memref<8192xi32, #tpu.memory_space<vmem>>, vector<16xi32>,
        tpu.vector_store %arg14[%swap3A_316], %add3A_313 {strides = array<i32>} : memref<8192xi32, #tpu.memory_space<vmem>>, vector<16xi32>,
        %add3A_318 = arith.constant 16 : i32
        %add3A_319 = vector.broadcast %add3A_318 : i32 to vector<16xi32>
        %add3A_320 = arith.addi %add3A_303, %add3A_319 : vector<16xi32>
        %add3A_321 = arith.constant 256 : i32
        %add3A_322 = arith.addi %add3A_321, %multiple_of3A : i32
        %swap3A_323 = arith.index_cast %add3A_322 : i32 to index
        %swap3A_324 = tpu.vector_load %arg14[%swap3A_323] {strides = array<i32>} : memref<8192xi32, #tpu.memory_space<vmem>>, vector<16xi32>,
        tpu.vector_store %arg14[%swap3A_323], %add3A_320 {strides = array<i32>} : memref<8192xi32, #tpu.memory_space<vmem>>, vector<16xi32>,
        %add3A_325 = arith.constant 32 : i32
        %add3A_326 = vector.broadcast %add3A_325 : i32 to vector<16xi32>
        %add3A_327 = arith.addi %add3A_303, %add3A_326 : vector<16xi32>
        %add3A_328 = arith.constant 512 : i32
        %add3A_329 = arith.addi %add3A_328, %multiple_of3A : i32
        %swap3A_330 = arith.index_cast %add3A_329 : i32 to index
        %swap3A_331 = tpu.vector_load %arg14[%swap3A_330] {strides = array<i32>} : memref<8192xi32, #tpu.memory_space<vmem>>, vector<16xi32>,
        tpu.vector_store %arg14[%swap3A_330], %add3A_327 {strides = array<i32>} : memref<8192xi32, #tpu.memory_space<vmem>>, vector<16xi32>,
        %add3A_332 = arith.constant 48 : i32
        %add3A_333 = vector.broadcast %add3A_332 : i32 to vector<16xi32>
        %add3A_334 = arith.addi %add3A_303, %add3A_333 : vector<16xi32>
        %add3A_335 = arith.constant 768 : i32
        %add3A_336 = arith.addi %add3A_335, %multiple_of3A : i32
        %swap3A_337 = arith.index_cast %add3A_336 : i32 to index
        %swap3A_338 = tpu.vector_load %arg14[%swap3A_337] {strides = array<i32>} : memref<8192xi32, #tpu.memory_space<vmem>>, vector<16xi32>,
        tpu.vector_store %arg14[%swap3A_337], %add3A_334 {strides = array<i32>} : memref<8192xi32, #tpu.memory_space<vmem>>, vector<16xi32>,
        %shift_right_arithmetic3A_339 = arith.constant 7 : i32
        %shift_right_arithmetic3A_340 = vector.broadcast %shift_right_arithmetic3A_339 : i32 to vector<16xi32>
        %shift_right_arithmetic3A_341 = arith.shrsi %and3A_286, %shift_right_arithmetic3A_340 : vector<16xi32>
        %shift_left3A_342 = arith.constant 6 : i32
        %shift_left3A_343 = vector.broadcast %shift_left3A_342 : i32 to vector<16xi32>
        %shift_left3A_344 = arith.shli %shift_right_arithmetic3A_341, %shift_left3A_343 : vector<16xi32>
        %shift_right_arithmetic3A_345 = arith.constant 3 : i32
        %shift_right_arithmetic3A_346 = vector.broadcast %shift_right_arithmetic3A_345 : i32 to vector<16xi32>
        %shift_right_arithmetic3A_347 = arith.shrsi %and3A_286, %shift_right_arithmetic3A_346 : vector<16xi32>
        %and3A_348 = arith.constant 15 : i32
        %and3A_349 = vector.broadcast %and3A_348 : i32 to vector<16xi32>
        %and3A_350 = arith.andi %shift_right_arithmetic3A_347, %and3A_349 : vector<16xi32>
        %add3A_351 = arith.addi %shift_left3A_344, %and3A_350 : vector<16xi32>
        %and3A_352 = arith.constant 7 : i32
        %and3A_353 = vector.broadcast %and3A_352 : i32 to vector<16xi32>
        %and3A_354 = arith.andi %and3A_286, %and3A_353 : vector<16xi32>
        %add3A_355 = arith.constant 256 : i32
        %add3A_356 = arith.addi %add3A_355, %multiple_of3A : i32
        %swap3A_357 = arith.index_cast %add3A_356 : i32 to index
        %swap3A_358 = tpu.vector_load %arg15[%swap3A_357] {strides = array<i32>} : memref<2048xi32, #tpu.memory_space<vmem>>, vector<16xi32>,
        tpu.vector_store %arg15[%swap3A_357], %and3A_354 {strides = array<i32>} : memref<2048xi32, #tpu.memory_space<vmem>>, vector<16xi32>,
        %add3A_359 = arith.constant 0 : i32
        %add3A_360 = vector.broadcast %add3A_359 : i32 to vector<16xi32>
        %add3A_361 = arith.addi %add3A_351, %add3A_360 : vector<16xi32>
        %add3A_362 = arith.constant 1024 : i32
        %add3A_363 = arith.addi %add3A_362, %multiple_of3A : i32
        %swap3A_364 = arith.index_cast %add3A_363 : i32 to index
        %swap3A_365 = tpu.vector_load %arg14[%swap3A_364] {strides = array<i32>} : memref<8192xi32, #tpu.memory_space<vmem>>, vector<16xi32>,
        tpu.vector_store %arg14[%swap3A_364], %add3A_361 {strides = array<i32>} : memref<8192xi32, #tpu.memory_space<vmem>>, vector<16xi32>,
        %add3A_366 = arith.constant 16 : i32
        %add3A_367 = vector.broadcast %add3A_366 : i32 to vector<16xi32>
        %add3A_368 = arith.addi %add3A_351, %add3A_367 : vector<16xi32>
        %add3A_369 = arith.constant 1280 : i32
        %add3A_370 = arith.addi %add3A_369, %multiple_of3A : i32
        %swap3A_371 = arith.index_cast %add3A_370 : i32 to index
        %swap3A_372 = tpu.vector_load %arg14[%swap3A_371] {strides = array<i32>} : memref<8192xi32, #tpu.memory_space<vmem>>, vector<16xi32>,
        tpu.vector_store %arg14[%swap3A_371], %add3A_368 {strides = array<i32>} : memref<8192xi32, #tpu.memory_space<vmem>>, vector<16xi32>,
        %add3A_373 = arith.constant 32 : i32
        %add3A_374 = vector.broadcast %add3A_373 : i32 to vector<16xi32>
        %add3A_375 = arith.addi %add3A_351, %add3A_374 : vector<16xi32>
        %add3A_376 = arith.constant 1536 : i32
        %add3A_377 = arith.addi %add3A_376, %multiple_of3A : i32
        %swap3A_378 = arith.index_cast %add3A_377 : i32 to index
        %swap3A_379 = tpu.vector_load %arg14[%swap3A_378] {strides = array<i32>} : memref<8192xi32, #tpu.memory_space<vmem>>, vector<16xi32>,
        tpu.vector_store %arg14[%swap3A_378], %add3A_375 {strides = array<i32>} : memref<8192xi32, #tpu.memory_space<vmem>>, vector<16xi32>,
        %add3A_380 = arith.constant 48 : i32
        %add3A_381 = vector.broadcast %add3A_380 : i32 to vector<16xi32>
        %add3A_382 = arith.addi %add3A_351, %add3A_381 : vector<16xi32>
        %add3A_383 = arith.constant 1792 : i32
        %add3A_384 = arith.addi %add3A_383, %multiple_of3A : i32
        %swap3A_385 = arith.index_cast %add3A_384 : i32 to index
        %swap3A_386 = tpu.vector_load %arg14[%swap3A_385] {strides = array<i32>} : memref<8192xi32, #tpu.memory_space<vmem>>, vector<16xi32>,
        tpu.vector_store %arg14[%swap3A_385], %add3A_382 {strides = array<i32>} : memref<8192xi32, #tpu.memory_space<vmem>>, vector<16xi32>,
        %shift_right_arithmetic3A_387 = arith.constant 7 : i32
        %shift_right_arithmetic3A_388 = vector.broadcast %shift_right_arithmetic3A_387 : i32 to vector<16xi32>
        %shift_right_arithmetic3A_389 = arith.shrsi %and3A_289, %shift_right_arithmetic3A_388 : vector<16xi32>
        %shift_left3A_390 = arith.constant 6 : i32
        %shift_left3A_391 = vector.broadcast %shift_left3A_390 : i32 to vector<16xi32>
        %shift_left3A_392 = arith.shli %shift_right_arithmetic3A_389, %shift_left3A_391 : vector<16xi32>
        %shift_right_arithmetic3A_393 = arith.constant 3 : i32
        %shift_right_arithmetic3A_394 = vector.broadcast %shift_right_arithmetic3A_393 : i32 to vector<16xi32>
        %shift_right_arithmetic3A_395 = arith.shrsi %and3A_289, %shift_right_arithmetic3A_394 : vector<16xi32>
        %and3A_396 = arith.constant 15 : i32
        %and3A_397 = vector.broadcast %and3A_396 : i32 to vector<16xi32>
        %and3A_398 = arith.andi %shift_right_arithmetic3A_395, %and3A_397 : vector<16xi32>
        %add3A_399 = arith.addi %shift_left3A_392, %and3A_398 : vector<16xi32>
        %and3A_400 = arith.constant 7 : i32
        %and3A_401 = vector.broadcast %and3A_400 : i32 to vector<16xi32>
        %and3A_402 = arith.andi %and3A_289, %and3A_401 : vector<16xi32>
        %add3A_403 = arith.constant 512 : i32
        %add3A_404 = arith.addi %add3A_403, %multiple_of3A : i32
        %swap3A_405 = arith.index_cast %add3A_404 : i32 to index
        %swap3A_406 = tpu.vector_load %arg15[%swap3A_405] {strides = array<i32>} : memref<2048xi32, #tpu.memory_space<vmem>>, vector<16xi32>,
        tpu.vector_store %arg15[%swap3A_405], %and3A_402 {strides = array<i32>} : memref<2048xi32, #tpu.memory_space<vmem>>, vector<16xi32>,
        %add3A_407 = arith.constant 0 : i32
        %add3A_408 = vector.broadcast %add3A_407 : i32 to vector<16xi32>
        %add3A_409 = arith.addi %add3A_399, %add3A_408 : vector<16xi32>
        %add3A_410 = arith.constant 2048 : i32
        %add3A_411 = arith.addi %add3A_410, %multiple_of3A : i32
        %swap3A_412 = arith.index_cast %add3A_411 : i32 to index
        %swap3A_413 = tpu.vector_load %arg14[%swap3A_412] {strides = array<i32>} : memref<8192xi32, #tpu.memory_space<vmem>>, vector<16xi32>,
        tpu.vector_store %arg14[%swap3A_412], %add3A_409 {strides = array<i32>} : memref<8192xi32, #tpu.memory_space<vmem>>, vector<16xi32>,
        %add3A_414 = arith.constant 16 : i32
        %add3A_415 = vector.broadcast %add3A_414 : i32 to vector<16xi32>
        %add3A_416 = arith.addi %add3A_399, %add3A_415 : vector<16xi32>
        %add3A_417 = arith.constant 2304 : i32
        %add3A_418 = arith.addi %add3A_417, %multiple_of3A : i32
        %swap3A_419 = arith.index_cast %add3A_418 : i32 to index
        %swap3A_420 = tpu.vector_load %arg14[%swap3A_419] {strides = array<i32>} : memref<8192xi32, #tpu.memory_space<vmem>>, vector<16xi32>,
        tpu.vector_store %arg14[%swap3A_419], %add3A_416 {strides = array<i32>} : memref<8192xi32, #tpu.memory_space<vmem>>, vector<16xi32>,
        %add3A_421 = arith.constant 32 : i32
        %add3A_422 = vector.broadcast %add3A_421 : i32 to vector<16xi32>
        %add3A_423 = arith.addi %add3A_399, %add3A_422 : vector<16xi32>
        %add3A_424 = arith.constant 2560 : i32
        %add3A_425 = arith.addi %add3A_424, %multiple_of3A : i32
        %swap3A_426 = arith.index_cast %add3A_425 : i32 to index
        %swap3A_427 = tpu.vector_load %arg14[%swap3A_426] {strides = array<i32>} : memref<8192xi32, #tpu.memory_space<vmem>>, vector<16xi32>,
        tpu.vector_store %arg14[%swap3A_426], %add3A_423 {strides = array<i32>} : memref<8192xi32, #tpu.memory_space<vmem>>, vector<16xi32>,
        %add3A_428 = arith.constant 48 : i32
        %add3A_429 = vector.broadcast %add3A_428 : i32 to vector<16xi32>
        %add3A_430 = arith.addi %add3A_399, %add3A_429 : vector<16xi32>
        %add3A_431 = arith.constant 2816 : i32
        %add3A_432 = arith.addi %add3A_431, %multiple_of3A : i32
        %swap3A_433 = arith.index_cast %add3A_432 : i32 to index
        %swap3A_434 = tpu.vector_load %arg14[%swap3A_433] {strides = array<i32>} : memref<8192xi32, #tpu.memory_space<vmem>>, vector<16xi32>,
        tpu.vector_store %arg14[%swap3A_433], %add3A_430 {strides = array<i32>} : memref<8192xi32, #tpu.memory_space<vmem>>, vector<16xi32>,
        %shift_right_arithmetic3A_435 = arith.constant 7 : i32
        %shift_right_arithmetic3A_436 = vector.broadcast %shift_right_arithmetic3A_435 : i32 to vector<16xi32>
        %shift_right_arithmetic3A_437 = arith.shrsi %and3A_292, %shift_right_arithmetic3A_436 : vector<16xi32>
        %shift_left3A_438 = arith.constant 6 : i32
        %shift_left3A_439 = vector.broadcast %shift_left3A_438 : i32 to vector<16xi32>
        %shift_left3A_440 = arith.shli %shift_right_arithmetic3A_437, %shift_left3A_439 : vector<16xi32>
        %shift_right_arithmetic3A_441 = arith.constant 3 : i32
        %shift_right_arithmetic3A_442 = vector.broadcast %shift_right_arithmetic3A_441 : i32 to vector<16xi32>
        %shift_right_arithmetic3A_443 = arith.shrsi %and3A_292, %shift_right_arithmetic3A_442 : vector<16xi32>
        %and3A_444 = arith.constant 15 : i32
        %and3A_445 = vector.broadcast %and3A_444 : i32 to vector<16xi32>
        %and3A_446 = arith.andi %shift_right_arithmetic3A_443, %and3A_445 : vector<16xi32>
        %add3A_447 = arith.addi %shift_left3A_440, %and3A_446 : vector<16xi32>
        %and3A_448 = arith.constant 7 : i32
        %and3A_449 = vector.broadcast %and3A_448 : i32 to vector<16xi32>
        %and3A_450 = arith.andi %and3A_292, %and3A_449 : vector<16xi32>
        %add3A_451 = arith.constant 768 : i32
        %add3A_452 = arith.addi %add3A_451, %multiple_of3A : i32
        %swap3A_453 = arith.index_cast %add3A_452 : i32 to index
        %swap3A_454 = tpu.vector_load %arg15[%swap3A_453] {strides = array<i32>} : memref<2048xi32, #tpu.memory_space<vmem>>, vector<16xi32>,
        tpu.vector_store %arg15[%swap3A_453], %and3A_450 {strides = array<i32>} : memref<2048xi32, #tpu.memory_space<vmem>>, vector<16xi32>,
        %add3A_455 = arith.constant 0 : i32
        %add3A_456 = vector.broadcast %add3A_455 : i32 to vector<16xi32>
        %add3A_457 = arith.addi %add3A_447, %add3A_456 : vector<16xi32>
        %add3A_458 = arith.constant 3072 : i32
        %add3A_459 = arith.addi %add3A_458, %multiple_of3A : i32
        %swap3A_460 = arith.index_cast %add3A_459 : i32 to index
        %swap3A_461 = tpu.vector_load %arg14[%swap3A_460] {strides = array<i32>} : memref<8192xi32, #tpu.memory_space<vmem>>, vector<16xi32>,
        tpu.vector_store %arg14[%swap3A_460], %add3A_457 {strides = array<i32>} : memref<8192xi32, #tpu.memory_space<vmem>>, vector<16xi32>,
        %add3A_462 = arith.constant 16 : i32
        %add3A_463 = vector.broadcast %add3A_462 : i32 to vector<16xi32>
        %add3A_464 = arith.addi %add3A_447, %add3A_463 : vector<16xi32>
        %add3A_465 = arith.constant 3328 : i32
        %add3A_466 = arith.addi %add3A_465, %multiple_of3A : i32
        %swap3A_467 = arith.index_cast %add3A_466 : i32 to index
        %swap3A_468 = tpu.vector_load %arg14[%swap3A_467] {strides = array<i32>} : memref<8192xi32, #tpu.memory_space<vmem>>, vector<16xi32>,
        tpu.vector_store %arg14[%swap3A_467], %add3A_464 {strides = array<i32>} : memref<8192xi32, #tpu.memory_space<vmem>>, vector<16xi32>,
        %add3A_469 = arith.constant 32 : i32
        %add3A_470 = vector.broadcast %add3A_469 : i32 to vector<16xi32>
        %add3A_471 = arith.addi %add3A_447, %add3A_470 : vector<16xi32>
        %add3A_472 = arith.constant 3584 : i32
        %add3A_473 = arith.addi %add3A_472, %multiple_of3A : i32
        %swap3A_474 = arith.index_cast %add3A_473 : i32 to index
        %swap3A_475 = tpu.vector_load %arg14[%swap3A_474] {strides = array<i32>} : memref<8192xi32, #tpu.memory_space<vmem>>, vector<16xi32>,
        tpu.vector_store %arg14[%swap3A_474], %add3A_471 {strides = array<i32>} : memref<8192xi32, #tpu.memory_space<vmem>>, vector<16xi32>,
        %add3A_476 = arith.constant 48 : i32
        %add3A_477 = vector.broadcast %add3A_476 : i32 to vector<16xi32>
        %add3A_478 = arith.addi %add3A_447, %add3A_477 : vector<16xi32>
        %add3A_479 = arith.constant 3840 : i32
        %add3A_480 = arith.addi %add3A_479, %multiple_of3A : i32
        %swap3A_481 = arith.index_cast %add3A_480 : i32 to index
        %swap3A_482 = tpu.vector_load %arg14[%swap3A_481] {strides = array<i32>} : memref<8192xi32, #tpu.memory_space<vmem>>, vector<16xi32>,
        tpu.vector_store %arg14[%swap3A_481], %add3A_478 {strides = array<i32>} : memref<8192xi32, #tpu.memory_space<vmem>>, vector<16xi32>,
      }
      %scan3A_127 = arith.constant 16 : i32
      %dma_start3A_128 = arith.constant 0 : i32
      %dma_start3A_129 = arith.constant 0 : i32
      %dma_start3A_130 = tpu.memref_slice %arg16[%dma_start3A_128, %dma_start3A_129] : memref<8192x8xf32, #tpu.memory_space<vmem>> -> memref<2048x8xf32, #tpu.memory_space<vmem>>
      %dma_start3A_131 = arith.constant 0 : i32
      %dma_start3A_132 = tpu.memref_slice %arg14[%dma_start3A_131] : memref<8192xi32, #tpu.memory_space<vmem>> -> memref<2048xi32, #tpu.memory_space<vmem>>
      %dma_start3A_133 = arith.constant 0 : i32
      %dma_start3A_134 = arith.constant 0 : i32
      %dma_start3A_135 = tpu.memref_slice %arg6[%dma_start3A_133, %dma_start3A_134] : memref<1048576x8xf32, #tpu.memory_space<hbm>> -> memref<1048576x8xf32, #tpu.memory_space<hbm>>
      tpu.enqueue_indirect_dma source(%dma_start3A_135 : memref<1048576x8xf32, #tpu.memory_space<hbm>>) target(%dma_start3A_130 : memref<2048x8xf32, #tpu.memory_space<vmem>>) offsets(%dma_start3A_132 : memref<2048xi32, #tpu.memory_space<vmem>>) semaphore(%arg19 : memref<!tpu.dma_semaphore, #tpu.memory_space<semaphore_mem>>)
      %dma_start3A_136 = arith.constant 2048 : i32
      %dma_start3A_137 = arith.constant 0 : i32
      %dma_start3A_138 = tpu.memref_slice %arg16[%dma_start3A_136, %dma_start3A_137] : memref<8192x8xf32, #tpu.memory_space<vmem>> -> memref<2048x8xf32, #tpu.memory_space<vmem>>
      %dma_start3A_139 = arith.constant 2048 : i32
      %dma_start3A_140 = tpu.memref_slice %arg14[%dma_start3A_139] : memref<8192xi32, #tpu.memory_space<vmem>> -> memref<2048xi32, #tpu.memory_space<vmem>>
      %dma_start3A_141 = arith.constant 0 : i32
      %dma_start3A_142 = arith.constant 0 : i32
      %dma_start3A_143 = tpu.memref_slice %arg6[%dma_start3A_141, %dma_start3A_142] : memref<1048576x8xf32, #tpu.memory_space<hbm>> -> memref<1048576x8xf32, #tpu.memory_space<hbm>>
      tpu.enqueue_indirect_dma source(%dma_start3A_143 : memref<1048576x8xf32, #tpu.memory_space<hbm>>) target(%dma_start3A_138 : memref<2048x8xf32, #tpu.memory_space<vmem>>) offsets(%dma_start3A_140 : memref<2048xi32, #tpu.memory_space<vmem>>) semaphore(%arg19 : memref<!tpu.dma_semaphore, #tpu.memory_space<semaphore_mem>>)
      %dma_wait3A_144 = arith.constant 4096 : i32
      %dma_wait3A_145 = arith.constant 0 : i32
      %dma_wait3A_146 = tpu.memref_slice %arg16[%dma_wait3A_144, %dma_wait3A_145] : memref<8192x8xf32, #tpu.memory_space<vmem>> -> memref<2048x8xf32, #tpu.memory_space<vmem>>
      %dma_wait3A_147 = arith.constant 4096 : i32
      %dma_wait3A_148 = tpu.memref_slice %arg14[%dma_wait3A_147] : memref<8192xi32, #tpu.memory_space<vmem>> -> memref<2048xi32, #tpu.memory_space<vmem>>
      %dma_wait3A_149 = arith.constant 0 : i32
      %dma_wait3A_150 = arith.constant 0 : i32
      %dma_wait3A_151 = tpu.memref_slice %arg5[%dma_wait3A_149, %dma_wait3A_150] : memref<1048576x8xf32, #tpu.memory_space<hbm>> -> memref<1048576x8xf32, #tpu.memory_space<hbm>>
      tpu.wait_indirect_dma semaphore(%arg20 : memref<!tpu.dma_semaphore, #tpu.memory_space<semaphore_mem>>) src(%dma_wait3A_151 : memref<1048576x8xf32, #tpu.memory_space<hbm>>) dst(%dma_wait3A_146 : memref<2048x8xf32, #tpu.memory_space<vmem>>)
      %dma_wait3A_152 = arith.constant 6144 : i32
      %dma_wait3A_153 = arith.constant 0 : i32
      %dma_wait3A_154 = tpu.memref_slice %arg16[%dma_wait3A_152, %dma_wait3A_153] : memref<8192x8xf32, #tpu.memory_space<vmem>> -> memref<2048x8xf32, #tpu.memory_space<vmem>>
      %dma_wait3A_155 = arith.constant 6144 : i32
      %dma_wait3A_156 = tpu.memref_slice %arg14[%dma_wait3A_155] : memref<8192xi32, #tpu.memory_space<vmem>> -> memref<2048xi32, #tpu.memory_space<vmem>>
      %dma_wait3A_157 = arith.constant 0 : i32
      %dma_wait3A_158 = arith.constant 0 : i32
      %dma_wait3A_159 = tpu.memref_slice %arg5[%dma_wait3A_157, %dma_wait3A_158] : memref<1048576x8xf32, #tpu.memory_space<hbm>> -> memref<1048576x8xf32, #tpu.memory_space<hbm>>
      tpu.wait_indirect_dma semaphore(%arg20 : memref<!tpu.dma_semaphore, #tpu.memory_space<semaphore_mem>>) src(%dma_wait3A_159 : memref<1048576x8xf32, #tpu.memory_space<hbm>>) dst(%dma_wait3A_154 : memref<2048x8xf32, #tpu.memory_space<vmem>>)
      %get3A_160 = arith.constant 16 : index
      %get3A_161 = tpu.vector_load %arg18[%get3A_160] {strides = array<i32>} : memref<64xf32, #tpu.memory_space<vmem>>, vector<16xf32>,
      %scan3A_162 = arith.constant 0 : i32
      %scan3A_163 = arith.constant 16 : i32
      %scan3A_164 = arith.addi %scan3A_162, %scan3A_163 : i32
      %scan3A_165 = arith.constant 1 : i32
      scf.for %scan3A_244 = %scan3A_162 to %scan3A_164 step %scan3A_165  : i32 {
        %mul3A_245 = arith.constant 16 : i32
        %mul3A_246 = arith.muli %scan3A_244, %mul3A_245 : i32
        %multiple_of3A = tpu.assume_multiple %mul3A_246, 16 : i32
        %add3A_247 = vector.broadcast %multiple_of3A : i32 to vector<16xi32>
        %add3A_248 = arith.addi %iota3A, %add3A_247 : vector<16xi32>
        %add3A_249 = arith.constant 256 : i32
        %add3A_250 = arith.addi %add3A_249, %multiple_of3A : i32
        %get3A_251 = arith.index_cast %add3A_250 : i32 to index
        %get3A_252 = tpu.vector_load %arg12[%get3A_251] {strides = array<i32>} : memref<512xf32, #tpu.memory_space<vmem>>, vector<16xf32>,
        %add3A_253 = arith.constant 256 : i32
        %add3A_254 = arith.addi %add3A_253, %multiple_of3A : i32
        %get3A_255 = arith.index_cast %add3A_254 : i32 to index
        %get3A_256 = tpu.vector_load %arg13[%get3A_255] {strides = array<i32>} : memref<512xf32, #tpu.memory_space<vmem>>, vector<16xf32>,
        %sub3A = arith.constant 1.000000e+00 : f32
        %sub3A_257 = vector.broadcast %sub3A : f32 to vector<16xf32>
        %sub3A_258 = arith.subf %sub3A_257, %get3A_252 : vector<16xf32>
        %sub3A_259 = arith.constant 1.000000e+00 : f32
        %sub3A_260 = vector.broadcast %sub3A_259 : f32 to vector<16xf32>
        %sub3A_261 = arith.subf %sub3A_260, %get3A_256 : vector<16xf32>
        %mul3A_262 = arith.mulf %sub3A_258, %sub3A_261 : vector<16xf32>
        %mul3A_263 = arith.mulf %get3A_252, %sub3A_261 : vector<16xf32>
        %mul3A_264 = arith.mulf %sub3A_258, %get3A_256 : vector<16xf32>
        %mul3A_265 = arith.mulf %get3A_252, %get3A_256 : vector<16xf32>
        %add3A_266 = arith.constant 1024 : i32
        %add3A_267 = arith.addi %add3A_266, %multiple_of3A : i32
        %get3A_268 = arith.index_cast %add3A_267 : i32 to index
        %get3A_269 = tpu.vector_load %arg15[%get3A_268] {strides = array<i32>} : memref<2048xi32, #tpu.memory_space<vmem>>, vector<16xi32>,
        %add3A_270 = arith.constant 1280 : i32
        %add3A_271 = arith.addi %add3A_270, %multiple_of3A : i32
        %get3A_272 = arith.index_cast %add3A_271 : i32 to index
        %get3A_273 = tpu.vector_load %arg15[%get3A_272] {strides = array<i32>} : memref<2048xi32, #tpu.memory_space<vmem>>, vector<16xi32>,
        %add3A_274 = arith.constant 1536 : i32
        %add3A_275 = arith.addi %add3A_274, %multiple_of3A : i32
        %get3A_276 = arith.index_cast %add3A_275 : i32 to index
        %get3A_277 = tpu.vector_load %arg15[%get3A_276] {strides = array<i32>} : memref<2048xi32, #tpu.memory_space<vmem>>, vector<16xi32>,
        %add3A_278 = arith.constant 1792 : i32
        %add3A_279 = arith.addi %add3A_278, %multiple_of3A : i32
        %get3A_280 = arith.index_cast %add3A_279 : i32 to index
        %get3A_281 = tpu.vector_load %arg15[%get3A_280] {strides = array<i32>} : memref<2048xi32, #tpu.memory_space<vmem>>, vector<16xi32>,
        %add3A_282 = arith.constant 4096 : i32
        %add3A_283 = vector.broadcast %add3A_282 : i32 to vector<16xi32>
        %add3A_284 = arith.addi %add3A_248, %add3A_283 : vector<16xi32>
        %gather3A = tpu.vector_load_idx %arg16[%add3A_284, %get3A_269] : memref<8192x8xf32, #tpu.memory_space<vmem>>[vector<16xi32>, vector<16xi32>], vector<16xf32>,
        %mul3A_285 = arith.mulf %mul3A_262, %gather3A : vector<16xf32>
        %add3A_286 = arith.constant 5120 : i32
        %add3A_287 = vector.broadcast %add3A_286 : i32 to vector<16xi32>
        %add3A_288 = arith.addi %add3A_248, %add3A_287 : vector<16xi32>
        %gather3A_289 = tpu.vector_load_idx %arg16[%add3A_288, %get3A_273] : memref<8192x8xf32, #tpu.memory_space<vmem>>[vector<16xi32>, vector<16xi32>], vector<16xf32>,
        %mul3A_290 = arith.mulf %mul3A_263, %gather3A_289 : vector<16xf32>
        %add3A_291 = arith.addf %mul3A_285, %mul3A_290 : vector<16xf32>
        %add3A_292 = arith.constant 6144 : i32
        %add3A_293 = vector.broadcast %add3A_292 : i32 to vector<16xi32>
        %add3A_294 = arith.addi %add3A_248, %add3A_293 : vector<16xi32>
        %gather3A_295 = tpu.vector_load_idx %arg16[%add3A_294, %get3A_277] : memref<8192x8xf32, #tpu.memory_space<vmem>>[vector<16xi32>, vector<16xi32>], vector<16xf32>,
        %mul3A_296 = arith.mulf %mul3A_264, %gather3A_295 : vector<16xf32>
        %add3A_297 = arith.addf %add3A_291, %mul3A_296 : vector<16xf32>
        %add3A_298 = arith.constant 7168 : i32
        %add3A_299 = vector.broadcast %add3A_298 : i32 to vector<16xi32>
        %add3A_300 = arith.addi %add3A_248, %add3A_299 : vector<16xi32>
        %gather3A_301 = tpu.vector_load_idx %arg16[%add3A_300, %get3A_281] : memref<8192x8xf32, #tpu.memory_space<vmem>>[vector<16xi32>, vector<16xi32>], vector<16xf32>,
        %mul3A_302 = arith.mulf %mul3A_265, %gather3A_301 : vector<16xf32>
        %add3A_303 = arith.addf %add3A_297, %mul3A_302 : vector<16xf32>
        %add3A_304 = arith.constant 4352 : i32
        %add3A_305 = vector.broadcast %add3A_304 : i32 to vector<16xi32>
        %add3A_306 = arith.addi %add3A_248, %add3A_305 : vector<16xi32>
        %gather3A_307 = tpu.vector_load_idx %arg16[%add3A_306, %get3A_269] : memref<8192x8xf32, #tpu.memory_space<vmem>>[vector<16xi32>, vector<16xi32>], vector<16xf32>,
        %mul3A_308 = arith.mulf %mul3A_262, %gather3A_307 : vector<16xf32>
        %add3A_309 = arith.constant 5376 : i32
        %add3A_310 = vector.broadcast %add3A_309 : i32 to vector<16xi32>
        %add3A_311 = arith.addi %add3A_248, %add3A_310 : vector<16xi32>
        %gather3A_312 = tpu.vector_load_idx %arg16[%add3A_311, %get3A_273] : memref<8192x8xf32, #tpu.memory_space<vmem>>[vector<16xi32>, vector<16xi32>], vector<16xf32>,
        %mul3A_313 = arith.mulf %mul3A_263, %gather3A_312 : vector<16xf32>
        %add3A_314 = arith.addf %mul3A_308, %mul3A_313 : vector<16xf32>
        %add3A_315 = arith.constant 6400 : i32
        %add3A_316 = vector.broadcast %add3A_315 : i32 to vector<16xi32>
        %add3A_317 = arith.addi %add3A_248, %add3A_316 : vector<16xi32>
        %gather3A_318 = tpu.vector_load_idx %arg16[%add3A_317, %get3A_277] : memref<8192x8xf32, #tpu.memory_space<vmem>>[vector<16xi32>, vector<16xi32>], vector<16xf32>,
        %mul3A_319 = arith.mulf %mul3A_264, %gather3A_318 : vector<16xf32>
        %add3A_320 = arith.addf %add3A_314, %mul3A_319 : vector<16xf32>
        %add3A_321 = arith.constant 7424 : i32
        %add3A_322 = vector.broadcast %add3A_321 : i32 to vector<16xi32>
        %add3A_323 = arith.addi %add3A_248, %add3A_322 : vector<16xi32>
        %gather3A_324 = tpu.vector_load_idx %arg16[%add3A_323, %get3A_281] : memref<8192x8xf32, #tpu.memory_space<vmem>>[vector<16xi32>, vector<16xi32>], vector<16xf32>,
        %mul3A_325 = arith.mulf %mul3A_265, %gather3A_324 : vector<16xf32>
        %add3A_326 = arith.addf %add3A_320, %mul3A_325 : vector<16xf32>
        %add3A_327 = arith.constant 4608 : i32
        %add3A_328 = vector.broadcast %add3A_327 : i32 to vector<16xi32>
        %add3A_329 = arith.addi %add3A_248, %add3A_328 : vector<16xi32>
        %gather3A_330 = tpu.vector_load_idx %arg16[%add3A_329, %get3A_269] : memref<8192x8xf32, #tpu.memory_space<vmem>>[vector<16xi32>, vector<16xi32>], vector<16xf32>,
        %mul3A_331 = arith.mulf %mul3A_262, %gather3A_330 : vector<16xf32>
        %add3A_332 = arith.constant 5632 : i32
        %add3A_333 = vector.broadcast %add3A_332 : i32 to vector<16xi32>
        %add3A_334 = arith.addi %add3A_248, %add3A_333 : vector<16xi32>
        %gather3A_335 = tpu.vector_load_idx %arg16[%add3A_334, %get3A_273] : memref<8192x8xf32, #tpu.memory_space<vmem>>[vector<16xi32>, vector<16xi32>], vector<16xf32>,
        %mul3A_336 = arith.mulf %mul3A_263, %gather3A_335 : vector<16xf32>
        %add3A_337 = arith.addf %mul3A_331, %mul3A_336 : vector<16xf32>
        %add3A_338 = arith.constant 6656 : i32
        %add3A_339 = vector.broadcast %add3A_338 : i32 to vector<16xi32>
        %add3A_340 = arith.addi %add3A_248, %add3A_339 : vector<16xi32>
        %gather3A_341 = tpu.vector_load_idx %arg16[%add3A_340, %get3A_277] : memref<8192x8xf32, #tpu.memory_space<vmem>>[vector<16xi32>, vector<16xi32>], vector<16xf32>,
        %mul3A_342 = arith.mulf %mul3A_264, %gather3A_341 : vector<16xf32>
        %add3A_343 = arith.addf %add3A_337, %mul3A_342 : vector<16xf32>
        %add3A_344 = arith.constant 7680 : i32
        %add3A_345 = vector.broadcast %add3A_344 : i32 to vector<16xi32>
        %add3A_346 = arith.addi %add3A_248, %add3A_345 : vector<16xi32>
        %gather3A_347 = tpu.vector_load_idx %arg16[%add3A_346, %get3A_281] : memref<8192x8xf32, #tpu.memory_space<vmem>>[vector<16xi32>, vector<16xi32>], vector<16xf32>,
        %mul3A_348 = arith.mulf %mul3A_265, %gather3A_347 : vector<16xf32>
        %add3A_349 = arith.addf %add3A_343, %mul3A_348 : vector<16xf32>
        %add3A_350 = arith.constant 4864 : i32
        %add3A_351 = vector.broadcast %add3A_350 : i32 to vector<16xi32>
        %add3A_352 = arith.addi %add3A_248, %add3A_351 : vector<16xi32>
        %gather3A_353 = tpu.vector_load_idx %arg16[%add3A_352, %get3A_269] : memref<8192x8xf32, #tpu.memory_space<vmem>>[vector<16xi32>, vector<16xi32>], vector<16xf32>,
        %mul3A_354 = arith.mulf %mul3A_262, %gather3A_353 : vector<16xf32>
        %add3A_355 = arith.constant 5888 : i32
        %add3A_356 = vector.broadcast %add3A_355 : i32 to vector<16xi32>
        %add3A_357 = arith.addi %add3A_248, %add3A_356 : vector<16xi32>
        %gather3A_358 = tpu.vector_load_idx %arg16[%add3A_357, %get3A_273] : memref<8192x8xf32, #tpu.memory_space<vmem>>[vector<16xi32>, vector<16xi32>], vector<16xf32>,
        %mul3A_359 = arith.mulf %mul3A_263, %gather3A_358 : vector<16xf32>
        %add3A_360 = arith.addf %mul3A_354, %mul3A_359 : vector<16xf32>
        %add3A_361 = arith.constant 6912 : i32
        %add3A_362 = vector.broadcast %add3A_361 : i32 to vector<16xi32>
        %add3A_363 = arith.addi %add3A_248, %add3A_362 : vector<16xi32>
        %gather3A_364 = tpu.vector_load_idx %arg16[%add3A_363, %get3A_277] : memref<8192x8xf32, #tpu.memory_space<vmem>>[vector<16xi32>, vector<16xi32>], vector<16xf32>,
        %mul3A_365 = arith.mulf %mul3A_264, %gather3A_364 : vector<16xf32>
        %add3A_366 = arith.addf %add3A_360, %mul3A_365 : vector<16xf32>
        %add3A_367 = arith.constant 7936 : i32
        %add3A_368 = vector.broadcast %add3A_367 : i32 to vector<16xi32>
        %add3A_369 = arith.addi %add3A_248, %add3A_368 : vector<16xi32>
        %gather3A_370 = tpu.vector_load_idx %arg16[%add3A_369, %get3A_281] : memref<8192x8xf32, #tpu.memory_space<vmem>>[vector<16xi32>, vector<16xi32>], vector<16xf32>,
        %mul3A_371 = arith.mulf %mul3A_265, %gather3A_370 : vector<16xf32>
        %add3A_372 = arith.addf %add3A_366, %mul3A_371 : vector<16xf32>
        %add3A_373 = arith.addf %add3A_303, %add3A_326 : vector<16xf32>
        %add3A_374 = arith.addf %add3A_373, %add3A_349 : vector<16xf32>
        %add3A_375 = arith.addf %add3A_374, %add3A_372 : vector<16xf32>
        %mul3A_376 = arith.constant 2.500000e-01 : f32
        %mul3A_377 = vector.broadcast %mul3A_376 : f32 to vector<16xf32>
        %mul3A_378 = arith.mulf %add3A_375, %mul3A_377 : vector<16xf32>
        %sub3A_379 = arith.subf %add3A_303, %mul3A_378 : vector<16xf32>
        %sub3A_380 = arith.subf %add3A_326, %mul3A_378 : vector<16xf32>
        %sub3A_381 = arith.subf %add3A_349, %mul3A_378 : vector<16xf32>
        %sub3A_382 = arith.subf %add3A_372, %mul3A_378 : vector<16xf32>
        %mul3A_383 = arith.mulf %sub3A_379, %sub3A_379 : vector<16xf32>
        %mul3A_384 = arith.mulf %sub3A_380, %sub3A_380 : vector<16xf32>
        %add3A_385 = arith.addf %mul3A_383, %mul3A_384 : vector<16xf32>
        %mul3A_386 = arith.mulf %sub3A_381, %sub3A_381 : vector<16xf32>
        %add3A_387 = arith.addf %add3A_385, %mul3A_386 : vector<16xf32>
        %mul3A_388 = arith.mulf %sub3A_382, %sub3A_382 : vector<16xf32>
        %add3A_389 = arith.addf %add3A_387, %mul3A_388 : vector<16xf32>
        %mul3A_390 = arith.constant 2.500000e-01 : f32
        %mul3A_391 = vector.broadcast %mul3A_390 : f32 to vector<16xf32>
        %mul3A_392 = arith.mulf %add3A_389, %mul3A_391 : vector<16xf32>
        %add3A_393 = arith.constant 9.99999974E-6 : f32
        %add3A_394 = vector.broadcast %add3A_393 : f32 to vector<16xf32>
        %add3A_395 = arith.addf %mul3A_392, %add3A_394 : vector<16xf32>
        %bitcast3A = vector.bitcast %add3A_395 : vector<16xf32> to vector<16xi32>
        %shift_right_arithmetic3A = arith.constant 1 : i32
        %shift_right_arithmetic3A_396 = vector.broadcast %shift_right_arithmetic3A : i32 to vector<16xi32>
        %shift_right_arithmetic3A_397 = arith.shrsi %bitcast3A, %shift_right_arithmetic3A_396 : vector<16xi32>
        %sub3A_398 = arith.constant 1597463007 : i32
        %sub3A_399 = vector.broadcast %sub3A_398 : i32 to vector<16xi32>
        %sub3A_400 = arith.subi %sub3A_399, %shift_right_arithmetic3A_397 : vector<16xi32>
        %bitcast3A_401 = vector.bitcast %sub3A_400 : vector<16xi32> to vector<16xf32>
        %mul3A_402 = arith.constant 5.000000e-01 : f32
        %mul3A_403 = vector.broadcast %mul3A_402 : f32 to vector<16xf32>
        %mul3A_404 = arith.mulf %add3A_395, %mul3A_403 : vector<16xf32>
        %mul3A_405 = arith.mulf %mul3A_404, %bitcast3A_401 : vector<16xf32>
        %mul3A_406 = arith.mulf %mul3A_405, %bitcast3A_401 : vector<16xf32>
        %sub3A_407 = arith.constant 1.500000e+00 : f32
        %sub3A_408 = vector.broadcast %sub3A_407 : f32 to vector<16xf32>
        %sub3A_409 = arith.subf %sub3A_408, %mul3A_406 : vector<16xf32>
        %mul3A_410 = arith.mulf %bitcast3A_401, %sub3A_409 : vector<16xf32>
        %mul3A_411 = arith.mulf %mul3A_404, %mul3A_410 : vector<16xf32>
        %mul3A_412 = arith.mulf %mul3A_411, %mul3A_410 : vector<16xf32>
        %sub3A_413 = arith.constant 1.500000e+00 : f32
        %sub3A_414 = vector.broadcast %sub3A_413 : f32 to vector<16xf32>
        %sub3A_415 = arith.subf %sub3A_414, %mul3A_412 : vector<16xf32>
        %mul3A_416 = arith.mulf %mul3A_410, %sub3A_415 : vector<16xf32>
        %mul3A_417 = arith.mulf %mul3A_404, %mul3A_416 : vector<16xf32>
        %mul3A_418 = arith.mulf %mul3A_417, %mul3A_416 : vector<16xf32>
        %sub3A_419 = arith.constant 1.500000e+00 : f32
        %sub3A_420 = vector.broadcast %sub3A_419 : f32 to vector<16xf32>
        %sub3A_421 = arith.subf %sub3A_420, %mul3A_418 : vector<16xf32>
        %mul3A_422 = arith.mulf %mul3A_416, %sub3A_421 : vector<16xf32>
        %mul3A_423 = arith.mulf %mul3A_422, %get3A_161 : vector<16xf32>
        %add3A_424 = vector.broadcast %mul3A_49 : i32 to vector<16xi32>
        %add3A_425 = arith.addi %add3A_248, %add3A_424 : vector<16xi32>
        %broadcast_in_dim3A = arith.constant 4 : i32
        %broadcast_in_dim3A_426 = vector.broadcast %broadcast_in_dim3A : i32 to vector<16xi32>
        %mul3A_427 = arith.mulf %sub3A_379, %mul3A_423 : vector<16xf32>
        tpu.vector_store_idx %arg17[%add3A_425, %broadcast_in_dim3A_426], %mul3A_427 : memref<512x16xf32, #tpu.memory_space<vmem>>[vector<16xi32>, vector<16xi32>], vector<16xf32>,
        %broadcast_in_dim3A_428 = arith.constant 5 : i32
        %broadcast_in_dim3A_429 = vector.broadcast %broadcast_in_dim3A_428 : i32 to vector<16xi32>
        %mul3A_430 = arith.mulf %sub3A_380, %mul3A_423 : vector<16xf32>
        tpu.vector_store_idx %arg17[%add3A_425, %broadcast_in_dim3A_429], %mul3A_430 : memref<512x16xf32, #tpu.memory_space<vmem>>[vector<16xi32>, vector<16xi32>], vector<16xf32>,
        %broadcast_in_dim3A_431 = arith.constant 6 : i32
        %broadcast_in_dim3A_432 = vector.broadcast %broadcast_in_dim3A_431 : i32 to vector<16xi32>
        %mul3A_433 = arith.mulf %sub3A_381, %mul3A_423 : vector<16xf32>
        tpu.vector_store_idx %arg17[%add3A_425, %broadcast_in_dim3A_432], %mul3A_433 : memref<512x16xf32, #tpu.memory_space<vmem>>[vector<16xi32>, vector<16xi32>], vector<16xf32>,
        %broadcast_in_dim3A_434 = arith.constant 7 : i32
        %broadcast_in_dim3A_435 = vector.broadcast %broadcast_in_dim3A_434 : i32 to vector<16xi32>
        %mul3A_436 = arith.mulf %sub3A_382, %mul3A_423 : vector<16xf32>
        tpu.vector_store_idx %arg17[%add3A_425, %broadcast_in_dim3A_435], %mul3A_436 : memref<512x16xf32, #tpu.memory_space<vmem>>[vector<16xi32>, vector<16xi32>], vector<16xf32>,
      }
      %scan3A_166 = arith.constant 16 : i32
      %scan3A_167 = arith.constant 3.125000e-02 : f32
      %scan3A_168 = arith.constant 2097151 : i32
      %scan3A_169 = arith.constant 0 : i32
      %scan3A_170 = arith.constant 16 : i32
      %scan3A_171 = arith.addi %scan3A_169, %scan3A_170 : i32
      %scan3A_172 = arith.constant 1 : i32
      scf.for %scan3A_244 = %scan3A_169 to %scan3A_171 step %scan3A_172  : i32 {
        %mul3A_245 = arith.constant 16 : i32
        %mul3A_246 = arith.muli %scan3A_244, %mul3A_245 : i32
        %multiple_of3A = tpu.assume_multiple %mul3A_246, 16 : i32
        %mul3A_247 = arith.constant 256 : i32
        %mul3A_248 = arith.muli %select_n3A_42, %mul3A_247 : i32
        %add3A_249 = arith.addi %mul3A_248, %multiple_of3A : i32
        %get3A_250 = arith.index_cast %add3A_249 : i32 to index
        %get3A_251 = tpu.vector_load %arg10[%get3A_250] {strides = array<i32>} : memref<2048xf32, #tpu.memory_space<vmem>>, vector<16xf32>,
        %mul3A_252 = vector.broadcast %scan3A_167 : f32 to vector<16xf32>
        %mul3A_253 = arith.mulf %get3A_251, %mul3A_252 : vector<16xf32>
        %get3A_254 = arith.index_cast %add3A_249 : i32 to index
        %get3A_255 = tpu.vector_load %arg11[%get3A_254] {strides = array<i32>} : memref<2048xf32, #tpu.memory_space<vmem>>, vector<16xf32>,
        %mul3A_256 = vector.broadcast %scan3A_167 : f32 to vector<16xf32>
        %mul3A_257 = arith.mulf %get3A_255, %mul3A_256 : vector<16xf32>
        %convert_element_type3A_258 = arith.fptosi %mul3A_253 : vector<16xf32> to vector<16xi32>
        %convert_element_type3A_259 = arith.fptosi %mul3A_257 : vector<16xf32> to vector<16xi32>
        %convert_element_type3A_260 = arith.sitofp %convert_element_type3A_258 : vector<16xi32> to vector<16xf32>
        %sub3A = arith.subf %mul3A_253, %convert_element_type3A_260 : vector<16xf32>
        %add3A_261 = arith.constant 256 : i32
        %add3A_262 = arith.addi %add3A_261, %multiple_of3A : i32
        %swap3A = arith.index_cast %add3A_262 : i32 to index
        %swap3A_263 = tpu.vector_load %arg12[%swap3A] {strides = array<i32>} : memref<512xf32, #tpu.memory_space<vmem>>, vector<16xf32>,
        tpu.vector_store %arg12[%swap3A], %sub3A {strides = array<i32>} : memref<512xf32, #tpu.memory_space<vmem>>, vector<16xf32>,
        %convert_element_type3A_264 = arith.sitofp %convert_element_type3A_259 : vector<16xi32> to vector<16xf32>
        %sub3A_265 = arith.subf %mul3A_257, %convert_element_type3A_264 : vector<16xf32>
        %add3A_266 = arith.constant 256 : i32
        %add3A_267 = arith.addi %add3A_266, %multiple_of3A : i32
        %swap3A_268 = arith.index_cast %add3A_267 : i32 to index
        %swap3A_269 = tpu.vector_load %arg13[%swap3A_268] {strides = array<i32>} : memref<512xf32, #tpu.memory_space<vmem>>, vector<16xf32>,
        tpu.vector_store %arg13[%swap3A_268], %sub3A_265 {strides = array<i32>} : memref<512xf32, #tpu.memory_space<vmem>>, vector<16xf32>,
        %mul3A_270 = arith.constant -1640531535 : i32
        %mul3A_271 = vector.broadcast %mul3A_270 : i32 to vector<16xi32>
        %mul3A_272 = arith.muli %convert_element_type3A_259, %mul3A_271 : vector<16xi32>
        %add3A_273 = arith.constant 1 : i32
        %add3A_274 = vector.broadcast %add3A_273 : i32 to vector<16xi32>
        %add3A_275 = arith.addi %convert_element_type3A_259, %add3A_274 : vector<16xi32>
        %mul3A_276 = arith.constant -1640531535 : i32
        %mul3A_277 = vector.broadcast %mul3A_276 : i32 to vector<16xi32>
        %mul3A_278 = arith.muli %add3A_275, %mul3A_277 : vector<16xi32>
        %add3A_279 = arith.constant 1 : i32
        %add3A_280 = vector.broadcast %add3A_279 : i32 to vector<16xi32>
        %add3A_281 = arith.addi %convert_element_type3A_258, %add3A_280 : vector<16xi32>
        %xor3A = arith.xori %convert_element_type3A_258, %mul3A_272 : vector<16xi32>
        %and3A_282 = vector.broadcast %scan3A_168 : i32 to vector<16xi32>
        %and3A_283 = arith.andi %xor3A, %and3A_282 : vector<16xi32>
        %xor3A_284 = arith.xori %add3A_281, %mul3A_272 : vector<16xi32>
        %and3A_285 = vector.broadcast %scan3A_168 : i32 to vector<16xi32>
        %and3A_286 = arith.andi %xor3A_284, %and3A_285 : vector<16xi32>
        %xor3A_287 = arith.xori %convert_element_type3A_258, %mul3A_278 : vector<16xi32>
        %and3A_288 = vector.broadcast %scan3A_168 : i32 to vector<16xi32>
        %and3A_289 = arith.andi %xor3A_287, %and3A_288 : vector<16xi32>
        %xor3A_290 = arith.xori %add3A_281, %mul3A_278 : vector<16xi32>
        %and3A_291 = vector.broadcast %scan3A_168 : i32 to vector<16xi32>
        %and3A_292 = arith.andi %xor3A_290, %and3A_291 : vector<16xi32>
        %shift_right_arithmetic3A = arith.constant 7 : i32
        %shift_right_arithmetic3A_293 = vector.broadcast %shift_right_arithmetic3A : i32 to vector<16xi32>
        %shift_right_arithmetic3A_294 = arith.shrsi %and3A_283, %shift_right_arithmetic3A_293 : vector<16xi32>
        %shift_left3A = arith.constant 6 : i32
        %shift_left3A_295 = vector.broadcast %shift_left3A : i32 to vector<16xi32>
        %shift_left3A_296 = arith.shli %shift_right_arithmetic3A_294, %shift_left3A_295 : vector<16xi32>
        %shift_right_arithmetic3A_297 = arith.constant 3 : i32
        %shift_right_arithmetic3A_298 = vector.broadcast %shift_right_arithmetic3A_297 : i32 to vector<16xi32>
        %shift_right_arithmetic3A_299 = arith.shrsi %and3A_283, %shift_right_arithmetic3A_298 : vector<16xi32>
        %and3A_300 = arith.constant 15 : i32
        %and3A_301 = vector.broadcast %and3A_300 : i32 to vector<16xi32>
        %and3A_302 = arith.andi %shift_right_arithmetic3A_299, %and3A_301 : vector<16xi32>
        %add3A_303 = arith.addi %shift_left3A_296, %and3A_302 : vector<16xi32>
        %and3A_304 = arith.constant 7 : i32
        %and3A_305 = vector.broadcast %and3A_304 : i32 to vector<16xi32>
        %and3A_306 = arith.andi %and3A_283, %and3A_305 : vector<16xi32>
        %add3A_307 = arith.constant 1024 : i32
        %add3A_308 = arith.addi %add3A_307, %multiple_of3A : i32
        %swap3A_309 = arith.index_cast %add3A_308 : i32 to index
        %swap3A_310 = tpu.vector_load %arg15[%swap3A_309] {strides = array<i32>} : memref<2048xi32, #tpu.memory_space<vmem>>, vector<16xi32>,
        tpu.vector_store %arg15[%swap3A_309], %and3A_306 {strides = array<i32>} : memref<2048xi32, #tpu.memory_space<vmem>>, vector<16xi32>,
        %add3A_311 = arith.constant 0 : i32
        %add3A_312 = vector.broadcast %add3A_311 : i32 to vector<16xi32>
        %add3A_313 = arith.addi %add3A_303, %add3A_312 : vector<16xi32>
        %add3A_314 = arith.constant 4096 : i32
        %add3A_315 = arith.addi %add3A_314, %multiple_of3A : i32
        %swap3A_316 = arith.index_cast %add3A_315 : i32 to index
        %swap3A_317 = tpu.vector_load %arg14[%swap3A_316] {strides = array<i32>} : memref<8192xi32, #tpu.memory_space<vmem>>, vector<16xi32>,
        tpu.vector_store %arg14[%swap3A_316], %add3A_313 {strides = array<i32>} : memref<8192xi32, #tpu.memory_space<vmem>>, vector<16xi32>,
        %add3A_318 = arith.constant 16 : i32
        %add3A_319 = vector.broadcast %add3A_318 : i32 to vector<16xi32>
        %add3A_320 = arith.addi %add3A_303, %add3A_319 : vector<16xi32>
        %add3A_321 = arith.constant 4352 : i32
        %add3A_322 = arith.addi %add3A_321, %multiple_of3A : i32
        %swap3A_323 = arith.index_cast %add3A_322 : i32 to index
        %swap3A_324 = tpu.vector_load %arg14[%swap3A_323] {strides = array<i32>} : memref<8192xi32, #tpu.memory_space<vmem>>, vector<16xi32>,
        tpu.vector_store %arg14[%swap3A_323], %add3A_320 {strides = array<i32>} : memref<8192xi32, #tpu.memory_space<vmem>>, vector<16xi32>,
        %add3A_325 = arith.constant 32 : i32
        %add3A_326 = vector.broadcast %add3A_325 : i32 to vector<16xi32>
        %add3A_327 = arith.addi %add3A_303, %add3A_326 : vector<16xi32>
        %add3A_328 = arith.constant 4608 : i32
        %add3A_329 = arith.addi %add3A_328, %multiple_of3A : i32
        %swap3A_330 = arith.index_cast %add3A_329 : i32 to index
        %swap3A_331 = tpu.vector_load %arg14[%swap3A_330] {strides = array<i32>} : memref<8192xi32, #tpu.memory_space<vmem>>, vector<16xi32>,
        tpu.vector_store %arg14[%swap3A_330], %add3A_327 {strides = array<i32>} : memref<8192xi32, #tpu.memory_space<vmem>>, vector<16xi32>,
        %add3A_332 = arith.constant 48 : i32
        %add3A_333 = vector.broadcast %add3A_332 : i32 to vector<16xi32>
        %add3A_334 = arith.addi %add3A_303, %add3A_333 : vector<16xi32>
        %add3A_335 = arith.constant 4864 : i32
        %add3A_336 = arith.addi %add3A_335, %multiple_of3A : i32
        %swap3A_337 = arith.index_cast %add3A_336 : i32 to index
        %swap3A_338 = tpu.vector_load %arg14[%swap3A_337] {strides = array<i32>} : memref<8192xi32, #tpu.memory_space<vmem>>, vector<16xi32>,
        tpu.vector_store %arg14[%swap3A_337], %add3A_334 {strides = array<i32>} : memref<8192xi32, #tpu.memory_space<vmem>>, vector<16xi32>,
        %shift_right_arithmetic3A_339 = arith.constant 7 : i32
        %shift_right_arithmetic3A_340 = vector.broadcast %shift_right_arithmetic3A_339 : i32 to vector<16xi32>
        %shift_right_arithmetic3A_341 = arith.shrsi %and3A_286, %shift_right_arithmetic3A_340 : vector<16xi32>
        %shift_left3A_342 = arith.constant 6 : i32
        %shift_left3A_343 = vector.broadcast %shift_left3A_342 : i32 to vector<16xi32>
        %shift_left3A_344 = arith.shli %shift_right_arithmetic3A_341, %shift_left3A_343 : vector<16xi32>
        %shift_right_arithmetic3A_345 = arith.constant 3 : i32
        %shift_right_arithmetic3A_346 = vector.broadcast %shift_right_arithmetic3A_345 : i32 to vector<16xi32>
        %shift_right_arithmetic3A_347 = arith.shrsi %and3A_286, %shift_right_arithmetic3A_346 : vector<16xi32>
        %and3A_348 = arith.constant 15 : i32
        %and3A_349 = vector.broadcast %and3A_348 : i32 to vector<16xi32>
        %and3A_350 = arith.andi %shift_right_arithmetic3A_347, %and3A_349 : vector<16xi32>
        %add3A_351 = arith.addi %shift_left3A_344, %and3A_350 : vector<16xi32>
        %and3A_352 = arith.constant 7 : i32
        %and3A_353 = vector.broadcast %and3A_352 : i32 to vector<16xi32>
        %and3A_354 = arith.andi %and3A_286, %and3A_353 : vector<16xi32>
        %add3A_355 = arith.constant 1280 : i32
        %add3A_356 = arith.addi %add3A_355, %multiple_of3A : i32
        %swap3A_357 = arith.index_cast %add3A_356 : i32 to index
        %swap3A_358 = tpu.vector_load %arg15[%swap3A_357] {strides = array<i32>} : memref<2048xi32, #tpu.memory_space<vmem>>, vector<16xi32>,
        tpu.vector_store %arg15[%swap3A_357], %and3A_354 {strides = array<i32>} : memref<2048xi32, #tpu.memory_space<vmem>>, vector<16xi32>,
        %add3A_359 = arith.constant 0 : i32
        %add3A_360 = vector.broadcast %add3A_359 : i32 to vector<16xi32>
        %add3A_361 = arith.addi %add3A_351, %add3A_360 : vector<16xi32>
        %add3A_362 = arith.constant 5120 : i32
        %add3A_363 = arith.addi %add3A_362, %multiple_of3A : i32
        %swap3A_364 = arith.index_cast %add3A_363 : i32 to index
        %swap3A_365 = tpu.vector_load %arg14[%swap3A_364] {strides = array<i32>} : memref<8192xi32, #tpu.memory_space<vmem>>, vector<16xi32>,
        tpu.vector_store %arg14[%swap3A_364], %add3A_361 {strides = array<i32>} : memref<8192xi32, #tpu.memory_space<vmem>>, vector<16xi32>,
        %add3A_366 = arith.constant 16 : i32
        %add3A_367 = vector.broadcast %add3A_366 : i32 to vector<16xi32>
        %add3A_368 = arith.addi %add3A_351, %add3A_367 : vector<16xi32>
        %add3A_369 = arith.constant 5376 : i32
        %add3A_370 = arith.addi %add3A_369, %multiple_of3A : i32
        %swap3A_371 = arith.index_cast %add3A_370 : i32 to index
        %swap3A_372 = tpu.vector_load %arg14[%swap3A_371] {strides = array<i32>} : memref<8192xi32, #tpu.memory_space<vmem>>, vector<16xi32>,
        tpu.vector_store %arg14[%swap3A_371], %add3A_368 {strides = array<i32>} : memref<8192xi32, #tpu.memory_space<vmem>>, vector<16xi32>,
        %add3A_373 = arith.constant 32 : i32
        %add3A_374 = vector.broadcast %add3A_373 : i32 to vector<16xi32>
        %add3A_375 = arith.addi %add3A_351, %add3A_374 : vector<16xi32>
        %add3A_376 = arith.constant 5632 : i32
        %add3A_377 = arith.addi %add3A_376, %multiple_of3A : i32
        %swap3A_378 = arith.index_cast %add3A_377 : i32 to index
        %swap3A_379 = tpu.vector_load %arg14[%swap3A_378] {strides = array<i32>} : memref<8192xi32, #tpu.memory_space<vmem>>, vector<16xi32>,
        tpu.vector_store %arg14[%swap3A_378], %add3A_375 {strides = array<i32>} : memref<8192xi32, #tpu.memory_space<vmem>>, vector<16xi32>,
        %add3A_380 = arith.constant 48 : i32
        %add3A_381 = vector.broadcast %add3A_380 : i32 to vector<16xi32>
        %add3A_382 = arith.addi %add3A_351, %add3A_381 : vector<16xi32>
        %add3A_383 = arith.constant 5888 : i32
        %add3A_384 = arith.addi %add3A_383, %multiple_of3A : i32
        %swap3A_385 = arith.index_cast %add3A_384 : i32 to index
        %swap3A_386 = tpu.vector_load %arg14[%swap3A_385] {strides = array<i32>} : memref<8192xi32, #tpu.memory_space<vmem>>, vector<16xi32>,
        tpu.vector_store %arg14[%swap3A_385], %add3A_382 {strides = array<i32>} : memref<8192xi32, #tpu.memory_space<vmem>>, vector<16xi32>,
        %shift_right_arithmetic3A_387 = arith.constant 7 : i32
        %shift_right_arithmetic3A_388 = vector.broadcast %shift_right_arithmetic3A_387 : i32 to vector<16xi32>
        %shift_right_arithmetic3A_389 = arith.shrsi %and3A_289, %shift_right_arithmetic3A_388 : vector<16xi32>
        %shift_left3A_390 = arith.constant 6 : i32
        %shift_left3A_391 = vector.broadcast %shift_left3A_390 : i32 to vector<16xi32>
        %shift_left3A_392 = arith.shli %shift_right_arithmetic3A_389, %shift_left3A_391 : vector<16xi32>
        %shift_right_arithmetic3A_393 = arith.constant 3 : i32
        %shift_right_arithmetic3A_394 = vector.broadcast %shift_right_arithmetic3A_393 : i32 to vector<16xi32>
        %shift_right_arithmetic3A_395 = arith.shrsi %and3A_289, %shift_right_arithmetic3A_394 : vector<16xi32>
        %and3A_396 = arith.constant 15 : i32
        %and3A_397 = vector.broadcast %and3A_396 : i32 to vector<16xi32>
        %and3A_398 = arith.andi %shift_right_arithmetic3A_395, %and3A_397 : vector<16xi32>
        %add3A_399 = arith.addi %shift_left3A_392, %and3A_398 : vector<16xi32>
        %and3A_400 = arith.constant 7 : i32
        %and3A_401 = vector.broadcast %and3A_400 : i32 to vector<16xi32>
        %and3A_402 = arith.andi %and3A_289, %and3A_401 : vector<16xi32>
        %add3A_403 = arith.constant 1536 : i32
        %add3A_404 = arith.addi %add3A_403, %multiple_of3A : i32
        %swap3A_405 = arith.index_cast %add3A_404 : i32 to index
        %swap3A_406 = tpu.vector_load %arg15[%swap3A_405] {strides = array<i32>} : memref<2048xi32, #tpu.memory_space<vmem>>, vector<16xi32>,
        tpu.vector_store %arg15[%swap3A_405], %and3A_402 {strides = array<i32>} : memref<2048xi32, #tpu.memory_space<vmem>>, vector<16xi32>,
        %add3A_407 = arith.constant 0 : i32
        %add3A_408 = vector.broadcast %add3A_407 : i32 to vector<16xi32>
        %add3A_409 = arith.addi %add3A_399, %add3A_408 : vector<16xi32>
        %add3A_410 = arith.constant 6144 : i32
        %add3A_411 = arith.addi %add3A_410, %multiple_of3A : i32
        %swap3A_412 = arith.index_cast %add3A_411 : i32 to index
        %swap3A_413 = tpu.vector_load %arg14[%swap3A_412] {strides = array<i32>} : memref<8192xi32, #tpu.memory_space<vmem>>, vector<16xi32>,
        tpu.vector_store %arg14[%swap3A_412], %add3A_409 {strides = array<i32>} : memref<8192xi32, #tpu.memory_space<vmem>>, vector<16xi32>,
        %add3A_414 = arith.constant 16 : i32
        %add3A_415 = vector.broadcast %add3A_414 : i32 to vector<16xi32>
        %add3A_416 = arith.addi %add3A_399, %add3A_415 : vector<16xi32>
        %add3A_417 = arith.constant 6400 : i32
        %add3A_418 = arith.addi %add3A_417, %multiple_of3A : i32
        %swap3A_419 = arith.index_cast %add3A_418 : i32 to index
        %swap3A_420 = tpu.vector_load %arg14[%swap3A_419] {strides = array<i32>} : memref<8192xi32, #tpu.memory_space<vmem>>, vector<16xi32>,
        tpu.vector_store %arg14[%swap3A_419], %add3A_416 {strides = array<i32>} : memref<8192xi32, #tpu.memory_space<vmem>>, vector<16xi32>,
        %add3A_421 = arith.constant 32 : i32
        %add3A_422 = vector.broadcast %add3A_421 : i32 to vector<16xi32>
        %add3A_423 = arith.addi %add3A_399, %add3A_422 : vector<16xi32>
        %add3A_424 = arith.constant 6656 : i32
        %add3A_425 = arith.addi %add3A_424, %multiple_of3A : i32
        %swap3A_426 = arith.index_cast %add3A_425 : i32 to index
        %swap3A_427 = tpu.vector_load %arg14[%swap3A_426] {strides = array<i32>} : memref<8192xi32, #tpu.memory_space<vmem>>, vector<16xi32>,
        tpu.vector_store %arg14[%swap3A_426], %add3A_423 {strides = array<i32>} : memref<8192xi32, #tpu.memory_space<vmem>>, vector<16xi32>,
        %add3A_428 = arith.constant 48 : i32
        %add3A_429 = vector.broadcast %add3A_428 : i32 to vector<16xi32>
        %add3A_430 = arith.addi %add3A_399, %add3A_429 : vector<16xi32>
        %add3A_431 = arith.constant 6912 : i32
        %add3A_432 = arith.addi %add3A_431, %multiple_of3A : i32
        %swap3A_433 = arith.index_cast %add3A_432 : i32 to index
        %swap3A_434 = tpu.vector_load %arg14[%swap3A_433] {strides = array<i32>} : memref<8192xi32, #tpu.memory_space<vmem>>, vector<16xi32>,
        tpu.vector_store %arg14[%swap3A_433], %add3A_430 {strides = array<i32>} : memref<8192xi32, #tpu.memory_space<vmem>>, vector<16xi32>,
        %shift_right_arithmetic3A_435 = arith.constant 7 : i32
        %shift_right_arithmetic3A_436 = vector.broadcast %shift_right_arithmetic3A_435 : i32 to vector<16xi32>
        %shift_right_arithmetic3A_437 = arith.shrsi %and3A_292, %shift_right_arithmetic3A_436 : vector<16xi32>
        %shift_left3A_438 = arith.constant 6 : i32
        %shift_left3A_439 = vector.broadcast %shift_left3A_438 : i32 to vector<16xi32>
        %shift_left3A_440 = arith.shli %shift_right_arithmetic3A_437, %shift_left3A_439 : vector<16xi32>
        %shift_right_arithmetic3A_441 = arith.constant 3 : i32
        %shift_right_arithmetic3A_442 = vector.broadcast %shift_right_arithmetic3A_441 : i32 to vector<16xi32>
        %shift_right_arithmetic3A_443 = arith.shrsi %and3A_292, %shift_right_arithmetic3A_442 : vector<16xi32>
        %and3A_444 = arith.constant 15 : i32
        %and3A_445 = vector.broadcast %and3A_444 : i32 to vector<16xi32>
        %and3A_446 = arith.andi %shift_right_arithmetic3A_443, %and3A_445 : vector<16xi32>
        %add3A_447 = arith.addi %shift_left3A_440, %and3A_446 : vector<16xi32>
        %and3A_448 = arith.constant 7 : i32
        %and3A_449 = vector.broadcast %and3A_448 : i32 to vector<16xi32>
        %and3A_450 = arith.andi %and3A_292, %and3A_449 : vector<16xi32>
        %add3A_451 = arith.constant 1792 : i32
        %add3A_452 = arith.addi %add3A_451, %multiple_of3A : i32
        %swap3A_453 = arith.index_cast %add3A_452 : i32 to index
        %swap3A_454 = tpu.vector_load %arg15[%swap3A_453] {strides = array<i32>} : memref<2048xi32, #tpu.memory_space<vmem>>, vector<16xi32>,
        tpu.vector_store %arg15[%swap3A_453], %and3A_450 {strides = array<i32>} : memref<2048xi32, #tpu.memory_space<vmem>>, vector<16xi32>,
        %add3A_455 = arith.constant 0 : i32
        %add3A_456 = vector.broadcast %add3A_455 : i32 to vector<16xi32>
        %add3A_457 = arith.addi %add3A_447, %add3A_456 : vector<16xi32>
        %add3A_458 = arith.constant 7168 : i32
        %add3A_459 = arith.addi %add3A_458, %multiple_of3A : i32
        %swap3A_460 = arith.index_cast %add3A_459 : i32 to index
        %swap3A_461 = tpu.vector_load %arg14[%swap3A_460] {strides = array<i32>} : memref<8192xi32, #tpu.memory_space<vmem>>, vector<16xi32>,
        tpu.vector_store %arg14[%swap3A_460], %add3A_457 {strides = array<i32>} : memref<8192xi32, #tpu.memory_space<vmem>>, vector<16xi32>,
        %add3A_462 = arith.constant 16 : i32
        %add3A_463 = vector.broadcast %add3A_462 : i32 to vector<16xi32>
        %add3A_464 = arith.addi %add3A_447, %add3A_463 : vector<16xi32>
        %add3A_465 = arith.constant 7424 : i32
        %add3A_466 = arith.addi %add3A_465, %multiple_of3A : i32
        %swap3A_467 = arith.index_cast %add3A_466 : i32 to index
        %swap3A_468 = tpu.vector_load %arg14[%swap3A_467] {strides = array<i32>} : memref<8192xi32, #tpu.memory_space<vmem>>, vector<16xi32>,
        tpu.vector_store %arg14[%swap3A_467], %add3A_464 {strides = array<i32>} : memref<8192xi32, #tpu.memory_space<vmem>>, vector<16xi32>,
        %add3A_469 = arith.constant 32 : i32
        %add3A_470 = vector.broadcast %add3A_469 : i32 to vector<16xi32>
        %add3A_471 = arith.addi %add3A_447, %add3A_470 : vector<16xi32>
        %add3A_472 = arith.constant 7680 : i32
        %add3A_473 = arith.addi %add3A_472, %multiple_of3A : i32
        %swap3A_474 = arith.index_cast %add3A_473 : i32 to index
        %swap3A_475 = tpu.vector_load %arg14[%swap3A_474] {strides = array<i32>} : memref<8192xi32, #tpu.memory_space<vmem>>, vector<16xi32>,
        tpu.vector_store %arg14[%swap3A_474], %add3A_471 {strides = array<i32>} : memref<8192xi32, #tpu.memory_space<vmem>>, vector<16xi32>,
        %add3A_476 = arith.constant 48 : i32
        %add3A_477 = vector.broadcast %add3A_476 : i32 to vector<16xi32>
        %add3A_478 = arith.addi %add3A_447, %add3A_477 : vector<16xi32>
        %add3A_479 = arith.constant 7936 : i32
        %add3A_480 = arith.addi %add3A_479, %multiple_of3A : i32
        %swap3A_481 = arith.index_cast %add3A_480 : i32 to index
        %swap3A_482 = tpu.vector_load %arg14[%swap3A_481] {strides = array<i32>} : memref<8192xi32, #tpu.memory_space<vmem>>, vector<16xi32>,
        tpu.vector_store %arg14[%swap3A_481], %add3A_478 {strides = array<i32>} : memref<8192xi32, #tpu.memory_space<vmem>>, vector<16xi32>,
      }
      %scan3A_173 = arith.constant 16 : i32
      %dma_start3A_174 = arith.constant 4096 : i32
      %dma_start3A_175 = arith.constant 0 : i32
      %dma_start3A_176 = tpu.memref_slice %arg16[%dma_start3A_174, %dma_start3A_175] : memref<8192x8xf32, #tpu.memory_space<vmem>> -> memref<2048x8xf32, #tpu.memory_space<vmem>>
      %dma_start3A_177 = arith.constant 4096 : i32
      %dma_start3A_178 = tpu.memref_slice %arg14[%dma_start3A_177] : memref<8192xi32, #tpu.memory_space<vmem>> -> memref<2048xi32, #tpu.memory_space<vmem>>
      %dma_start3A_179 = arith.constant 0 : i32
      %dma_start3A_180 = arith.constant 0 : i32
      %dma_start3A_181 = tpu.memref_slice %arg7[%dma_start3A_179, %dma_start3A_180] : memref<1048576x8xf32, #tpu.memory_space<hbm>> -> memref<1048576x8xf32, #tpu.memory_space<hbm>>
      tpu.enqueue_indirect_dma source(%dma_start3A_181 : memref<1048576x8xf32, #tpu.memory_space<hbm>>) target(%dma_start3A_176 : memref<2048x8xf32, #tpu.memory_space<vmem>>) offsets(%dma_start3A_178 : memref<2048xi32, #tpu.memory_space<vmem>>) semaphore(%arg20 : memref<!tpu.dma_semaphore, #tpu.memory_space<semaphore_mem>>)
      %dma_start3A_182 = arith.constant 6144 : i32
      %dma_start3A_183 = arith.constant 0 : i32
      %dma_start3A_184 = tpu.memref_slice %arg16[%dma_start3A_182, %dma_start3A_183] : memref<8192x8xf32, #tpu.memory_space<vmem>> -> memref<2048x8xf32, #tpu.memory_space<vmem>>
      %dma_start3A_185 = arith.constant 6144 : i32
      %dma_start3A_186 = tpu.memref_slice %arg14[%dma_start3A_185] : memref<8192xi32, #tpu.memory_space<vmem>> -> memref<2048xi32, #tpu.memory_space<vmem>>
      %dma_start3A_187 = arith.constant 0 : i32
      %dma_start3A_188 = arith.constant 0 : i32
      %dma_start3A_189 = tpu.memref_slice %arg7[%dma_start3A_187, %dma_start3A_188] : memref<1048576x8xf32, #tpu.memory_space<hbm>> -> memref<1048576x8xf32, #tpu.memory_space<hbm>>
      tpu.enqueue_indirect_dma source(%dma_start3A_189 : memref<1048576x8xf32, #tpu.memory_space<hbm>>) target(%dma_start3A_184 : memref<2048x8xf32, #tpu.memory_space<vmem>>) offsets(%dma_start3A_186 : memref<2048xi32, #tpu.memory_space<vmem>>) semaphore(%arg20 : memref<!tpu.dma_semaphore, #tpu.memory_space<semaphore_mem>>)
      %dma_wait3A_190 = arith.constant 0 : i32
      %dma_wait3A_191 = arith.constant 0 : i32
      %dma_wait3A_192 = tpu.memref_slice %arg16[%dma_wait3A_190, %dma_wait3A_191] : memref<8192x8xf32, #tpu.memory_space<vmem>> -> memref<2048x8xf32, #tpu.memory_space<vmem>>
      %dma_wait3A_193 = arith.constant 0 : i32
      %dma_wait3A_194 = tpu.memref_slice %arg14[%dma_wait3A_193] : memref<8192xi32, #tpu.memory_space<vmem>> -> memref<2048xi32, #tpu.memory_space<vmem>>
      %dma_wait3A_195 = arith.constant 0 : i32
      %dma_wait3A_196 = arith.constant 0 : i32
      %dma_wait3A_197 = tpu.memref_slice %arg6[%dma_wait3A_195, %dma_wait3A_196] : memref<1048576x8xf32, #tpu.memory_space<hbm>> -> memref<1048576x8xf32, #tpu.memory_space<hbm>>
      tpu.wait_indirect_dma semaphore(%arg19 : memref<!tpu.dma_semaphore, #tpu.memory_space<semaphore_mem>>) src(%dma_wait3A_197 : memref<1048576x8xf32, #tpu.memory_space<hbm>>) dst(%dma_wait3A_192 : memref<2048x8xf32, #tpu.memory_space<vmem>>)
      %dma_wait3A_198 = arith.constant 2048 : i32
      %dma_wait3A_199 = arith.constant 0 : i32
      %dma_wait3A_200 = tpu.memref_slice %arg16[%dma_wait3A_198, %dma_wait3A_199] : memref<8192x8xf32, #tpu.memory_space<vmem>> -> memref<2048x8xf32, #tpu.memory_space<vmem>>
      %dma_wait3A_201 = arith.constant 2048 : i32
      %dma_wait3A_202 = tpu.memref_slice %arg14[%dma_wait3A_201] : memref<8192xi32, #tpu.memory_space<vmem>> -> memref<2048xi32, #tpu.memory_space<vmem>>
      %dma_wait3A_203 = arith.constant 0 : i32
      %dma_wait3A_204 = arith.constant 0 : i32
      %dma_wait3A_205 = tpu.memref_slice %arg6[%dma_wait3A_203, %dma_wait3A_204] : memref<1048576x8xf32, #tpu.memory_space<hbm>> -> memref<1048576x8xf32, #tpu.memory_space<hbm>>
      tpu.wait_indirect_dma semaphore(%arg19 : memref<!tpu.dma_semaphore, #tpu.memory_space<semaphore_mem>>) src(%dma_wait3A_205 : memref<1048576x8xf32, #tpu.memory_space<hbm>>) dst(%dma_wait3A_200 : memref<2048x8xf32, #tpu.memory_space<vmem>>)
      %get3A_206 = arith.constant 32 : index
      %get3A_207 = tpu.vector_load %arg18[%get3A_206] {strides = array<i32>} : memref<64xf32, #tpu.memory_space<vmem>>, vector<16xf32>,
      %scan3A_208 = arith.constant 0 : i32
      %scan3A_209 = arith.constant 16 : i32
      %scan3A_210 = arith.addi %scan3A_208, %scan3A_209 : i32
      %scan3A_211 = arith.constant 1 : i32
      scf.for %scan3A_244 = %scan3A_208 to %scan3A_210 step %scan3A_211  : i32 {
        %mul3A_245 = arith.constant 16 : i32
        %mul3A_246 = arith.muli %scan3A_244, %mul3A_245 : i32
        %multiple_of3A = tpu.assume_multiple %mul3A_246, 16 : i32
        %add3A_247 = vector.broadcast %multiple_of3A : i32 to vector<16xi32>
        %add3A_248 = arith.addi %iota3A, %add3A_247 : vector<16xi32>
        %add3A_249 = arith.constant 0 : i32
        %add3A_250 = arith.addi %add3A_249, %multiple_of3A : i32
        %get3A_251 = arith.index_cast %add3A_250 : i32 to index
        %get3A_252 = tpu.vector_load %arg12[%get3A_251] {strides = array<i32>} : memref<512xf32, #tpu.memory_space<vmem>>, vector<16xf32>,
        %add3A_253 = arith.constant 0 : i32
        %add3A_254 = arith.addi %add3A_253, %multiple_of3A : i32
        %get3A_255 = arith.index_cast %add3A_254 : i32 to index
        %get3A_256 = tpu.vector_load %arg13[%get3A_255] {strides = array<i32>} : memref<512xf32, #tpu.memory_space<vmem>>, vector<16xf32>,
        %sub3A = arith.constant 1.000000e+00 : f32
        %sub3A_257 = vector.broadcast %sub3A : f32 to vector<16xf32>
        %sub3A_258 = arith.subf %sub3A_257, %get3A_252 : vector<16xf32>
        %sub3A_259 = arith.constant 1.000000e+00 : f32
        %sub3A_260 = vector.broadcast %sub3A_259 : f32 to vector<16xf32>
        %sub3A_261 = arith.subf %sub3A_260, %get3A_256 : vector<16xf32>
        %mul3A_262 = arith.mulf %sub3A_258, %sub3A_261 : vector<16xf32>
        %mul3A_263 = arith.mulf %get3A_252, %sub3A_261 : vector<16xf32>
        %mul3A_264 = arith.mulf %sub3A_258, %get3A_256 : vector<16xf32>
        %mul3A_265 = arith.mulf %get3A_252, %get3A_256 : vector<16xf32>
        %add3A_266 = arith.constant 0 : i32
        %add3A_267 = arith.addi %add3A_266, %multiple_of3A : i32
        %get3A_268 = arith.index_cast %add3A_267 : i32 to index
        %get3A_269 = tpu.vector_load %arg15[%get3A_268] {strides = array<i32>} : memref<2048xi32, #tpu.memory_space<vmem>>, vector<16xi32>,
        %add3A_270 = arith.constant 256 : i32
        %add3A_271 = arith.addi %add3A_270, %multiple_of3A : i32
        %get3A_272 = arith.index_cast %add3A_271 : i32 to index
        %get3A_273 = tpu.vector_load %arg15[%get3A_272] {strides = array<i32>} : memref<2048xi32, #tpu.memory_space<vmem>>, vector<16xi32>,
        %add3A_274 = arith.constant 512 : i32
        %add3A_275 = arith.addi %add3A_274, %multiple_of3A : i32
        %get3A_276 = arith.index_cast %add3A_275 : i32 to index
        %get3A_277 = tpu.vector_load %arg15[%get3A_276] {strides = array<i32>} : memref<2048xi32, #tpu.memory_space<vmem>>, vector<16xi32>,
        %add3A_278 = arith.constant 768 : i32
        %add3A_279 = arith.addi %add3A_278, %multiple_of3A : i32
        %get3A_280 = arith.index_cast %add3A_279 : i32 to index
        %get3A_281 = tpu.vector_load %arg15[%get3A_280] {strides = array<i32>} : memref<2048xi32, #tpu.memory_space<vmem>>, vector<16xi32>,
        %add3A_282 = arith.constant 0 : i32
        %add3A_283 = vector.broadcast %add3A_282 : i32 to vector<16xi32>
        %add3A_284 = arith.addi %add3A_248, %add3A_283 : vector<16xi32>
        %gather3A = tpu.vector_load_idx %arg16[%add3A_284, %get3A_269] : memref<8192x8xf32, #tpu.memory_space<vmem>>[vector<16xi32>, vector<16xi32>], vector<16xf32>,
        %mul3A_285 = arith.mulf %mul3A_262, %gather3A : vector<16xf32>
        %add3A_286 = arith.constant 1024 : i32
        %add3A_287 = vector.broadcast %add3A_286 : i32 to vector<16xi32>
        %add3A_288 = arith.addi %add3A_248, %add3A_287 : vector<16xi32>
        %gather3A_289 = tpu.vector_load_idx %arg16[%add3A_288, %get3A_273] : memref<8192x8xf32, #tpu.memory_space<vmem>>[vector<16xi32>, vector<16xi32>], vector<16xf32>,
        %mul3A_290 = arith.mulf %mul3A_263, %gather3A_289 : vector<16xf32>
        %add3A_291 = arith.addf %mul3A_285, %mul3A_290 : vector<16xf32>
        %add3A_292 = arith.constant 2048 : i32
        %add3A_293 = vector.broadcast %add3A_292 : i32 to vector<16xi32>
        %add3A_294 = arith.addi %add3A_248, %add3A_293 : vector<16xi32>
        %gather3A_295 = tpu.vector_load_idx %arg16[%add3A_294, %get3A_277] : memref<8192x8xf32, #tpu.memory_space<vmem>>[vector<16xi32>, vector<16xi32>], vector<16xf32>,
        %mul3A_296 = arith.mulf %mul3A_264, %gather3A_295 : vector<16xf32>
        %add3A_297 = arith.addf %add3A_291, %mul3A_296 : vector<16xf32>
        %add3A_298 = arith.constant 3072 : i32
        %add3A_299 = vector.broadcast %add3A_298 : i32 to vector<16xi32>
        %add3A_300 = arith.addi %add3A_248, %add3A_299 : vector<16xi32>
        %gather3A_301 = tpu.vector_load_idx %arg16[%add3A_300, %get3A_281] : memref<8192x8xf32, #tpu.memory_space<vmem>>[vector<16xi32>, vector<16xi32>], vector<16xf32>,
        %mul3A_302 = arith.mulf %mul3A_265, %gather3A_301 : vector<16xf32>
        %add3A_303 = arith.addf %add3A_297, %mul3A_302 : vector<16xf32>
        %add3A_304 = arith.constant 256 : i32
        %add3A_305 = vector.broadcast %add3A_304 : i32 to vector<16xi32>
        %add3A_306 = arith.addi %add3A_248, %add3A_305 : vector<16xi32>
        %gather3A_307 = tpu.vector_load_idx %arg16[%add3A_306, %get3A_269] : memref<8192x8xf32, #tpu.memory_space<vmem>>[vector<16xi32>, vector<16xi32>], vector<16xf32>,
        %mul3A_308 = arith.mulf %mul3A_262, %gather3A_307 : vector<16xf32>
        %add3A_309 = arith.constant 1280 : i32
        %add3A_310 = vector.broadcast %add3A_309 : i32 to vector<16xi32>
        %add3A_311 = arith.addi %add3A_248, %add3A_310 : vector<16xi32>
        %gather3A_312 = tpu.vector_load_idx %arg16[%add3A_311, %get3A_273] : memref<8192x8xf32, #tpu.memory_space<vmem>>[vector<16xi32>, vector<16xi32>], vector<16xf32>,
        %mul3A_313 = arith.mulf %mul3A_263, %gather3A_312 : vector<16xf32>
        %add3A_314 = arith.addf %mul3A_308, %mul3A_313 : vector<16xf32>
        %add3A_315 = arith.constant 2304 : i32
        %add3A_316 = vector.broadcast %add3A_315 : i32 to vector<16xi32>
        %add3A_317 = arith.addi %add3A_248, %add3A_316 : vector<16xi32>
        %gather3A_318 = tpu.vector_load_idx %arg16[%add3A_317, %get3A_277] : memref<8192x8xf32, #tpu.memory_space<vmem>>[vector<16xi32>, vector<16xi32>], vector<16xf32>,
        %mul3A_319 = arith.mulf %mul3A_264, %gather3A_318 : vector<16xf32>
        %add3A_320 = arith.addf %add3A_314, %mul3A_319 : vector<16xf32>
        %add3A_321 = arith.constant 3328 : i32
        %add3A_322 = vector.broadcast %add3A_321 : i32 to vector<16xi32>
        %add3A_323 = arith.addi %add3A_248, %add3A_322 : vector<16xi32>
        %gather3A_324 = tpu.vector_load_idx %arg16[%add3A_323, %get3A_281] : memref<8192x8xf32, #tpu.memory_space<vmem>>[vector<16xi32>, vector<16xi32>], vector<16xf32>,
        %mul3A_325 = arith.mulf %mul3A_265, %gather3A_324 : vector<16xf32>
        %add3A_326 = arith.addf %add3A_320, %mul3A_325 : vector<16xf32>
        %add3A_327 = arith.constant 512 : i32
        %add3A_328 = vector.broadcast %add3A_327 : i32 to vector<16xi32>
        %add3A_329 = arith.addi %add3A_248, %add3A_328 : vector<16xi32>
        %gather3A_330 = tpu.vector_load_idx %arg16[%add3A_329, %get3A_269] : memref<8192x8xf32, #tpu.memory_space<vmem>>[vector<16xi32>, vector<16xi32>], vector<16xf32>,
        %mul3A_331 = arith.mulf %mul3A_262, %gather3A_330 : vector<16xf32>
        %add3A_332 = arith.constant 1536 : i32
        %add3A_333 = vector.broadcast %add3A_332 : i32 to vector<16xi32>
        %add3A_334 = arith.addi %add3A_248, %add3A_333 : vector<16xi32>
        %gather3A_335 = tpu.vector_load_idx %arg16[%add3A_334, %get3A_273] : memref<8192x8xf32, #tpu.memory_space<vmem>>[vector<16xi32>, vector<16xi32>], vector<16xf32>,
        %mul3A_336 = arith.mulf %mul3A_263, %gather3A_335 : vector<16xf32>
        %add3A_337 = arith.addf %mul3A_331, %mul3A_336 : vector<16xf32>
        %add3A_338 = arith.constant 2560 : i32
        %add3A_339 = vector.broadcast %add3A_338 : i32 to vector<16xi32>
        %add3A_340 = arith.addi %add3A_248, %add3A_339 : vector<16xi32>
        %gather3A_341 = tpu.vector_load_idx %arg16[%add3A_340, %get3A_277] : memref<8192x8xf32, #tpu.memory_space<vmem>>[vector<16xi32>, vector<16xi32>], vector<16xf32>,
        %mul3A_342 = arith.mulf %mul3A_264, %gather3A_341 : vector<16xf32>
        %add3A_343 = arith.addf %add3A_337, %mul3A_342 : vector<16xf32>
        %add3A_344 = arith.constant 3584 : i32
        %add3A_345 = vector.broadcast %add3A_344 : i32 to vector<16xi32>
        %add3A_346 = arith.addi %add3A_248, %add3A_345 : vector<16xi32>
        %gather3A_347 = tpu.vector_load_idx %arg16[%add3A_346, %get3A_281] : memref<8192x8xf32, #tpu.memory_space<vmem>>[vector<16xi32>, vector<16xi32>], vector<16xf32>,
        %mul3A_348 = arith.mulf %mul3A_265, %gather3A_347 : vector<16xf32>
        %add3A_349 = arith.addf %add3A_343, %mul3A_348 : vector<16xf32>
        %add3A_350 = arith.constant 768 : i32
        %add3A_351 = vector.broadcast %add3A_350 : i32 to vector<16xi32>
        %add3A_352 = arith.addi %add3A_248, %add3A_351 : vector<16xi32>
        %gather3A_353 = tpu.vector_load_idx %arg16[%add3A_352, %get3A_269] : memref<8192x8xf32, #tpu.memory_space<vmem>>[vector<16xi32>, vector<16xi32>], vector<16xf32>,
        %mul3A_354 = arith.mulf %mul3A_262, %gather3A_353 : vector<16xf32>
        %add3A_355 = arith.constant 1792 : i32
        %add3A_356 = vector.broadcast %add3A_355 : i32 to vector<16xi32>
        %add3A_357 = arith.addi %add3A_248, %add3A_356 : vector<16xi32>
        %gather3A_358 = tpu.vector_load_idx %arg16[%add3A_357, %get3A_273] : memref<8192x8xf32, #tpu.memory_space<vmem>>[vector<16xi32>, vector<16xi32>], vector<16xf32>,
        %mul3A_359 = arith.mulf %mul3A_263, %gather3A_358 : vector<16xf32>
        %add3A_360 = arith.addf %mul3A_354, %mul3A_359 : vector<16xf32>
        %add3A_361 = arith.constant 2816 : i32
        %add3A_362 = vector.broadcast %add3A_361 : i32 to vector<16xi32>
        %add3A_363 = arith.addi %add3A_248, %add3A_362 : vector<16xi32>
        %gather3A_364 = tpu.vector_load_idx %arg16[%add3A_363, %get3A_277] : memref<8192x8xf32, #tpu.memory_space<vmem>>[vector<16xi32>, vector<16xi32>], vector<16xf32>,
        %mul3A_365 = arith.mulf %mul3A_264, %gather3A_364 : vector<16xf32>
        %add3A_366 = arith.addf %add3A_360, %mul3A_365 : vector<16xf32>
        %add3A_367 = arith.constant 3840 : i32
        %add3A_368 = vector.broadcast %add3A_367 : i32 to vector<16xi32>
        %add3A_369 = arith.addi %add3A_248, %add3A_368 : vector<16xi32>
        %gather3A_370 = tpu.vector_load_idx %arg16[%add3A_369, %get3A_281] : memref<8192x8xf32, #tpu.memory_space<vmem>>[vector<16xi32>, vector<16xi32>], vector<16xf32>,
        %mul3A_371 = arith.mulf %mul3A_265, %gather3A_370 : vector<16xf32>
        %add3A_372 = arith.addf %add3A_366, %mul3A_371 : vector<16xf32>
        %add3A_373 = arith.addf %add3A_303, %add3A_326 : vector<16xf32>
        %add3A_374 = arith.addf %add3A_373, %add3A_349 : vector<16xf32>
        %add3A_375 = arith.addf %add3A_374, %add3A_372 : vector<16xf32>
        %mul3A_376 = arith.constant 2.500000e-01 : f32
        %mul3A_377 = vector.broadcast %mul3A_376 : f32 to vector<16xf32>
        %mul3A_378 = arith.mulf %add3A_375, %mul3A_377 : vector<16xf32>
        %sub3A_379 = arith.subf %add3A_303, %mul3A_378 : vector<16xf32>
        %sub3A_380 = arith.subf %add3A_326, %mul3A_378 : vector<16xf32>
        %sub3A_381 = arith.subf %add3A_349, %mul3A_378 : vector<16xf32>
        %sub3A_382 = arith.subf %add3A_372, %mul3A_378 : vector<16xf32>
        %mul3A_383 = arith.mulf %sub3A_379, %sub3A_379 : vector<16xf32>
        %mul3A_384 = arith.mulf %sub3A_380, %sub3A_380 : vector<16xf32>
        %add3A_385 = arith.addf %mul3A_383, %mul3A_384 : vector<16xf32>
        %mul3A_386 = arith.mulf %sub3A_381, %sub3A_381 : vector<16xf32>
        %add3A_387 = arith.addf %add3A_385, %mul3A_386 : vector<16xf32>
        %mul3A_388 = arith.mulf %sub3A_382, %sub3A_382 : vector<16xf32>
        %add3A_389 = arith.addf %add3A_387, %mul3A_388 : vector<16xf32>
        %mul3A_390 = arith.constant 2.500000e-01 : f32
        %mul3A_391 = vector.broadcast %mul3A_390 : f32 to vector<16xf32>
        %mul3A_392 = arith.mulf %add3A_389, %mul3A_391 : vector<16xf32>
        %add3A_393 = arith.constant 9.99999974E-6 : f32
        %add3A_394 = vector.broadcast %add3A_393 : f32 to vector<16xf32>
        %add3A_395 = arith.addf %mul3A_392, %add3A_394 : vector<16xf32>
        %bitcast3A = vector.bitcast %add3A_395 : vector<16xf32> to vector<16xi32>
        %shift_right_arithmetic3A = arith.constant 1 : i32
        %shift_right_arithmetic3A_396 = vector.broadcast %shift_right_arithmetic3A : i32 to vector<16xi32>
        %shift_right_arithmetic3A_397 = arith.shrsi %bitcast3A, %shift_right_arithmetic3A_396 : vector<16xi32>
        %sub3A_398 = arith.constant 1597463007 : i32
        %sub3A_399 = vector.broadcast %sub3A_398 : i32 to vector<16xi32>
        %sub3A_400 = arith.subi %sub3A_399, %shift_right_arithmetic3A_397 : vector<16xi32>
        %bitcast3A_401 = vector.bitcast %sub3A_400 : vector<16xi32> to vector<16xf32>
        %mul3A_402 = arith.constant 5.000000e-01 : f32
        %mul3A_403 = vector.broadcast %mul3A_402 : f32 to vector<16xf32>
        %mul3A_404 = arith.mulf %add3A_395, %mul3A_403 : vector<16xf32>
        %mul3A_405 = arith.mulf %mul3A_404, %bitcast3A_401 : vector<16xf32>
        %mul3A_406 = arith.mulf %mul3A_405, %bitcast3A_401 : vector<16xf32>
        %sub3A_407 = arith.constant 1.500000e+00 : f32
        %sub3A_408 = vector.broadcast %sub3A_407 : f32 to vector<16xf32>
        %sub3A_409 = arith.subf %sub3A_408, %mul3A_406 : vector<16xf32>
        %mul3A_410 = arith.mulf %bitcast3A_401, %sub3A_409 : vector<16xf32>
        %mul3A_411 = arith.mulf %mul3A_404, %mul3A_410 : vector<16xf32>
        %mul3A_412 = arith.mulf %mul3A_411, %mul3A_410 : vector<16xf32>
        %sub3A_413 = arith.constant 1.500000e+00 : f32
        %sub3A_414 = vector.broadcast %sub3A_413 : f32 to vector<16xf32>
        %sub3A_415 = arith.subf %sub3A_414, %mul3A_412 : vector<16xf32>
        %mul3A_416 = arith.mulf %mul3A_410, %sub3A_415 : vector<16xf32>
        %mul3A_417 = arith.mulf %mul3A_404, %mul3A_416 : vector<16xf32>
        %mul3A_418 = arith.mulf %mul3A_417, %mul3A_416 : vector<16xf32>
        %sub3A_419 = arith.constant 1.500000e+00 : f32
        %sub3A_420 = vector.broadcast %sub3A_419 : f32 to vector<16xf32>
        %sub3A_421 = arith.subf %sub3A_420, %mul3A_418 : vector<16xf32>
        %mul3A_422 = arith.mulf %mul3A_416, %sub3A_421 : vector<16xf32>
        %mul3A_423 = arith.mulf %mul3A_422, %get3A_207 : vector<16xf32>
        %add3A_424 = vector.broadcast %mul3A_49 : i32 to vector<16xi32>
        %add3A_425 = arith.addi %add3A_248, %add3A_424 : vector<16xi32>
        %broadcast_in_dim3A = arith.constant 8 : i32
        %broadcast_in_dim3A_426 = vector.broadcast %broadcast_in_dim3A : i32 to vector<16xi32>
        %mul3A_427 = arith.mulf %sub3A_379, %mul3A_423 : vector<16xf32>
        tpu.vector_store_idx %arg17[%add3A_425, %broadcast_in_dim3A_426], %mul3A_427 : memref<512x16xf32, #tpu.memory_space<vmem>>[vector<16xi32>, vector<16xi32>], vector<16xf32>,
        %broadcast_in_dim3A_428 = arith.constant 9 : i32
        %broadcast_in_dim3A_429 = vector.broadcast %broadcast_in_dim3A_428 : i32 to vector<16xi32>
        %mul3A_430 = arith.mulf %sub3A_380, %mul3A_423 : vector<16xf32>
        tpu.vector_store_idx %arg17[%add3A_425, %broadcast_in_dim3A_429], %mul3A_430 : memref<512x16xf32, #tpu.memory_space<vmem>>[vector<16xi32>, vector<16xi32>], vector<16xf32>,
        %broadcast_in_dim3A_431 = arith.constant 10 : i32
        %broadcast_in_dim3A_432 = vector.broadcast %broadcast_in_dim3A_431 : i32 to vector<16xi32>
        %mul3A_433 = arith.mulf %sub3A_381, %mul3A_423 : vector<16xf32>
        tpu.vector_store_idx %arg17[%add3A_425, %broadcast_in_dim3A_432], %mul3A_433 : memref<512x16xf32, #tpu.memory_space<vmem>>[vector<16xi32>, vector<16xi32>], vector<16xf32>,
        %broadcast_in_dim3A_434 = arith.constant 11 : i32
        %broadcast_in_dim3A_435 = vector.broadcast %broadcast_in_dim3A_434 : i32 to vector<16xi32>
        %mul3A_436 = arith.mulf %sub3A_382, %mul3A_423 : vector<16xf32>
        tpu.vector_store_idx %arg17[%add3A_425, %broadcast_in_dim3A_435], %mul3A_436 : memref<512x16xf32, #tpu.memory_space<vmem>>[vector<16xi32>, vector<16xi32>], vector<16xf32>,
      }
      %scan3A_212 = arith.constant 16 : i32
      %dma_wait3A_213 = arith.constant 4096 : i32
      %dma_wait3A_214 = arith.constant 0 : i32
      %dma_wait3A_215 = tpu.memref_slice %arg16[%dma_wait3A_213, %dma_wait3A_214] : memref<8192x8xf32, #tpu.memory_space<vmem>> -> memref<2048x8xf32, #tpu.memory_space<vmem>>
      %dma_wait3A_216 = arith.constant 4096 : i32
      %dma_wait3A_217 = tpu.memref_slice %arg14[%dma_wait3A_216] : memref<8192xi32, #tpu.memory_space<vmem>> -> memref<2048xi32, #tpu.memory_space<vmem>>
      %dma_wait3A_218 = arith.constant 0 : i32
      %dma_wait3A_219 = arith.constant 0 : i32
      %dma_wait3A_220 = tpu.memref_slice %arg7[%dma_wait3A_218, %dma_wait3A_219] : memref<1048576x8xf32, #tpu.memory_space<hbm>> -> memref<1048576x8xf32, #tpu.memory_space<hbm>>
      tpu.wait_indirect_dma semaphore(%arg20 : memref<!tpu.dma_semaphore, #tpu.memory_space<semaphore_mem>>) src(%dma_wait3A_220 : memref<1048576x8xf32, #tpu.memory_space<hbm>>) dst(%dma_wait3A_215 : memref<2048x8xf32, #tpu.memory_space<vmem>>)
      %dma_wait3A_221 = arith.constant 6144 : i32
      %dma_wait3A_222 = arith.constant 0 : i32
      %dma_wait3A_223 = tpu.memref_slice %arg16[%dma_wait3A_221, %dma_wait3A_222] : memref<8192x8xf32, #tpu.memory_space<vmem>> -> memref<2048x8xf32, #tpu.memory_space<vmem>>
      %dma_wait3A_224 = arith.constant 6144 : i32
      %dma_wait3A_225 = tpu.memref_slice %arg14[%dma_wait3A_224] : memref<8192xi32, #tpu.memory_space<vmem>> -> memref<2048xi32, #tpu.memory_space<vmem>>
      %dma_wait3A_226 = arith.constant 0 : i32
      %dma_wait3A_227 = arith.constant 0 : i32
      %dma_wait3A_228 = tpu.memref_slice %arg7[%dma_wait3A_226, %dma_wait3A_227] : memref<1048576x8xf32, #tpu.memory_space<hbm>> -> memref<1048576x8xf32, #tpu.memory_space<hbm>>
      tpu.wait_indirect_dma semaphore(%arg20 : memref<!tpu.dma_semaphore, #tpu.memory_space<semaphore_mem>>) src(%dma_wait3A_228 : memref<1048576x8xf32, #tpu.memory_space<hbm>>) dst(%dma_wait3A_223 : memref<2048x8xf32, #tpu.memory_space<vmem>>)
      %get3A_229 = arith.constant 48 : index
      %get3A_230 = tpu.vector_load %arg18[%get3A_229] {strides = array<i32>} : memref<64xf32, #tpu.memory_space<vmem>>, vector<16xf32>,
      %scan3A_231 = arith.constant 0 : i32
      %scan3A_232 = arith.constant 16 : i32
      %scan3A_233 = arith.addi %scan3A_231, %scan3A_232 : i32
      %scan3A_234 = arith.constant 1 : i32
      scf.for %scan3A_244 = %scan3A_231 to %scan3A_233 step %scan3A_234  : i32 {
        %mul3A_245 = arith.constant 16 : i32
        %mul3A_246 = arith.muli %scan3A_244, %mul3A_245 : i32
        %multiple_of3A = tpu.assume_multiple %mul3A_246, 16 : i32
        %add3A_247 = vector.broadcast %multiple_of3A : i32 to vector<16xi32>
        %add3A_248 = arith.addi %iota3A, %add3A_247 : vector<16xi32>
        %add3A_249 = arith.constant 256 : i32
        %add3A_250 = arith.addi %add3A_249, %multiple_of3A : i32
        %get3A_251 = arith.index_cast %add3A_250 : i32 to index
        %get3A_252 = tpu.vector_load %arg12[%get3A_251] {strides = array<i32>} : memref<512xf32, #tpu.memory_space<vmem>>, vector<16xf32>,
        %add3A_253 = arith.constant 256 : i32
        %add3A_254 = arith.addi %add3A_253, %multiple_of3A : i32
        %get3A_255 = arith.index_cast %add3A_254 : i32 to index
        %get3A_256 = tpu.vector_load %arg13[%get3A_255] {strides = array<i32>} : memref<512xf32, #tpu.memory_space<vmem>>, vector<16xf32>,
        %sub3A = arith.constant 1.000000e+00 : f32
        %sub3A_257 = vector.broadcast %sub3A : f32 to vector<16xf32>
        %sub3A_258 = arith.subf %sub3A_257, %get3A_252 : vector<16xf32>
        %sub3A_259 = arith.constant 1.000000e+00 : f32
        %sub3A_260 = vector.broadcast %sub3A_259 : f32 to vector<16xf32>
        %sub3A_261 = arith.subf %sub3A_260, %get3A_256 : vector<16xf32>
        %mul3A_262 = arith.mulf %sub3A_258, %sub3A_261 : vector<16xf32>
        %mul3A_263 = arith.mulf %get3A_252, %sub3A_261 : vector<16xf32>
        %mul3A_264 = arith.mulf %sub3A_258, %get3A_256 : vector<16xf32>
        %mul3A_265 = arith.mulf %get3A_252, %get3A_256 : vector<16xf32>
        %add3A_266 = arith.constant 1024 : i32
        %add3A_267 = arith.addi %add3A_266, %multiple_of3A : i32
        %get3A_268 = arith.index_cast %add3A_267 : i32 to index
        %get3A_269 = tpu.vector_load %arg15[%get3A_268] {strides = array<i32>} : memref<2048xi32, #tpu.memory_space<vmem>>, vector<16xi32>,
        %add3A_270 = arith.constant 1280 : i32
        %add3A_271 = arith.addi %add3A_270, %multiple_of3A : i32
        %get3A_272 = arith.index_cast %add3A_271 : i32 to index
        %get3A_273 = tpu.vector_load %arg15[%get3A_272] {strides = array<i32>} : memref<2048xi32, #tpu.memory_space<vmem>>, vector<16xi32>,
        %add3A_274 = arith.constant 1536 : i32
        %add3A_275 = arith.addi %add3A_274, %multiple_of3A : i32
        %get3A_276 = arith.index_cast %add3A_275 : i32 to index
        %get3A_277 = tpu.vector_load %arg15[%get3A_276] {strides = array<i32>} : memref<2048xi32, #tpu.memory_space<vmem>>, vector<16xi32>,
        %add3A_278 = arith.constant 1792 : i32
        %add3A_279 = arith.addi %add3A_278, %multiple_of3A : i32
        %get3A_280 = arith.index_cast %add3A_279 : i32 to index
        %get3A_281 = tpu.vector_load %arg15[%get3A_280] {strides = array<i32>} : memref<2048xi32, #tpu.memory_space<vmem>>, vector<16xi32>,
        %add3A_282 = arith.constant 4096 : i32
        %add3A_283 = vector.broadcast %add3A_282 : i32 to vector<16xi32>
        %add3A_284 = arith.addi %add3A_248, %add3A_283 : vector<16xi32>
        %gather3A = tpu.vector_load_idx %arg16[%add3A_284, %get3A_269] : memref<8192x8xf32, #tpu.memory_space<vmem>>[vector<16xi32>, vector<16xi32>], vector<16xf32>,
        %mul3A_285 = arith.mulf %mul3A_262, %gather3A : vector<16xf32>
        %add3A_286 = arith.constant 5120 : i32
        %add3A_287 = vector.broadcast %add3A_286 : i32 to vector<16xi32>
        %add3A_288 = arith.addi %add3A_248, %add3A_287 : vector<16xi32>
        %gather3A_289 = tpu.vector_load_idx %arg16[%add3A_288, %get3A_273] : memref<8192x8xf32, #tpu.memory_space<vmem>>[vector<16xi32>, vector<16xi32>], vector<16xf32>,
        %mul3A_290 = arith.mulf %mul3A_263, %gather3A_289 : vector<16xf32>
        %add3A_291 = arith.addf %mul3A_285, %mul3A_290 : vector<16xf32>
        %add3A_292 = arith.constant 6144 : i32
        %add3A_293 = vector.broadcast %add3A_292 : i32 to vector<16xi32>
        %add3A_294 = arith.addi %add3A_248, %add3A_293 : vector<16xi32>
        %gather3A_295 = tpu.vector_load_idx %arg16[%add3A_294, %get3A_277] : memref<8192x8xf32, #tpu.memory_space<vmem>>[vector<16xi32>, vector<16xi32>], vector<16xf32>,
        %mul3A_296 = arith.mulf %mul3A_264, %gather3A_295 : vector<16xf32>
        %add3A_297 = arith.addf %add3A_291, %mul3A_296 : vector<16xf32>
        %add3A_298 = arith.constant 7168 : i32
        %add3A_299 = vector.broadcast %add3A_298 : i32 to vector<16xi32>
        %add3A_300 = arith.addi %add3A_248, %add3A_299 : vector<16xi32>
        %gather3A_301 = tpu.vector_load_idx %arg16[%add3A_300, %get3A_281] : memref<8192x8xf32, #tpu.memory_space<vmem>>[vector<16xi32>, vector<16xi32>], vector<16xf32>,
        %mul3A_302 = arith.mulf %mul3A_265, %gather3A_301 : vector<16xf32>
        %add3A_303 = arith.addf %add3A_297, %mul3A_302 : vector<16xf32>
        %add3A_304 = arith.constant 4352 : i32
        %add3A_305 = vector.broadcast %add3A_304 : i32 to vector<16xi32>
        %add3A_306 = arith.addi %add3A_248, %add3A_305 : vector<16xi32>
        %gather3A_307 = tpu.vector_load_idx %arg16[%add3A_306, %get3A_269] : memref<8192x8xf32, #tpu.memory_space<vmem>>[vector<16xi32>, vector<16xi32>], vector<16xf32>,
        %mul3A_308 = arith.mulf %mul3A_262, %gather3A_307 : vector<16xf32>
        %add3A_309 = arith.constant 5376 : i32
        %add3A_310 = vector.broadcast %add3A_309 : i32 to vector<16xi32>
        %add3A_311 = arith.addi %add3A_248, %add3A_310 : vector<16xi32>
        %gather3A_312 = tpu.vector_load_idx %arg16[%add3A_311, %get3A_273] : memref<8192x8xf32, #tpu.memory_space<vmem>>[vector<16xi32>, vector<16xi32>], vector<16xf32>,
        %mul3A_313 = arith.mulf %mul3A_263, %gather3A_312 : vector<16xf32>
        %add3A_314 = arith.addf %mul3A_308, %mul3A_313 : vector<16xf32>
        %add3A_315 = arith.constant 6400 : i32
        %add3A_316 = vector.broadcast %add3A_315 : i32 to vector<16xi32>
        %add3A_317 = arith.addi %add3A_248, %add3A_316 : vector<16xi32>
        %gather3A_318 = tpu.vector_load_idx %arg16[%add3A_317, %get3A_277] : memref<8192x8xf32, #tpu.memory_space<vmem>>[vector<16xi32>, vector<16xi32>], vector<16xf32>,
        %mul3A_319 = arith.mulf %mul3A_264, %gather3A_318 : vector<16xf32>
        %add3A_320 = arith.addf %add3A_314, %mul3A_319 : vector<16xf32>
        %add3A_321 = arith.constant 7424 : i32
        %add3A_322 = vector.broadcast %add3A_321 : i32 to vector<16xi32>
        %add3A_323 = arith.addi %add3A_248, %add3A_322 : vector<16xi32>
        %gather3A_324 = tpu.vector_load_idx %arg16[%add3A_323, %get3A_281] : memref<8192x8xf32, #tpu.memory_space<vmem>>[vector<16xi32>, vector<16xi32>], vector<16xf32>,
        %mul3A_325 = arith.mulf %mul3A_265, %gather3A_324 : vector<16xf32>
        %add3A_326 = arith.addf %add3A_320, %mul3A_325 : vector<16xf32>
        %add3A_327 = arith.constant 4608 : i32
        %add3A_328 = vector.broadcast %add3A_327 : i32 to vector<16xi32>
        %add3A_329 = arith.addi %add3A_248, %add3A_328 : vector<16xi32>
        %gather3A_330 = tpu.vector_load_idx %arg16[%add3A_329, %get3A_269] : memref<8192x8xf32, #tpu.memory_space<vmem>>[vector<16xi32>, vector<16xi32>], vector<16xf32>,
        %mul3A_331 = arith.mulf %mul3A_262, %gather3A_330 : vector<16xf32>
        %add3A_332 = arith.constant 5632 : i32
        %add3A_333 = vector.broadcast %add3A_332 : i32 to vector<16xi32>
        %add3A_334 = arith.addi %add3A_248, %add3A_333 : vector<16xi32>
        %gather3A_335 = tpu.vector_load_idx %arg16[%add3A_334, %get3A_273] : memref<8192x8xf32, #tpu.memory_space<vmem>>[vector<16xi32>, vector<16xi32>], vector<16xf32>,
        %mul3A_336 = arith.mulf %mul3A_263, %gather3A_335 : vector<16xf32>
        %add3A_337 = arith.addf %mul3A_331, %mul3A_336 : vector<16xf32>
        %add3A_338 = arith.constant 6656 : i32
        %add3A_339 = vector.broadcast %add3A_338 : i32 to vector<16xi32>
        %add3A_340 = arith.addi %add3A_248, %add3A_339 : vector<16xi32>
        %gather3A_341 = tpu.vector_load_idx %arg16[%add3A_340, %get3A_277] : memref<8192x8xf32, #tpu.memory_space<vmem>>[vector<16xi32>, vector<16xi32>], vector<16xf32>,
        %mul3A_342 = arith.mulf %mul3A_264, %gather3A_341 : vector<16xf32>
        %add3A_343 = arith.addf %add3A_337, %mul3A_342 : vector<16xf32>
        %add3A_344 = arith.constant 7680 : i32
        %add3A_345 = vector.broadcast %add3A_344 : i32 to vector<16xi32>
        %add3A_346 = arith.addi %add3A_248, %add3A_345 : vector<16xi32>
        %gather3A_347 = tpu.vector_load_idx %arg16[%add3A_346, %get3A_281] : memref<8192x8xf32, #tpu.memory_space<vmem>>[vector<16xi32>, vector<16xi32>], vector<16xf32>,
        %mul3A_348 = arith.mulf %mul3A_265, %gather3A_347 : vector<16xf32>
        %add3A_349 = arith.addf %add3A_343, %mul3A_348 : vector<16xf32>
        %add3A_350 = arith.constant 4864 : i32
        %add3A_351 = vector.broadcast %add3A_350 : i32 to vector<16xi32>
        %add3A_352 = arith.addi %add3A_248, %add3A_351 : vector<16xi32>
        %gather3A_353 = tpu.vector_load_idx %arg16[%add3A_352, %get3A_269] : memref<8192x8xf32, #tpu.memory_space<vmem>>[vector<16xi32>, vector<16xi32>], vector<16xf32>,
        %mul3A_354 = arith.mulf %mul3A_262, %gather3A_353 : vector<16xf32>
        %add3A_355 = arith.constant 5888 : i32
        %add3A_356 = vector.broadcast %add3A_355 : i32 to vector<16xi32>
        %add3A_357 = arith.addi %add3A_248, %add3A_356 : vector<16xi32>
        %gather3A_358 = tpu.vector_load_idx %arg16[%add3A_357, %get3A_273] : memref<8192x8xf32, #tpu.memory_space<vmem>>[vector<16xi32>, vector<16xi32>], vector<16xf32>,
        %mul3A_359 = arith.mulf %mul3A_263, %gather3A_358 : vector<16xf32>
        %add3A_360 = arith.addf %mul3A_354, %mul3A_359 : vector<16xf32>
        %add3A_361 = arith.constant 6912 : i32
        %add3A_362 = vector.broadcast %add3A_361 : i32 to vector<16xi32>
        %add3A_363 = arith.addi %add3A_248, %add3A_362 : vector<16xi32>
        %gather3A_364 = tpu.vector_load_idx %arg16[%add3A_363, %get3A_277] : memref<8192x8xf32, #tpu.memory_space<vmem>>[vector<16xi32>, vector<16xi32>], vector<16xf32>,
        %mul3A_365 = arith.mulf %mul3A_264, %gather3A_364 : vector<16xf32>
        %add3A_366 = arith.addf %add3A_360, %mul3A_365 : vector<16xf32>
        %add3A_367 = arith.constant 7936 : i32
        %add3A_368 = vector.broadcast %add3A_367 : i32 to vector<16xi32>
        %add3A_369 = arith.addi %add3A_248, %add3A_368 : vector<16xi32>
        %gather3A_370 = tpu.vector_load_idx %arg16[%add3A_369, %get3A_281] : memref<8192x8xf32, #tpu.memory_space<vmem>>[vector<16xi32>, vector<16xi32>], vector<16xf32>,
        %mul3A_371 = arith.mulf %mul3A_265, %gather3A_370 : vector<16xf32>
        %add3A_372 = arith.addf %add3A_366, %mul3A_371 : vector<16xf32>
        %add3A_373 = arith.addf %add3A_303, %add3A_326 : vector<16xf32>
        %add3A_374 = arith.addf %add3A_373, %add3A_349 : vector<16xf32>
        %add3A_375 = arith.addf %add3A_374, %add3A_372 : vector<16xf32>
        %mul3A_376 = arith.constant 2.500000e-01 : f32
        %mul3A_377 = vector.broadcast %mul3A_376 : f32 to vector<16xf32>
        %mul3A_378 = arith.mulf %add3A_375, %mul3A_377 : vector<16xf32>
        %sub3A_379 = arith.subf %add3A_303, %mul3A_378 : vector<16xf32>
        %sub3A_380 = arith.subf %add3A_326, %mul3A_378 : vector<16xf32>
        %sub3A_381 = arith.subf %add3A_349, %mul3A_378 : vector<16xf32>
        %sub3A_382 = arith.subf %add3A_372, %mul3A_378 : vector<16xf32>
        %mul3A_383 = arith.mulf %sub3A_379, %sub3A_379 : vector<16xf32>
        %mul3A_384 = arith.mulf %sub3A_380, %sub3A_380 : vector<16xf32>
        %add3A_385 = arith.addf %mul3A_383, %mul3A_384 : vector<16xf32>
        %mul3A_386 = arith.mulf %sub3A_381, %sub3A_381 : vector<16xf32>
        %add3A_387 = arith.addf %add3A_385, %mul3A_386 : vector<16xf32>
        %mul3A_388 = arith.mulf %sub3A_382, %sub3A_382 : vector<16xf32>
        %add3A_389 = arith.addf %add3A_387, %mul3A_388 : vector<16xf32>
        %mul3A_390 = arith.constant 2.500000e-01 : f32
        %mul3A_391 = vector.broadcast %mul3A_390 : f32 to vector<16xf32>
        %mul3A_392 = arith.mulf %add3A_389, %mul3A_391 : vector<16xf32>
        %add3A_393 = arith.constant 9.99999974E-6 : f32
        %add3A_394 = vector.broadcast %add3A_393 : f32 to vector<16xf32>
        %add3A_395 = arith.addf %mul3A_392, %add3A_394 : vector<16xf32>
        %bitcast3A = vector.bitcast %add3A_395 : vector<16xf32> to vector<16xi32>
        %shift_right_arithmetic3A = arith.constant 1 : i32
        %shift_right_arithmetic3A_396 = vector.broadcast %shift_right_arithmetic3A : i32 to vector<16xi32>
        %shift_right_arithmetic3A_397 = arith.shrsi %bitcast3A, %shift_right_arithmetic3A_396 : vector<16xi32>
        %sub3A_398 = arith.constant 1597463007 : i32
        %sub3A_399 = vector.broadcast %sub3A_398 : i32 to vector<16xi32>
        %sub3A_400 = arith.subi %sub3A_399, %shift_right_arithmetic3A_397 : vector<16xi32>
        %bitcast3A_401 = vector.bitcast %sub3A_400 : vector<16xi32> to vector<16xf32>
        %mul3A_402 = arith.constant 5.000000e-01 : f32
        %mul3A_403 = vector.broadcast %mul3A_402 : f32 to vector<16xf32>
        %mul3A_404 = arith.mulf %add3A_395, %mul3A_403 : vector<16xf32>
        %mul3A_405 = arith.mulf %mul3A_404, %bitcast3A_401 : vector<16xf32>
        %mul3A_406 = arith.mulf %mul3A_405, %bitcast3A_401 : vector<16xf32>
        %sub3A_407 = arith.constant 1.500000e+00 : f32
        %sub3A_408 = vector.broadcast %sub3A_407 : f32 to vector<16xf32>
        %sub3A_409 = arith.subf %sub3A_408, %mul3A_406 : vector<16xf32>
        %mul3A_410 = arith.mulf %bitcast3A_401, %sub3A_409 : vector<16xf32>
        %mul3A_411 = arith.mulf %mul3A_404, %mul3A_410 : vector<16xf32>
        %mul3A_412 = arith.mulf %mul3A_411, %mul3A_410 : vector<16xf32>
        %sub3A_413 = arith.constant 1.500000e+00 : f32
        %sub3A_414 = vector.broadcast %sub3A_413 : f32 to vector<16xf32>
        %sub3A_415 = arith.subf %sub3A_414, %mul3A_412 : vector<16xf32>
        %mul3A_416 = arith.mulf %mul3A_410, %sub3A_415 : vector<16xf32>
        %mul3A_417 = arith.mulf %mul3A_404, %mul3A_416 : vector<16xf32>
        %mul3A_418 = arith.mulf %mul3A_417, %mul3A_416 : vector<16xf32>
        %sub3A_419 = arith.constant 1.500000e+00 : f32
        %sub3A_420 = vector.broadcast %sub3A_419 : f32 to vector<16xf32>
        %sub3A_421 = arith.subf %sub3A_420, %mul3A_418 : vector<16xf32>
        %mul3A_422 = arith.mulf %mul3A_416, %sub3A_421 : vector<16xf32>
        %mul3A_423 = arith.mulf %mul3A_422, %get3A_230 : vector<16xf32>
        %add3A_424 = vector.broadcast %mul3A_49 : i32 to vector<16xi32>
        %add3A_425 = arith.addi %add3A_248, %add3A_424 : vector<16xi32>
        %broadcast_in_dim3A = arith.constant 12 : i32
        %broadcast_in_dim3A_426 = vector.broadcast %broadcast_in_dim3A : i32 to vector<16xi32>
        %mul3A_427 = arith.mulf %sub3A_379, %mul3A_423 : vector<16xf32>
        tpu.vector_store_idx %arg17[%add3A_425, %broadcast_in_dim3A_426], %mul3A_427 : memref<512x16xf32, #tpu.memory_space<vmem>>[vector<16xi32>, vector<16xi32>], vector<16xf32>,
        %broadcast_in_dim3A_428 = arith.constant 13 : i32
        %broadcast_in_dim3A_429 = vector.broadcast %broadcast_in_dim3A_428 : i32 to vector<16xi32>
        %mul3A_430 = arith.mulf %sub3A_380, %mul3A_423 : vector<16xf32>
        tpu.vector_store_idx %arg17[%add3A_425, %broadcast_in_dim3A_429], %mul3A_430 : memref<512x16xf32, #tpu.memory_space<vmem>>[vector<16xi32>, vector<16xi32>], vector<16xf32>,
        %broadcast_in_dim3A_431 = arith.constant 14 : i32
        %broadcast_in_dim3A_432 = vector.broadcast %broadcast_in_dim3A_431 : i32 to vector<16xi32>
        %mul3A_433 = arith.mulf %sub3A_381, %mul3A_423 : vector<16xf32>
        tpu.vector_store_idx %arg17[%add3A_425, %broadcast_in_dim3A_432], %mul3A_433 : memref<512x16xf32, #tpu.memory_space<vmem>>[vector<16xi32>, vector<16xi32>], vector<16xf32>,
        %broadcast_in_dim3A_434 = arith.constant 15 : i32
        %broadcast_in_dim3A_435 = vector.broadcast %broadcast_in_dim3A_434 : i32 to vector<16xi32>
        %mul3A_436 = arith.mulf %sub3A_382, %mul3A_423 : vector<16xf32>
        tpu.vector_store_idx %arg17[%add3A_425, %broadcast_in_dim3A_435], %mul3A_436 : memref<512x16xf32, #tpu.memory_space<vmem>>[vector<16xi32>, vector<16xi32>], vector<16xf32>,
      }
      %scan3A_235 = arith.constant 16 : i32
      %dma_start3A_236 = arith.constant 0 : i32
      %dma_start3A_237 = tpu.memref_slice %arg17[%mul3A_49, %dma_start3A_236] : memref<512x16xf32, #tpu.memory_space<vmem>> -> memref<256x16xf32, #tpu.memory_space<vmem>>
      %dma_start3A_238 = arith.constant 0 : i32
      %dma_start3A_239 = tpu.memref_slice %arg9[%add3A_33, %dma_start3A_238] : memref<1048576x16xf32, #tpu.memory_space<hbm>> -> memref<256x16xf32, #tpu.memory_space<hbm>>
      %dma_start3A_240 = arith.constant 0 : i32
      %dma_start3A_241 = tpu.memref_slice %arg9[%add3A_33, %dma_start3A_240] : memref<1048576x16xf32, #tpu.memory_space<hbm>> -> memref<256x16xf32, #tpu.memory_space<hbm>>
      %dma_start3A_242 = arith.constant 0 : i32
      %dma_start3A_243 = tpu.memref_slice %arg17[%mul3A_49, %dma_start3A_242] : memref<512x16xf32, #tpu.memory_space<vmem>> -> memref<256x16xf32, #tpu.memory_space<vmem>>
      tpu.enqueue_dma source(%dma_start3A_243 : memref<256x16xf32, #tpu.memory_space<vmem>>) target(%dma_start3A_241 : memref<256x16xf32, #tpu.memory_space<hbm>>) target_semaphore(%arg21 : memref<!tpu.dma_semaphore, #tpu.memory_space<semaphore_mem>>)
    }
    %scan3A_6 = arith.constant 128 : i32
    %add3A_7 = arith.constant 32256 : i32
    %add3A_8 = arith.addi %mul3A_2, %add3A_7 : i32
    %dma_wait3A = arith.constant 0 : i32
    %dma_wait3A_9 = arith.constant 0 : i32
    %dma_wait3A_10 = tpu.memref_slice %arg17[%dma_wait3A, %dma_wait3A_9] : memref<512x16xf32, #tpu.memory_space<vmem>> -> memref<256x16xf32, #tpu.memory_space<vmem>>
    %dma_wait3A_11 = arith.constant 0 : i32
    %dma_wait3A_12 = tpu.memref_slice %arg9[%add3A_8, %dma_wait3A_11] : memref<1048576x16xf32, #tpu.memory_space<hbm>> -> memref<256x16xf32, #tpu.memory_space<hbm>>
    %dma_wait3A_13 = arith.constant 0 : i32
    %dma_wait3A_14 = tpu.memref_slice %arg9[%add3A_8, %dma_wait3A_13] : memref<1048576x16xf32, #tpu.memory_space<hbm>> -> memref<256x16xf32, #tpu.memory_space<hbm>>
    %dma_wait3A_15 = arith.constant 0 : i32
    %dma_wait3A_16 = arith.constant 0 : i32
    %dma_wait3A_17 = tpu.memref_slice %arg17[%dma_wait3A_15, %dma_wait3A_16] : memref<512x16xf32, #tpu.memory_space<vmem>> -> memref<256x16xf32, #tpu.memory_space<vmem>>
    tpu.wait_dma2 semaphore(%arg21 : memref<!tpu.dma_semaphore, #tpu.memory_space<semaphore_mem>>) src(%dma_wait3A_17 : memref<256x16xf32, #tpu.memory_space<vmem>>) dst(%dma_wait3A_14 : memref<256x16xf32, #tpu.memory_space<hbm>>)
    %add3A_18 = arith.constant 32512 : i32
    %add3A_19 = arith.addi %mul3A_2, %add3A_18 : i32
    %dma_wait3A_20 = arith.constant 256 : i32
    %dma_wait3A_21 = arith.constant 0 : i32
    %dma_wait3A_22 = tpu.memref_slice %arg17[%dma_wait3A_20, %dma_wait3A_21] : memref<512x16xf32, #tpu.memory_space<vmem>> -> memref<256x16xf32, #tpu.memory_space<vmem>>
    %dma_wait3A_23 = arith.constant 0 : i32
    %dma_wait3A_24 = tpu.memref_slice %arg9[%add3A_19, %dma_wait3A_23] : memref<1048576x16xf32, #tpu.memory_space<hbm>> -> memref<256x16xf32, #tpu.memory_space<hbm>>
    %dma_wait3A_25 = arith.constant 0 : i32
    %dma_wait3A_26 = tpu.memref_slice %arg9[%add3A_19, %dma_wait3A_25] : memref<1048576x16xf32, #tpu.memory_space<hbm>> -> memref<256x16xf32, #tpu.memory_space<hbm>>
    %dma_wait3A_27 = arith.constant 256 : i32
    %dma_wait3A_28 = arith.constant 0 : i32
    %dma_wait3A_29 = tpu.memref_slice %arg17[%dma_wait3A_27, %dma_wait3A_28] : memref<512x16xf32, #tpu.memory_space<vmem>> -> memref<256x16xf32, #tpu.memory_space<vmem>>
    tpu.wait_dma2 semaphore(%arg21 : memref<!tpu.dma_semaphore, #tpu.memory_space<semaphore_mem>>) src(%dma_wait3A_29 : memref<256x16xf32, #tpu.memory_space<vmem>>) dst(%dma_wait3A_26 : memref<256x16xf32, #tpu.memory_space<hbm>>)
    return
  }
}

</mosaic_0001>

<sc_bundles>
// kernel: _run.3.cloned.1.call-start
scs
__scs_entry_jumppad:
0x0: {  	(pc) =	sbr.rel $0x88, $3  }
0x1: {  	(tag) =	ssettag $0x0;
	lr =	simm.s32 $0x1  }
0x2: {  	[smem:$0x3F9A] =	sst lr;
	_ =	strace $0xD0000000  }
0x3: {  	_ = 	snop  }
0x4: {  	_ = 	snop  }
0x5: {  	_ = 	snop  }
0x6: {  	_ = 	snop  }
0x7: {  	_ = 	snop  }
__scs_overlays_trampoline_lowered:
0x8: {  	[smem:$0x3FA9] =	sst s0  }
0x9: {  	[smem:$0x3FAA] =	sst s1  }
0xa: {  	[smem:$0x3FAB] =	sst s2  }
0xb: {  	[smem:$0x3FAC] =	sst s3  }
0xc: {  	[smem:$0x3FAD] =	sst s4  }
0xd: {  	[smem:$0x3FAE] =	sst s5  }
0xe: {  	[smem:$0x3FAF] =	sst s6  }
0xf: {  	[smem:$0x3FB0] =	sst s7  }
0x10: {  	[smem:$0x3FB1] =	sst s8  }
0x11: {  	[smem:$0x3FB2] =	sst s9;
	s0 =	simm.s32 @!p0 $0x0  }
0x12: {  	s1 =	sld [smem:$0x3F98];
	s0 =	simm.s32 @p0 $0x1  }
0x13: {  	[smem:$0x3FB3] =	sst s0;
	s0 =	simm.s32 @!p1 $0x0  }
0x14: {  	s2 =	sld [smem:$0x3F97];
	s0 =	simm.s32 @p1 $0x1  }
0x15: {  	[smem:$0x3FB4] =	sst s0;
	s0 =	simm.s32 @!p2 $0x0  }
0x16: {  	s3 =	sld [smem:$0x3FDB];
	s0 =	simm.s32 @p2 $0x1  }
0x17: {  	s4 =	simm.s32 $0x1BF5;
	[smem:$0x3FB6] =	sst s0  }
0x18: {  	s0 =	sld [smem:$0x3F99];
	_ =	swait.ge [sflag:s4], $0x0  }
0x19: {  	s7 =	sld [smem:$0x3F9A]  }
0x1a: {  	s8 =	sadd.s32 $0xFFFFE003, lr  }
0x1b: {  	s9 =	sadd.s32 $0xFFFFFEF7, lr;
	s5 =	simm.s32 $0xFFFFFFFF;
	p2 =	slt.u32 s8, $0xFFFFF086  }
0x1c: {  	p1 =	slt.u32 s9, $0xF7A;
	s5 =	simm.s32 @!p2 $0x0  }
0x1d: {  	s5 =	simm.s32 @p1 $0x1;
	p0 =	seq.s32 s7, s2  }
0x1e: {  	s7 =	smul.u32 @!p0 $0xF7A, s2;
	p2 =	seq.s32 @!p0 s5, $0x0  }
0x1f: {  	s9 =	smul.u32 $0xF7A, s1;
	s8 =	simm.s32 @!p0 $0x1BF5;
	p2 =	por !p2, p0  }
0x20: {  	[sflag:s8] =	ssyncset.s32 @!p0 $0xFFFFF086;
	s6 =	sadd.s32 @!p0 s3, s7;
	s7 =	simm.s32 @!p0 $0x108  }
0x21: {  	s3 =	sadd.s32 s3, s9;
	s6 =	sadd.s32 @!p0 $0x88, s6;
	s7 =	simm.s32 @p2 $0x1082  }
0x22: {  	[simem:s7], [sflag:s8] =	dma.local @!p0 [hbm:s6], $0xF7A  }
0x23: {  	s9 =	sor.u32 $0xD0000000, s2;
	s6 =	simm.s32 $0x108;
	_ =	swait.ge @!p0 [sflag:s8], $0x0  }
0x24: {  	s3 =	sadd.s32 $0x88, s3;
	s6 =	simm.s32 @!p1 $0x1082;
	[sflag:s4] =	ssyncset.s32 $0xFFFFF086  }
0x25: {  	[simem:s6], [sflag:s4] =	dma.local [hbm:s3], $0xF7A  }
0x26: {  	[smem:$0x3F9A] =	sst s1;
	(tag) =	ssettag s2;
	_ =	strace s9  }
0x27: {  	s1 =	sld [smem:$0x3FAA]  }
0x28: {  	s2 =	sld [smem:$0x3FAB]  }
0x29: {  	s4 =	sld [smem:$0x3FAD]  }
0x2a: {  	p0 =	seq.s32 s5, $0x0;
	s5 =	sld [smem:$0x3FAE]  }
0x2b: {  	s6 =	sld [smem:$0x3FAF]  }
0x2c: {  	s7 =	sld [smem:$0x3FB0]  }
0x2d: {  	s3 =	simm.s32 $0x108;
	s8 =	sld [smem:$0x3FB1]  }
0x2e: {  	s3 =	simm.s32 @!p0 $0x1082;
	s9 =	sld [smem:$0x3FB2]  }
0x2f: {  	lr =	sadd.s32 s0, s3;
	s0 =	sld [smem:$0x3FA9]  }
0x30: {  	s3 =	sld [smem:$0x3FAC]  }
0x31: {  	[smem:$0x3FB5] =	sst s10  }
0x32: {  	s10 =	sld [smem:$0x3FB3];
	_ =	sdelay $0x3  }
0x33: {  	p0 =	seq.s32 s10, $0x1;
	s10 =	sld [smem:$0x3FB5];
	_ =	sdelay $0x3  }
0x34: {  	[smem:$0x3FB5] =	sst s10  }
0x35: {  	s10 =	sld [smem:$0x3FB4];
	_ =	sdelay $0x3  }
0x36: {  	p1 =	seq.s32 s10, $0x1;
	s10 =	sld [smem:$0x3FB5];
	_ =	sdelay $0x3  }
0x37: {  	[smem:$0x3FB5] =	sst s10  }
0x38: {  	s10 =	sld [smem:$0x3FB6]  }
0x39: {  	_ = 	snop;
	(pc) =	sbr.ind lr, $3  }
0x3a: {  	_ = 	snop  }
0x3b: {  	_ = 	snop  }
0x3c: {  	p2 =	seq.s32 s10, $0x1;
	s10 =	sld [smem:$0x3FB5]  }
0x3d: {  	_ =	shalt  }
0x3e: {  	_ =	shalt  }
0x3f: {  	_ =	shalt  }
0x40: {  	_ =	shalt  }
0x41: {  	_ =	shalt  }
0x42: {  	_ =	shalt  }
0x43: {  	_ =	shalt  }
0x44: {  	_ =	shalt  }
0x45: {  	_ =	shalt  }
0x46: {  	_ =	shalt  }
0x47: {  	_ =	shalt  }
0x48: {  	_ =	shalt  }
0x49: {  	_ =	shalt  }
0x4a: {  	_ =	shalt  }
0x4b: {  	_ =	shalt  }
0x4c: {  	_ =	shalt  }
0x4d: {  	_ =	shalt  }
0x4e: {  	_ =	shalt  }
0x4f: {  	_ =	shalt  }
0x50: {  	_ =	shalt  }
0x51: {  	_ =	shalt  }
0x52: {  	_ =	shalt  }
0x53: {  	_ =	shalt  }
0x54: {  	_ =	shalt  }
0x55: {  	_ =	shalt  }
0x56: {  	_ =	shalt  }
0x57: {  	_ =	shalt  }
0x58: {  	_ =	shalt  }
0x59: {  	_ =	shalt  }
0x5a: {  	_ =	shalt  }
0x5b: {  	_ =	shalt  }
0x5c: {  	_ =	shalt  }
0x5d: {  	_ =	shalt  }
0x5e: {  	_ =	shalt  }
0x5f: {  	_ =	shalt  }
0x60: {  	_ =	shalt  }
0x61: {  	_ =	shalt  }
0x62: {  	_ =	shalt  }
0x63: {  	_ =	shalt  }
0x64: {  	_ =	shalt  }
0x65: {  	_ =	shalt  }
0x66: {  	_ =	shalt  }
0x67: {  	_ =	shalt  }
0x68: {  	_ =	shalt  }
0x69: {  	_ =	shalt  }
0x6a: {  	_ =	shalt  }
0x6b: {  	_ =	shalt  }
0x6c: {  	_ =	shalt  }
0x6d: {  	_ =	shalt  }
0x6e: {  	_ =	shalt  }
0x6f: {  	_ =	shalt  }
0x70: {  	_ =	shalt  }
0x71: {  	_ =	shalt  }
0x72: {  	_ =	shalt  }
0x73: {  	_ =	shalt  }
0x74: {  	_ =	shalt  }
0x75: {  	_ =	shalt  }
0x76: {  	_ =	shalt  }
0x77: {  	_ =	shalt  }
0x78: {  	_ =	shalt  }
0x79: {  	_ =	shalt  }
0x7a: {  	_ =	shalt  }
0x7b: {  	_ =	shalt  }
0x7c: {  	_ =	shalt  }
0x7d: {  	_ =	shalt  }
0x7e: {  	_ =	shalt  }
0x7f: {  	_ =	shalt  }
0x80: {  	_ =	shalt  }
0x81: {  	_ =	shalt  }
0x82: {  	_ =	shalt  }
0x83: {  	_ =	shalt  }
0x84: {  	_ =	shalt  }
0x85: {  	_ =	shalt  }
0x86: {  	_ =	shalt  }
0x87: {  	_ =	shalt  }
.Lfunc_end0:
.L_simem_size_0:
called_computation.1_lowered:
.L_overlay_start_0:
0x88: {  	s2 =	sld [smem:$0x3FD9]  }
0x89: {  	s3 =	sld [smem:$0x3FFE];
	_ =	sdelay $0x1  }
0x8a: {  	s1 =	srdreg.scid  }
0x8b: {  	s0 =	sand.u32 $0x1, s1  }
0x8c: {  	s17 =	sshll.u32 s0, $0xA;
	s2 =	sadd.s32 s3, s2  }
0x8d: {  	s2 =	sadd.s32 s2, s17  }
0x8e: {  	[smem:$0x3FC1] =	sst s2  }
0x8f: {  	_ = 	snop  }
0x90: {  	s2 =	sld [smem:$0x3FC9]  }
0x91: {  	s18 =	sld [smem:$0x3FC8]  }
0x92: {  	s4 =	sld [smem:$0x3FC3]  }
0x93: {  	s5 =	sld [smem:$0x3FD0];
	(tm) =	ssettm $0x1  }
0x94: {  	s6 =	sld [smem:$0x3FFB];
	_ =	sdelay $0x3  }
0x95: {  	_ =	strace s6  }
0x96: {  	s6 =	sld [smem:$0x3FFC];
	_ =	sdelay $0x3  }
0x97: {  	_ =	strace s6  }
0x98: {  	s6 =	sld [smem:$0x3FFD];
	_ =	sdelay $0x3  }
0x99: {  	_ =	strace s6  }
0x9a: {  	_ =	strace $0x8FFFFFFF  }
0x9b: {  	s19 =	sld [smem:$0x3FDB];
	_ =	sdelay $0x1  }
0x9c: {  	s7 =	simm.s32 $_scs_section_size  }
0x9d: {  	s8 =	simm.s32 $_size__tile_overlayer_lowered;
	s9 =	simm.s32 $_tile_overlayer_lowered  }
0x9e: {  	s22 =	simm.s32 $0x1BFF;
	s21 =	sshll.u32 s9, $0x1;
	s6 =	sadd.s32 s7, s19  }
0x9f: {  	s10 =	simm.s32 $0x0;
	s20 =	sshll.u32 s8, $0x1;
	s8 =	sadd.s32 s21, s6  }
0xa0: {  	[timem:s10], [sflag:s22] =	dma.local [hbm:s8], s20  }
0xa1: {  	_ =	swait.ge [sflag:s22], s20  }
0xa2: {  	s7 =	ssub.s32 $0x0, s20;
	[sflag:s22] =	ssyncset.done $0x0  }
0xa3: {  	[sflag:s22] =	ssyncadd.s32 s7;
	_ =	sdelay $0x1  }
0xa4: {  	s23 =	simm.s32 $0x1B8B  }
0xa5: {  	_ =	swait.ge [sflag:s23], $0x1  }
0xa6: {  	[sflag:s23] =	ssyncset.done $0x0  }
0xa7: {  	s25 =	simm.s32 $0x1B8E;
	s24 =	sld [smem:$0x3FFE];
	[sflag:s23] =	ssyncadd.s32 $0xFFFFFFFF  }
0xa8: {  	s26 =	simm.s32 $execute0_lowered;
	[smem:$0x3FD2] =	sst s25  }
0xa9: {  	s8 =	sshll.u32 s26, $0x1;
	_ =	strace $0x80000046;
	[dreg:$0x1] =	wrdreg $0xFFFFFFFF  }
0xaa: {  	s28 =	simm.s32 $_size_execute0_lowered;
	s6 =	sadd.s32 s6, s8;
	[dreg:$0x0] =	wrdreg $0x0  }
0xab: {  	s8 =	sshll.u32 s28, $0x1;
	[dreg:$0x2] =	wrdreg s6  }
0xac: {  	[dreg:$0x3] =	wrdreg s8  }
0xad: {  	[dreg:$0x4] =	wrdreg $0xC0  }
0xae: {  	_ =	task [dreg:s10], $0x5FFFF  }
0xaf: {  	[dreg:$0x1] =	wrdreg $0xFFFFFFFF  }
0xb0: {  	[dreg:$0x0] =	wrdreg $0x60  }
0xb1: {  	[dreg:$0x2] =	wrdreg s2  }
0xb2: {  	[dreg:$0x3] =	wrdreg s18  }
0xb3: {  	[dreg:$0x4] =	wrdreg s24  }
0xb4: {  	[dreg:$0x5] =	wrdreg s4  }
0xb5: {  	[dreg:$0x6] =	wrdreg s5  }
0xb6: {  	[dreg:$0x7] =	wrdreg $0x9  }
0xb7: {  	_ =	task.clear_ibuf [dreg:s10], $0x8FFFF;
	_ =	strace $0x90000046  }
0xb8: {  	s29 =	simm.s32 $0x9;
	_ =	strace $0x80000048  }
0xb9: {  	_ =	swait.ge [sflag:s29], $0x1  }
0xba: {  	[sflag:s29] =	ssyncadd.s32 $0xFFFFFFFF  }
0xbb: {  	_ =	strace $0x90000048  }
0xbc: {  	_ =	sfence  }
0xbd: {  	s30 =	sld [smem:$0x0];
	_ =	sdelay $0x2  }
0xbe: {  	s31 =	sshll.u32 s1, $0xD;
	s1 =	sshrl.u32 s1, $0x2  }
0xbf: {  	s3 =	sand.u32 $0x4000, s31;
	s1 =	sadd.s32 s1, s30  }
0xc0: {  	s0 =	sor.u32 s3, s0;
	s1 =	sshll.u32 s1, $0x11  }
0xc1: {  	s0 =	sor.u32 s1, s0  }
0xc2: {  	s0 =	sadd.s32 $0x8F2B, s0  }
0xc3: {  	[sflag:s0] =	ssyncadd.remote.s32 $0x1  }
0xc4: {  	_ =	sfence.sel $0xFFFF  }
0xc5: {  	[dreg:$0x0] =	wrdreg $0xFFFFFFFF;
	(pc) =	sbr.abs _section_cstart, $3  }
0xc6: {  	[dreg:$0x1] =	wrdreg $0xFFFFFFFF  }
0xc7: {  	_ =	task.clear_ibuf [dreg:s10], $0x2FFFF;
	_ =	strace $0x9FFFFFFF  }
0xc8: {  	(tm) =	ssettm $0x7FFFFFFF  }
0xc9: {  	_ =	shalt  }
tec
execute0_lowered:
.L_overlay_start_1:
0x0: {  	(tag) =	ssettag $0x1  }
0x1: {  	s0 =	rddreg [dreg:$0x2];
	s1 =	simm.s32 $0x0;
	s29 =	srdreg.scid  }
0x2: {  	s3 =	stileid.u32;
	s15 =	simm.s32 $0x800;
	s16 =	simm.s32 $0x1400  }
0x3: {  	s17 =	simm.s32 $0x3C00;
	s18 =	simm.s32 $0x1C00;
	s19 =	simm.s32 $0x7C00  }
0x4: {  	v0 =	vlaneseq.u32;
	s20 =	simm.s32 $0x2400;
	s21 =	simm.s32 $0xBC00;
	s22 =	simm.s32 $0x2C00  }
0x5: {  	s23 =	simm.s32 $0xFC00;
	s24 =	simm.s32 $0x1;
	[smem:$0x7FF] =	sst s1;
	v1 =	vmul.u32 $0x8, v0  }
0x6: {  	s6 =	sadd.s32 $0x1000800, s0;
	s1 =	sand.u32 $0x1, s29;
	s8 =	sadd.s32 $0x1100800, s0  }
0x7: {  	s25 =	simm.s32 $0x13C00;
	s9 =	sadd.s32 $0x1200800, s0;
	s2 =	ssub.s32 $0x2, s1;
	v2 =	vor.u32 $0x7800, v1;
	v3 =	vor.u32 $0x5800, v1;
	v4 =	vor.u32 $0x3800, v1  }
0x8: {  	s31 =	sshll.u32 s3, $0x10;
	s1 =	sshll.u32 s1, $0xF;
	s30 =	sshrl.u32 s2, $0x1;
	v5 =	vor.u32 $0x1800, v1;
	v6 =	vor.u32 $0x7000, v1;
	v7 =	vor.u32 $0x5000, v1  }
0x9: {  	s10 =	sadd.s32 $0x1300800, s0;
	s1 =	sor.u32 s1, s31;
	v8 =	vor.u32 $0x3000, v1;
	v9 =	vor.u32 $0x1000, v1;
	v10 =	vor.u32 $0x6800, v1;
	s0 =	ssub.s32 s2, s30  }
0xa: {  	_ =	strace $0x80000047;
	v11 =	vor.u32 $0x4800, v1;
	v12 =	vor.u32 $0x2800, v1;
	v13 =	vor.u32 $0x800, v1;
	[dreg:$0x6] =	wrdreg s1;
	s0 =	smax.u32 s0, $0x1  }
0xb: {  	s26 =	simm.s32 $0x2;
	v14 =	vor.u32 $0x6000, v1;
	v15 =	vor.u32 $0x4000, v1;
	v16 =	vor.u32 $0x2000, v1;
	s2 =	simm.s32 $0x0;
	[dreg:$0x7] =	wrdreg s0  }
.LBB2_1:
0xc: {  	[dreg:$0x8] =	wrdreg s2  }
0xd: {  	s0 =	rddreg [dreg:$0x3]  }
0xe: {  	s1 =	simm.s32 $0x0;
	s28 =	simm.s32 $0x15C00;
	s29 =	simm.s32 $0x4  }
0xf: {  	[tilespmem:s28], [sflag:$0x4] =	stream.linear.gather [hbm4b:s0+s1], $0x40, $0x38;
	[tilespmem:$0x15C40] =	vst v63  }
0x10: {  	_ =	swait.ge [sflag:s29], $0x40  }
0x11: {  	[sflag:s29] =	ssyncset.done $0x0  }
0x12: {  	s30 =	simm.s32 $0x0;
	s31 =	simm.s32 $0x0;
	[sflag:s29] =	ssyncadd.s32 $0xFFFFFFC0  }
.LBB2_2:
0x13: {  	s2 =	sshll.u32 s31, $0x8;
	s1 =	sand.u32 $0x7, s31;
	s0 =	rddreg [dreg:$0x6]  }
0x14: {  	s0 =	sadd.s32 s0, s2;
	p0 =	sne.s32 s1, $0x0  }
0x15: {  	s3 =	rddreg [dreg:$0x0];
	s1 =	sshrl.u32 @!p0 s0, $0x3  }
0x16: {  	s4 =	simm.s32 @!p0 $0x0;
	s5 =	simm.s32 @!p0 $0x4;
	s3 =	sadd.s32 @!p0 s3, s1  }
0x17: {  	[tilespmem:s4], [sflag:$0x4] =	stream.linear.gather @!p0 [hbm4b:s3+s4], $0x800, $0x38;
	[tilespmem:$0x15C40] =	vst v63  }
0x18: {  	_ =	swait.ge @!p0 [sflag:s5], $0x800  }
0x19: {  	[sflag:s5] =	ssyncset.done @!p0 $0x0  }
0x1a: {  	[sflag:s5] =	ssyncadd.s32 @!p0 $0xFFFFF800  }
0x1b: {  	s29 =	sshll.u32 s30, $0x8;
	s7 =	rddreg [dreg:$0x1]  }
0x1c: {  	s3 =	sand.u32 $0x700, s29;
	s1 =	sadd.s32 @!p0 s7, s1;
	s7 =	simm.s32 @!p0 $0x800  }
0x1d: {  	[tilespmem:s7], [sflag:$0x4] =	stream.linear.gather @!p0 [hbm4b:s1+s4], $0x800, $0x38;
	[tilespmem:$0x15C40] =	vst v63  }
0x1e: {  	s13 =	sor.u32 $0x800, s3;
	_ =	swait.ge @!p0 [sflag:s5], $0x800  }
0x1f: {  	p1 =	slt.u32 s31, $0x2;
	v17 =	vmov s13;
	[sflag:s5] =	ssyncset.done @!p0 $0x0  }
0x20: {  	v18 =	vmov s3;
	s1 =	simm.s32 @!p1 $0x3;
	[sflag:s5] =	ssyncadd.s32 @!p0 $0xFFFFF800  }
0x21: {  	_ =	swait.ge @!p1 [sflag:s1], $0x1000  }
0x22: {  	[sflag:s1] =	ssyncset.done @!p1 $0x0  }
0x23: {  	[sflag:s1] =	ssyncadd.s32 @!p1 $0xFFFFF000;
	s1 =	simm.s32 $0x0  }
0x24: {  	v19 =	vld.idx.msk [tilespmem:v17+s1+$0x0 ss:$0x1], $0xffff  }
0x25: {  	v20 =	vld.idx.msk [tilespmem:v18+s1+$0x0 ss:$0x1], $0xffff;
	_ =	sdelay $0x3  }
0x26: {  	v19 =	vmul.f32 $2.500000000e-01, v19  }
0x27: {  	v23 =	vmul.f32 $2.500000000e-01, v20  }
0x28: {  	v20 =	vtrunc.f32 v19  }
0x29: {  	v21 =	vtrunc.f32 v23;
	v20 =	vcvt.f32.s32 v20  }
0x2a: {  	v21 =	vcvt.f32.s32 v21  }
0x2b: {  	v22 =	vmul.u32 $0x9E3779B1, v20;
	v24 =	vcvt.s32.f32 v20  }
0x2c: {  	v25 =	vcvt.s32.f32 v21;
	v26 =	vadd.s32 $0x1, v21  }
0x2d: {  	v27 =	vadd.s32 $0x9E3779B1, v22;
	v20 =	vxor.u32 v21, v22;
	v24 =	vsub.f32 v19, v24  }
0x2e: {  	v22 =	vxor.u32 v26, v22;
	v25 =	vsub.f32 v23, v25;
	v19 =	vxor.u32 v21, v27  }
0x2f: {  	v21 =	vxor.u32 v26, v27;
	v26 =	vand.u32 $0x7, v22;
	v27 =	vshrl.u32 v19, $0x1;
	[tilespmem:s1+$0x1200] =	vst v24  }
0x30: {  	v28 =	vshrl.u32 v19, $0x3;
	v23 =	vshrl.u32 v21, $0x3;
	[tilespmem:s1+$0x1000] =	vst v25;
	v25 =	vshrl.u32 v20, $0x3  }
0x31: {  	[tilespmem:s1+$0x3500] =	vst v26;
	v26 =	vshrl.u32 v22, $0x1;
	v24 =	vand.u32 $0xFFFC0, v27;
	v28 =	vand.u32 $0xF, v28  }
0x32: {  	s7 =	sand.u32 $0x100, s2;
	s2 =	simm.s32 $0x40;
	v27 =	vand.u32 $0x7, v20;
	v23 =	vand.u32 $0xF, v23;
	v24 =	vor.u32 v28, v24  }
.LBB2_3:
0x33: {  	p0 =	sne.s32 s2, $0x3C0;
	[tilespmem:s1+$0x3400] =	vst v27;
	v22 =	vshrl.u32 v22, $0x3;
	v27 =	vor.u32 $0x10, v24;
	v28 =	vshrl.u32 v21, $0x1;
	s4 =	smov.u32 s2;
	s2 =	sadd.s32 $0x40, s2  }
0x34: {  	v20 =	vshrl.u32 v20, $0x1;
	v25 =	vand.u32 $0xF, v25;
	v21 =	vand.u32 $0x7, v21;
	[tilespmem:s1+$0x1C00] =	vst v24  }
0x35: {  	v29 =	vor.u32 $0x20, v24;
	v24 =	vor.u32 $0x30, v24;
	v28 =	vand.u32 $0xFFFC0, v28;
	[tilespmem:s1+$0x3700] =	vst v21  }
0x36: {  	v22 =	vand.u32 $0xF, v22;
	v21 =	vand.u32 $0xFFFC0, v26;
	v23 =	vor.u32 v23, v28;
	[tilespmem:s1+$0x1D00] =	vst v27  }
0x37: {  	v20 =	vand.u32 $0xFFFC0, v20;
	v21 =	vor.u32 v22, v21;
	[tilespmem:s1+$0x2000] =	vst v23  }
0x38: {  	v26 =	vor.u32 $0x10, v23;
	v27 =	vor.u32 $0x20, v23;
	v22 =	vor.u32 $0x10, v21;
	[tilespmem:s1+$0x1800] =	vst v21  }
0x39: {  	v20 =	vor.u32 v25, v20;
	v25 =	vor.u32 $0x20, v21;
	v21 =	vor.u32 $0x30, v21;
	[tilespmem:s1+$0x1F00] =	vst v24  }
0x3a: {  	v19 =	vand.u32 $0x7, v19;
	v23 =	vor.u32 $0x30, v23;
	v24 =	vor.u32 $0x10, v20;
	[tilespmem:s1+$0x1E00] =	vst v29  }
0x3b: {  	v28 =	vor.u32 $0x20, v20;
	[tilespmem:s1+$0x1400] =	vst v20;
	v20 =	vor.u32 $0x30, v20  }
0x3c: {  	[tilespmem:s1+$0x1900] =	vst v22  }
0x3d: {  	[tilespmem:s1+$0x3600] =	vst v19  }
0x3e: {  	[tilespmem:s1+$0x1B00] =	vst v21  }
0x3f: {  	[tilespmem:s1+$0x2300] =	vst v23  }
0x40: {  	[tilespmem:s1+$0x1600] =	vst v28  }
0x41: {  	[tilespmem:s1+$0x2200] =	vst v27  }
0x42: {  	[tilespmem:s1+$0x1500] =	vst v24  }
0x43: {  	[tilespmem:s1+$0x1A00] =	vst v25  }
0x44: {  	[tilespmem:s1+$0x2100] =	vst v26  }
0x45: {  	[tilespmem:s1+$0x1700] =	vst v20;
	s1 =	sshra.s32 s4, $0x2  }
0x46: {  	v19 =	vld.idx.msk [tilespmem:v17+s1+$0x0 ss:$0x1], $0xffff  }
0x47: {  	v20 =	vld.idx.msk [tilespmem:v18+s1+$0x0 ss:$0x1], $0xffff;
	_ =	sdelay $0x4  }
0x48: {  	v19 =	vmul.f32 $2.500000000e-01, v19  }
0x49: {  	v23 =	vmul.f32 $2.500000000e-01, v20  }
0x4a: {  	v20 =	vtrunc.f32 v19  }
0x4b: {  	v21 =	vtrunc.f32 v23;
	v20 =	vcvt.f32.s32 v20  }
0x4c: {  	v21 =	vcvt.f32.s32 v21  }
0x4d: {  	v24 =	vcvt.s32.f32 v20;
	v22 =	vmul.u32 $0x9E3779B1, v20  }
0x4e: {  	v25 =	vcvt.s32.f32 v21;
	v26 =	vadd.s32 $0x1, v21  }
0x4f: {  	v27 =	vadd.s32 $0x9E3779B1, v22;
	v20 =	vxor.u32 v21, v22;
	v22 =	vxor.u32 v26, v22  }
.Ltmp0:
0x50: {  	v24 =	vsub.f32 v19, v24;
	v19 =	vxor.u32 v21, v27;
	v21 =	vxor.u32 v26, v27;
	(pc) =	sbr.rel @p0 .LBB2_3-.Ltmp0, $4  }
0x51: {  	v26 =	vand.u32 $0x7, v22;
	v27 =	vshrl.u32 v19, $0x1;
	v28 =	vshrl.u32 v19, $0x3  }
0x52: {  	v25 =	vsub.f32 v23, v25;
	v23 =	vshrl.u32 v21, $0x3;
	[tilespmem:s1+$0x1200] =	vst v24;
	v24 =	vand.u32 $0xFFFC0, v27  }
0x53: {  	v28 =	vand.u32 $0xF, v28;
	v23 =	vand.u32 $0xF, v23;
	v27 =	vand.u32 $0x7, v20;
	[tilespmem:s1+$0x3500] =	vst v26  }
0x54: {  	v26 =	vshrl.u32 v22, $0x1;
	v24 =	vor.u32 v28, v24;
	[tilespmem:s1+$0x1000] =	vst v25;
	v25 =	vshrl.u32 v20, $0x3  }
0x55: {  	[tilespmem:s1+$0x3400] =	vst v27  }
0x56: {  	v27 =	vshrl.u32 v21, $0x1;
	[tilespmem:s1+$0x1C00] =	vst v24;
	v21 =	vand.u32 $0x7, v21  }
0x57: {  	v28 =	vor.u32 $0x10, v24;
	[tilespmem:s1+$0x3700] =	vst v21  }
0x58: {  	v22 =	vshrl.u32 v22, $0x3;
	v19 =	vand.u32 $0x7, v19;
	v27 =	vand.u32 $0xFFFC0, v27;
	[tilespmem:s1+$0x1D00] =	vst v28  }
0x59: {  	v21 =	vand.u32 $0xFFFC0, v26;
	v22 =	vand.u32 $0xF, v22;
	[tilespmem:s1+$0x3600] =	vst v19;
	v23 =	vor.u32 v23, v27  }
0x5a: {  	v21 =	vor.u32 v22, v21;
	[tilespmem:s1+$0x2000] =	vst v23  }
0x5b: {  	v20 =	vshrl.u32 v20, $0x1;
	v22 =	vor.u32 $0x30, v24;
	[tilespmem:s1+$0x1800] =	vst v21  }
0x5c: {  	v25 =	vand.u32 $0xF, v25;
	v20 =	vand.u32 $0xFFFC0, v20;
	v24 =	vor.u32 $0x20, v24;
	[tilespmem:s1+$0x1F00] =	vst v22  }
0x5d: {  	v20 =	vor.u32 v25, v20;
	[tilespmem:s1+$0x1E00] =	vst v24  }
0x5e: {  	v22 =	vor.u32 $0x10, v21;
	[tilespmem:s1+$0x1400] =	vst v20  }
0x5f: {  	v19 =	vor.u32 $0x30, v23;
	[tilespmem:s1+$0x1900] =	vst v22  }
0x60: {  	v22 =	vor.u32 $0x30, v21;
	[tilespmem:s1+$0x2300] =	vst v19  }
0x61: {  	v19 =	vor.u32 $0x20, v23;
	[tilespmem:s1+$0x1B00] =	vst v22  }
0x62: {  	v22 =	vor.u32 $0x20, v20;
	[tilespmem:s1+$0x2200] =	vst v19  }
0x63: {  	v19 =	vor.u32 $0x20, v21;
	[tilespmem:s1+$0x1600] =	vst v22  }
0x64: {  	v21 =	vor.u32 $0x10, v23;
	[tilespmem:s1+$0x1A00] =	vst v19  }
0x65: {  	v22 =	vor.u32 $0x10, v20;
	[tilespmem:s1+$0x2100] =	vst v21  }
0x66: {  	v19 =	vor.u32 $0x30, v20;
	[tilespmem:s1+$0x1500] =	vst v22  }
0x67: {  	[tilespmem:s1+$0x1700] =	vst v19  }
0x68: {  	[tilespmem:s17], [sflag:$0x1] =	stream.indirect.gather [hbm4b:s6+s15], $0x8, s16, s15, $0xb8;
	[tilespmem:$0x15C40] =	vst v63  }
0x69: {  	s1 =	simm.s32 $0x0  }
0x6a: {  	[tilespmem:s19], [sflag:$0x1] =	stream.indirect.gather [hbm4b:s6+s15], $0x8, s18, s15, $0xb8;
	[tilespmem:$0x15C40] =	vst v63  }
0x6b: {  	v19 =	vld.idx.msk [tilespmem:v17+s1+$0x0 ss:$0x1], $0xffff  }
0x6c: {  	v20 =	vld.idx.msk [tilespmem:v18+s1+$0x0 ss:$0x1], $0xffff;
	_ =	sdelay $0x3  }
0x6d: {  	v19 =	vmul.f32 $1.250000000e-01, v19  }
0x6e: {  	v23 =	vmul.f32 $1.250000000e-01, v20  }
0x6f: {  	v20 =	vtrunc.f32 v19  }
0x70: {  	v21 =	vtrunc.f32 v23;
	v20 =	vcvt.f32.s32 v20  }
0x71: {  	v21 =	vcvt.f32.s32 v21  }
0x72: {  	v22 =	vmul.u32 $0x9E3779B1, v20;
	v24 =	vcvt.s32.f32 v20  }
0x73: {  	v25 =	vcvt.s32.f32 v21;
	v26 =	vadd.s32 $0x1, v21  }
0x74: {  	v27 =	vadd.s32 $0x9E3779B1, v22;
	v20 =	vxor.u32 v21, v22;
	v24 =	vsub.f32 v19, v24  }
0x75: {  	v22 =	vxor.u32 v26, v22;
	v25 =	vsub.f32 v23, v25;
	v19 =	vxor.u32 v21, v27  }
0x76: {  	v21 =	vxor.u32 v26, v27;
	v26 =	vand.u32 $0x7, v22;
	v27 =	vshrl.u32 v19, $0x1;
	[tilespmem:s1+$0x1300] =	vst v24  }
0x77: {  	v28 =	vshrl.u32 v19, $0x3;
	v23 =	vshrl.u32 v21, $0x3;
	[tilespmem:s1+$0x1100] =	vst v25;
	v25 =	vshrl.u32 v20, $0x3  }
0x78: {  	[tilespmem:s1+$0x3900] =	vst v26;
	v26 =	vshrl.u32 v22, $0x1;
	v24 =	vand.u32 $0xFFFC0, v27;
	v28 =	vand.u32 $0xF, v28  }
0x79: {  	s2 =	simm.s32 $0x40;
	v27 =	vand.u32 $0x7, v20;
	v23 =	vand.u32 $0xF, v23;
	v24 =	vor.u32 v28, v24  }
.LBB2_5:
0x7a: {  	p0 =	sne.s32 s2, $0x3C0;
	[tilespmem:s1+$0x3800] =	vst v27;
	v22 =	vshrl.u32 v22, $0x3;
	v27 =	vor.u32 $0x10, v24;
	v28 =	vshrl.u32 v21, $0x1;
	s4 =	smov.u32 s2;
	s2 =	sadd.s32 $0x40, s2  }
0x7b: {  	v20 =	vshrl.u32 v20, $0x1;
	v25 =	vand.u32 $0xF, v25;
	v21 =	vand.u32 $0x7, v21;
	[tilespmem:s1+$0x2C00] =	vst v24  }
0x7c: {  	v29 =	vor.u32 $0x20, v24;
	v24 =	vor.u32 $0x30, v24;
	v28 =	vand.u32 $0xFFFC0, v28;
	[tilespmem:s1+$0x3B00] =	vst v21  }
0x7d: {  	v22 =	vand.u32 $0xF, v22;
	v21 =	vand.u32 $0xFFFC0, v26;
	v23 =	vor.u32 v23, v28;
	[tilespmem:s1+$0x2D00] =	vst v27  }
0x7e: {  	v20 =	vand.u32 $0xFFFC0, v20;
	v21 =	vor.u32 v22, v21;
	[tilespmem:s1+$0x3000] =	vst v23  }
0x7f: {  	v26 =	vor.u32 $0x10, v23;
	v27 =	vor.u32 $0x20, v23;
	v22 =	vor.u32 $0x10, v21;
	[tilespmem:s1+$0x2800] =	vst v21  }
0x80: {  	v20 =	vor.u32 v25, v20;
	v25 =	vor.u32 $0x20, v21;
	v21 =	vor.u32 $0x30, v21;
	[tilespmem:s1+$0x2F00] =	vst v24  }
0x81: {  	v19 =	vand.u32 $0x7, v19;
	v23 =	vor.u32 $0x30, v23;
	v24 =	vor.u32 $0x10, v20;
	[tilespmem:s1+$0x2E00] =	vst v29  }
0x82: {  	v28 =	vor.u32 $0x20, v20;
	[tilespmem:s1+$0x2400] =	vst v20;
	v20 =	vor.u32 $0x30, v20  }
0x83: {  	[tilespmem:s1+$0x2900] =	vst v22  }
0x84: {  	[tilespmem:s1+$0x3A00] =	vst v19  }
0x85: {  	[tilespmem:s1+$0x2B00] =	vst v21  }
0x86: {  	[tilespmem:s1+$0x3300] =	vst v23  }
0x87: {  	[tilespmem:s1+$0x2600] =	vst v28  }
0x88: {  	[tilespmem:s1+$0x3200] =	vst v27  }
0x89: {  	[tilespmem:s1+$0x2500] =	vst v24  }
0x8a: {  	[tilespmem:s1+$0x2A00] =	vst v25  }
0x8b: {  	[tilespmem:s1+$0x3100] =	vst v26  }
0x8c: {  	[tilespmem:s1+$0x2700] =	vst v20;
	s1 =	sshra.s32 s4, $0x2  }
0x8d: {  	v19 =	vld.idx.msk [tilespmem:v17+s1+$0x0 ss:$0x1], $0xffff  }
0x8e: {  	v20 =	vld.idx.msk [tilespmem:v18+s1+$0x0 ss:$0x1], $0xffff;
	_ =	sdelay $0x4  }
0x8f: {  	v19 =	vmul.f32 $1.250000000e-01, v19  }
0x90: {  	v23 =	vmul.f32 $1.250000000e-01, v20  }
0x91: {  	v20 =	vtrunc.f32 v19  }
0x92: {  	v21 =	vtrunc.f32 v23;
	v20 =	vcvt.f32.s32 v20  }
0x93: {  	v21 =	vcvt.f32.s32 v21  }
0x94: {  	v24 =	vcvt.s32.f32 v20;
	v22 =	vmul.u32 $0x9E3779B1, v20  }
0x95: {  	v25 =	vcvt.s32.f32 v21;
	v26 =	vadd.s32 $0x1, v21  }
0x96: {  	v27 =	vadd.s32 $0x9E3779B1, v22;
	v20 =	vxor.u32 v21, v22;
	v22 =	vxor.u32 v26, v22  }
.Ltmp1:
0x97: {  	v24 =	vsub.f32 v19, v24;
	v19 =	vxor.u32 v21, v27;
	v21 =	vxor.u32 v26, v27;
	(pc) =	sbr.rel @p0 .LBB2_5-.Ltmp1, $4  }
0x98: {  	v26 =	vand.u32 $0x7, v22;
	v27 =	vshrl.u32 v19, $0x1;
	v28 =	vshrl.u32 v19, $0x3  }
0x99: {  	v25 =	vsub.f32 v23, v25;
	v23 =	vshrl.u32 v21, $0x3;
	[tilespmem:s1+$0x1300] =	vst v24;
	v24 =	vand.u32 $0xFFFC0, v27  }
0x9a: {  	v28 =	vand.u32 $0xF, v28;
	v23 =	vand.u32 $0xF, v23;
	v27 =	vand.u32 $0x7, v20;
	[tilespmem:s1+$0x3900] =	vst v26  }
0x9b: {  	v26 =	vshrl.u32 v22, $0x1;
	v24 =	vor.u32 v28, v24;
	[tilespmem:s1+$0x1100] =	vst v25;
	v25 =	vshrl.u32 v20, $0x3  }
0x9c: {  	[tilespmem:s1+$0x3800] =	vst v27  }
0x9d: {  	[tilespmem:s1+$0x2C00] =	vst v24;
	v18 =	vand.u32 $0x7, v21  }
0x9e: {  	v17 =	vshrl.u32 v21, $0x1;
	v21 =	vshrl.u32 v22, $0x3;
	v22 =	vor.u32 $0x10, v24;
	[tilespmem:s1+$0x3B00] =	vst v18  }
0x9f: {  	v19 =	vand.u32 $0x7, v19;
	v17 =	vand.u32 $0xFFFC0, v17;
	[tilespmem:s1+$0x2D00] =	vst v22  }
0xa0: {  	v18 =	vand.u32 $0xFFFC0, v26;
	v21 =	vand.u32 $0xF, v21;
	[tilespmem:s1+$0x3A00] =	vst v19;
	v17 =	vor.u32 v23, v17  }
0xa1: {  	v18 =	vor.u32 v21, v18;
	[tilespmem:s1+$0x3000] =	vst v17  }
0xa2: {  	v20 =	vshrl.u32 v20, $0x1;
	v21 =	vor.u32 $0x30, v24;
	[tilespmem:s1+$0x2800] =	vst v18  }
0xa3: {  	v22 =	vand.u32 $0xF, v25;
	v20 =	vand.u32 $0xFFFC0, v20;
	v23 =	vor.u32 $0x20, v24;
	[tilespmem:s1+$0x2F00] =	vst v21  }
0xa4: {  	v20 =	vor.u32 v22, v20;
	[tilespmem:s1+$0x2E00] =	vst v23  }
0xa5: {  	v21 =	vor.u32 $0x10, v18;
	[tilespmem:s1+$0x2400] =	vst v20  }
0xa6: {  	v19 =	vor.u32 $0x30, v17;
	[tilespmem:s1+$0x2900] =	vst v21  }
0xa7: {  	v21 =	vor.u32 $0x30, v18;
	[tilespmem:s1+$0x3300] =	vst v19  }
0xa8: {  	v19 =	vor.u32 $0x20, v17;
	[tilespmem:s1+$0x2B00] =	vst v21  }
0xa9: {  	v18 =	vor.u32 $0x20, v18;
	[tilespmem:s1+$0x3200] =	vst v19  }
0xaa: {  	v17 =	vor.u32 $0x10, v17;
	[tilespmem:s1+$0x2A00] =	vst v18  }
0xab: {  	v21 =	vor.u32 $0x20, v20;
	[tilespmem:s1+$0x3100] =	vst v17  }
0xac: {  	v18 =	vor.u32 $0x30, v20;
	[tilespmem:s1+$0x2600] =	vst v21  }
0xad: {  	v21 =	vor.u32 $0x10, v20;
	[tilespmem:s1+$0x2700] =	vst v18  }
0xae: {  	[tilespmem:s1+$0x2500] =	vst v21  }
0xaf: {  	[tilespmem:s21], [sflag:$0x2] =	stream.indirect.gather [hbm4b:s8+s15], $0x8, s20, s15, $0xb8;
	[tilespmem:$0x15C40] =	vst v63  }
0xb0: {  	_ = 	snop  }
0xb1: {  	[tilespmem:s23], [sflag:$0x2] =	stream.indirect.gather [hbm4b:s8+s15], $0x8, s22, s15, $0xb8;
	[tilespmem:$0x15C40] =	vst v63  }
0xb2: {  	_ =	swait.ge [sflag:s24], $0x4000  }
0xb3: {  	[sflag:s24] =	ssyncset.done $0x0  }
0xb4: {  	[sflag:s24] =	ssyncadd.s32 $0xFFFFC000  }
0xb5: {  	_ =	swait.ge [sflag:s24], $0x4000  }
0xb6: {  	[sflag:s24] =	ssyncset.done $0x0  }
0xb7: {  	s12 =	simm.s32 $0x0;
	s14 =	simm.s32 $0x3600;
	[sflag:s24] =	ssyncadd.s32 $0xFFFFC000  }
0xb8: {  	v17 =	vmov s12;
	v18 =	vld [tilespmem:s14+$0xFFFFFE00]  }
0xb9: {  	v17 =	vshll.u32 v17, $0x3  }
0xba: {  	v19 =	vadd.s32 v16, v17;
	v20 =	vor.u32 v1, v17  }
0xbb: {  	v21 =	vadd.s32 v9, v17;
	v22 =	vadd.s32 v7, v17;
	v23 =	vadd.s32 v13, v17  }
0xbc: {  	v48 =	vadd.s32 v8, v17;
	v49 =	vadd.s32 v12, v17;
	v51 =	vadd.s32 v15, v17;
	v50 =	vld [tilespmem:s14+$0xFFFFFF00]  }
0xbd: {  	v28 =	vadd.s32 v11, v17;
	v30 =	vadd.s32 v6, v17;
	v29 =	vand.u32 $0xFFFFFFF8, v18  }
0xbe: {  	v32 =	vadd.s32 v5, v17;
	v31 =	vld [tilespmem:s14+$0x0];
	v18 =	vand.u32 $0x7, v18;
	v20 =	vadd.s32 v20, v29  }
0xbf: {  	v33 =	vadd.s32 v14, v17;
	v23 =	vadd.s32 v23, v29;
	v20 =	vor.u32 v18, v20  }
0xc0: {  	s28 =	simm.s32 $0x1000;
	v37 =	vadd.s32 v4, v17;
	v32 =	vadd.s32 v32, v29;
	v23 =	vor.u32 v18, v23  }
0xc1: {  	s29 =	simm.s32 $0x1200;
	v52 =	vld [tilespmem:s28+$0x0];
	v34 =	vand.u32 $0xFFFFFFF8, v50;
	v21 =	vadd.s32 v21, v29;
	v32 =	vor.u32 v18, v32  }
0xc2: {  	v35 =	vld [tilespmem:s29+$0x0];
	v26 =	vand.u32 $0x7, v50;
	v25 =	vadd.s32 v49, v34;
	v18 =	vor.u32 v18, v21  }
0xc3: {  	v36 =	vand.u32 $0xFFFFFFF8, v31;
	v24 =	vadd.s32 v48, v34;
	v21 =	vld [tilespmem:s14+$0x100];
	v25 =	vor.u32 v26, v25  }
0xc4: {  	v31 =	vand.u32 $0x7, v31;
	v28 =	vadd.s32 v28, v36;
	v24 =	vor.u32 v26, v24;
	v20 =	vld.idx.msk [tilespmem:v20+s17+$0x0], $0xffff  }
0xc5: {  	v38 =	vadd.s32 v10, v17;
	v19 =	vadd.s32 v19, v34;
	v28 =	vor.u32 v31, v28;
	v23 =	vld.idx.msk [tilespmem:v23+s17+$0x0], $0xffff  }
0xc6: {  	v53 =	vadd.s32 v3, v17;
	v34 =	vadd.s32 v37, v34;
	v19 =	vor.u32 v26, v19;
	v32 =	vld.idx.msk [tilespmem:v32+s17+$0x0], $0xffff  }
0xc7: {  	v17 =	vadd.s32 v2, v17;
	v22 =	vadd.s32 v22, v36;
	v26 =	vor.u32 v26, v34;
	v18 =	vld.idx.msk [tilespmem:v18+s17+$0x0], $0xffff  }
0xc8: {  	v27 =	vadd.s32 v51, v36;
	v22 =	vor.u32 v31, v22;
	v54 =	vand.u32 $0xFFFFFFF8, v21;
	v25 =	vld.idx.msk [tilespmem:v25+s17+$0x0], $0xffff  }
0xc9: {  	v27 =	vor.u32 v31, v27;
	v21 =	vand.u32 $0x7, v21;
	v24 =	vld.idx.msk [tilespmem:v24+s17+$0x0], $0xffff;
	v38 =	vadd.s32 v38, v54  }
0xca: {  	v39 =	vsub.f32 $1.000000000e+00, v35;
	v28 =	vld.idx.msk [tilespmem:v28+s17+$0x0], $0xffff;
	v33 =	vadd.s32 v33, v54;
	v38 =	vor.u32 v21, v38  }
0xcb: {  	v55 =	vsub.f32 $1.000000000e+00, v52;
	v36 =	vadd.s32 v53, v36;
	v19 =	vld.idx.msk [tilespmem:v19+s17+$0x0], $0xffff;
	v33 =	vor.u32 v21, v33  }
0xcc: {  	v31 =	vor.u32 v31, v36;
	v56 =	vmul.f32 v39, v52;
	v26 =	vld.idx.msk [tilespmem:v26+s17+$0x0], $0xffff;
	v30 =	vadd.s32 v30, v54  }
0xcd: {  	v39 =	vmul.f32 v39, v55;
	v22 =	vld.idx.msk [tilespmem:v22+s17+$0x0], $0xffff;
	v17 =	vadd.s32 v17, v54;
	v30 =	vor.u32 v21, v30  }
0xce: {  	v60 =	vmul.f32 v35, v52;
	v27 =	vld.idx.msk [tilespmem:v27+s17+$0x0], $0xffff;
	v17 =	vor.u32 v21, v17;
	v21 =	vmul.f32 v35, v55  }
0xcf: {  	v25 =	vmul.f32 v25, v56;
	v23 =	vmul.f32 v23, v39;
	v57 =	vld.idx.msk [tilespmem:v38+s17+$0x0], $0xffff  }
0xd0: {  	v18 =	vmul.f32 v18, v39;
	v24 =	vmul.f32 v24, v56;
	v33 =	vld.idx.msk [tilespmem:v33+s17+$0x0], $0xffff  }
0xd1: {  	v31 =	vld.idx.msk [tilespmem:v31+s17+$0x0], $0xffff;
	v20 =	vmul.f32 v20, v39;
	v19 =	vmul.f32 v19, v56  }
0xd2: {  	v58 =	vmul.f32 v28, v21;
	v22 =	vmul.f32 v22, v21;
	v23 =	vadd.f32 v25, v23;
	v59 =	vld.idx.msk [tilespmem:v30+s17+$0x0], $0xffff  }
0xd3: {  	v61 =	vmul.f32 v32, v39;
	v19 =	vadd.f32 v19, v20;
	v20 =	vmul.f32 v27, v21  }
0xd4: {  	v26 =	vmul.f32 v26, v56;
	v18 =	vadd.f32 v24, v18;
	v17 =	vld.idx.msk [tilespmem:v17+s17+$0x0], $0xffff;
	v23 =	vadd.f32 v58, v23  }
0xd5: {  	v19 =	vadd.f32 v20, v19;
	v20 =	vmul.f32 v33, v60;
	v62 =	vmul.f32 v57, v60  }
0xd6: {  	v21 =	vmul.f32 v31, v21;
	v18 =	vadd.f32 v22, v18;
	v22 =	vadd.f32 v26, v61  }
0xd7: {  	v19 =	vadd.f32 v20, v19;
	v20 =	vadd.f32 v62, v23;
	v23 =	vmul.f32 v59, v60  }
0xd8: {  	v21 =	vadd.f32 v21, v22  }
0xd9: {  	v17 =	vmul.f32 v17, v60;
	v18 =	vadd.f32 v23, v18;
	v22 =	vadd.f32 v20, v19;
	_ =	sdelay $0x1  }
0xda: {  	v17 =	vadd.f32 v17, v21;
	v21 =	vadd.f32 v18, v22;
	_ =	sdelay $0x1  }
0xdb: {  	v21 =	vadd.f32 v17, v21;
	_ =	sdelay $0x1  }
0xdc: {  	v23 =	vmul.f32 $2.500000000e-01, v21;
	_ =	sdelay $0x1  }
0xdd: {  	v22 =	vsub.f32 v19, v23;
	v21 =	vsub.f32 v20, v23;
	_ =	sdelay $0x1  }
0xde: {  	v20 =	vsub.f32 v18, v23;
	v18 =	vmul.f32 v22, v22;
	v63 =	vmul.f32 v21, v21;
	_ =	sdelay $0x1  }
0xdf: {  	v19 =	vsub.f32 v17, v23;
	v17 =	vadd.f32 v63, v18;
	v18 =	vmul.f32 v20, v20;
	_ =	sdelay $0x1  }
0xe0: {  	v17 =	vadd.f32 v17, v18;
	v18 =	vmul.f32 v19, v19;
	_ =	sdelay $0x1  }
0xe1: {  	v23 =	vadd.f32 v17, v18;
	_ =	sdelay $0x1  }
0xe2: {  	s1 =	simm.s32 $0x10;
	v18 =	vld [tilespmem:$0x15C00];
	v17 =	vor.u32 s7, v0;
	v23 =	vmul.f32 $2.500000000e-01, v23  }
.LBB2_7:
0xe3: {  	s28 =	sadd.s32 $0x10, s28;
	s29 =	sadd.s32 $0x10, s29;
	s14 =	sadd.s32 $0x10, s14  }
0xe4: {  	p0 =	sne.s32 s1, $0xF0;
	s2 =	smov.u32 s1;
	s1 =	sadd.s32 $0x10, s1;
	v23 =	vadd.f32 $9.999999740e-06, v23  }
0xe5: {  	_ = 	snop  }
0xe6: {  	v24 =	vshra.s32 v23, $0x1;
	v23 =	vmul.f32 $5.000000000e-01, v23  }
0xe7: {  	v24 =	vsub.s32 $0x5F3759DF, v24  }
0xe8: {  	v25 =	vmul.f32 v24, v23;
	_ =	sdelay $0x1  }
0xe9: {  	v25 =	vmul.f32 v24, v25;
	_ =	sdelay $0x1  }
0xea: {  	v25 =	vsub.f32 $1.500000000e+00, v25;
	_ =	sdelay $0x1  }
0xeb: {  	v24 =	vmul.f32 v24, v25  }
0xec: {  	v25 =	vmov s2  }
0xed: {  	v25 =	vshll.u32 v25, $0x3;
	v26 =	vmul.f32 v24, v23  }
0xee: {  	v27 =	vadd.s32 v16, v25  }
0xef: {  	v28 =	vor.u32 v1, v25;
	v29 =	vadd.s32 v9, v25;
	v26 =	vmul.f32 v26, v24  }
0xf0: {  	v30 =	vadd.s32 v7, v25  }
0xf1: {  	v31 =	vadd.s32 v13, v25;
	v32 =	vadd.s32 v8, v25;
	v26 =	vsub.f32 $1.500000000e+00, v26  }
0xf2: {  	v33 =	vadd.s32 v12, v25  }
0xf3: {  	v24 =	vmul.f32 v26, v24;
	_ =	sdelay $0x1  }
0xf4: {  	v23 =	vmul.f32 v24, v23;
	_ =	sdelay $0x1  }
0xf5: {  	v34 =	vadd.s32 v11, v25;
	v26 =	vadd.s32 v15, v25;
	v23 =	vmul.f32 v23, v24;
	_ =	sdelay $0x1  }
0xf6: {  	v23 =	vsub.f32 $1.500000000e+00, v23;
	_ =	sdelay $0x1  }
0xf7: {  	v23 =	vmul.f32 v23, v24;
	v24 =	vor.u32 s12, v17;
	s12 =	smov.u32 s2  }
0xf8: {  	v24 =	vshll.u32 v24, $0x4  }
0xf9: {  	v23 =	vmul.f32 v23, v18;
	v35 =	vor.u32 $0x1, v24  }
0xfa: {  	v36 =	vor.u32 $0x2, v24  }
0xfb: {  	v37 =	vor.u32 $0x3, v24;
	v22 =	vmul.f32 v23, v22;
	v21 =	vmul.f32 v23, v21  }
0xfc: {  	v20 =	vmul.f32 v23, v20  }
0xfd: {  	[tilespmem:v24+s25+$0x0] =	vst.idx.msk $0xffff, v22  }
0xfe: {  	v19 =	vmul.f32 v23, v19;
	[tilespmem:v35+s25+$0x0] =	vst.idx.msk $0xffff, v21  }
0xff: {  	[tilespmem:v36+s25+$0x0] =	vst.idx.msk $0xffff, v20  }
0x100: {  	[tilespmem:v37+s25+$0x0] =	vst.idx.msk $0xffff, v19  }
0x101: {  	v19 =	vld [tilespmem:s14+$0xFFFFFE00]  }
0x102: {  	v20 =	vld [tilespmem:s14+$0xFFFFFF00];
	_ =	sdelay $0x1  }
0x103: {  	v22 =	vadd.s32 v2, v25;
	v21 =	vadd.s32 v6, v25  }
0x104: {  	v23 =	vadd.s32 v14, v25;
	v24 =	vadd.s32 v10, v25;
	v35 =	vadd.s32 v3, v25  }
0x105: {  	v38 =	vadd.s32 v4, v25;
	v36 =	vld [tilespmem:s14+$0x0];
	v37 =	vand.u32 $0xFFFFFFF8, v19;
	v19 =	vand.u32 $0x7, v19  }
0x106: {  	v28 =	vadd.s32 v28, v37;
	v39 =	vand.u32 $0x7, v20;
	v31 =	vadd.s32 v31, v37  }
0x107: {  	v25 =	vadd.s32 v5, v25;
	v28 =	vor.u32 v19, v28;
	v31 =	vor.u32 v19, v31  }
0x108: {  	v20 =	vand.u32 $0xFFFFFFF8, v20;
	v29 =	vadd.s32 v29, v37;
	v25 =	vadd.s32 v25, v37  }
0x109: {  	v27 =	vadd.s32 v27, v20;
	v29 =	vor.u32 v19, v29;
	v19 =	vor.u32 v19, v25;
	v37 =	vld [tilespmem:s28+$0x0]  }
0x10a: {  	v33 =	vadd.s32 v33, v20;
	v32 =	vadd.s32 v32, v20;
	v27 =	vor.u32 v39, v27;
	v25 =	vld [tilespmem:s14+$0x100]  }
0x10b: {  	v33 =	vor.u32 v39, v33;
	v32 =	vor.u32 v39, v32;
	v41 =	vand.u32 $0xFFFFFFF8, v36;
	v40 =	vld [tilespmem:s29+$0x0]  }
0x10c: {  	v36 =	vand.u32 $0x7, v36;
	v26 =	vadd.s32 v26, v41;
	v34 =	vadd.s32 v34, v41;
	v28 =	vld.idx.msk [tilespmem:v28+s17+$0x0], $0xffff  }
0x10d: {  	v30 =	vadd.s32 v30, v41;
	v26 =	vor.u32 v36, v26;
	v34 =	vor.u32 v36, v34;
	v31 =	vld.idx.msk [tilespmem:v31+s17+$0x0], $0xffff  }
0x10e: {  	v20 =	vadd.s32 v38, v20;
	v35 =	vadd.s32 v35, v41;
	v30 =	vor.u32 v36, v30;
	v19 =	vld.idx.msk [tilespmem:v19+s17+$0x0], $0xffff  }
0x10f: {  	v20 =	vor.u32 v39, v20;
	v35 =	vor.u32 v36, v35;
	v38 =	vand.u32 $0xFFFFFFF8, v25;
	v29 =	vld.idx.msk [tilespmem:v29+s17+$0x0], $0xffff  }
0x110: {  	v25 =	vand.u32 $0x7, v25;
	v23 =	vadd.s32 v23, v38;
	v33 =	vld.idx.msk [tilespmem:v33+s17+$0x0], $0xffff;
	v24 =	vadd.s32 v24, v38  }
0x111: {  	v21 =	vadd.s32 v21, v38;
	v23 =	vor.u32 v25, v23;
	v24 =	vor.u32 v25, v24;
	v32 =	vld.idx.msk [tilespmem:v32+s17+$0x0], $0xffff  }
0x112: {  	v36 =	vsub.f32 $1.000000000e+00, v40;
	v22 =	vadd.s32 v22, v38;
	v21 =	vor.u32 v25, v21;
	v34 =	vld.idx.msk [tilespmem:v34+s17+$0x0], $0xffff  }
0x113: {  	v38 =	vsub.f32 $1.000000000e+00, v37;
	v22 =	vor.u32 v25, v22;
	v27 =	vld.idx.msk [tilespmem:v27+s17+$0x0], $0xffff  }
0x114: {  	v25 =	vmul.f32 v36, v37;
	v20 =	vld.idx.msk [tilespmem:v20+s17+$0x0], $0xffff  }
0x115: {  	v36 =	vmul.f32 v36, v38;
	v26 =	vld.idx.msk [tilespmem:v26+s17+$0x0], $0xffff  }
0x116: {  	v33 =	vmul.f32 v33, v25;
	v30 =	vld.idx.msk [tilespmem:v30+s17+$0x0], $0xffff  }
0x117: {  	v38 =	vmul.f32 v40, v38;
	v29 =	vmul.f32 v29, v36;
	v24 =	vld.idx.msk [tilespmem:v24+s17+$0x0], $0xffff  }
0x118: {  	v31 =	vmul.f32 v31, v36;
	v32 =	vmul.f32 v32, v25;
	v23 =	vld.idx.msk [tilespmem:v23+s17+$0x0], $0xffff  }
0x119: {  	v28 =	vmul.f32 v28, v36;
	v27 =	vmul.f32 v27, v25;
	v35 =	vld.idx.msk [tilespmem:v35+s17+$0x0], $0xffff  }
0x11a: {  	v31 =	vadd.f32 v33, v31;
	v33 =	vmul.f32 v34, v38;
	v29 =	vadd.f32 v32, v29;
	v21 =	vld.idx.msk [tilespmem:v21+s17+$0x0], $0xffff  }
0x11b: {  	v32 =	vmul.f32 v40, v37;
	v27 =	vadd.f32 v27, v28;
	v26 =	vmul.f32 v26, v38  }
0x11c: {  	v19 =	vmul.f32 v19, v36;
	v28 =	vadd.f32 v33, v31;
	v30 =	vmul.f32 v30, v38;
	v22 =	vld.idx.msk [tilespmem:v22+s17+$0x0], $0xffff  }
0x11d: {  	v20 =	vmul.f32 v20, v25;
	v26 =	vadd.f32 v26, v27  }
0x11e: {  	v24 =	vmul.f32 v24, v32;
	v23 =	vmul.f32 v23, v32;
	v25 =	vadd.f32 v30, v29  }
0x11f: {  	v19 =	vadd.f32 v20, v19;
	v20 =	vmul.f32 v35, v38  }
0x120: {  	v24 =	vadd.f32 v24, v28;
	v23 =	vadd.f32 v23, v26;
	v21 =	vmul.f32 v21, v32  }
0x121: {  	v19 =	vadd.f32 v20, v19  }
0x122: {  	v20 =	vadd.f32 v21, v25;
	v21 =	vmul.f32 v22, v32;
	v22 =	vadd.f32 v24, v23;
	_ =	sdelay $0x1  }
0x123: {  	v19 =	vadd.f32 v21, v19;
	v21 =	vadd.f32 v20, v22;
	_ =	sdelay $0x1  }
0x124: {  	v21 =	vadd.f32 v19, v21;
	_ =	sdelay $0x1  }
0x125: {  	v25 =	vmul.f32 $2.500000000e-01, v21;
	_ =	sdelay $0x1  }
0x126: {  	v22 =	vsub.f32 v23, v25;
	v21 =	vsub.f32 v24, v25  }
0x127: {  	v20 =	vsub.f32 v20, v25;
	v19 =	vsub.f32 v19, v25  }
0x128: {  	v23 =	vmul.f32 v22, v22;
	v24 =	vmul.f32 v21, v21;
	_ =	sdelay $0x1  }
0x129: {  	v23 =	vadd.f32 v24, v23;
	v24 =	vmul.f32 v20, v20;
	_ =	sdelay $0x1  }
.Ltmp2:
0x12a: {  	v23 =	vadd.f32 v23, v24;
	v24 =	vmul.f32 v19, v19;
	(pc) =	sbr.rel @p0 .LBB2_7-.Ltmp2, $3  }
0x12b: {  	_ = 	snop  }
0x12c: {  	v23 =	vadd.f32 v23, v24;
	_ =	sdelay $0x1  }
0x12d: {  	v23 =	vmul.f32 $2.500000000e-01, v23  }
0x12e: {  	_ = 	snop  }
0x12f: {  	v23 =	vadd.f32 $9.999999740e-06, v23;
	_ =	sdelay $0x1  }
0x130: {  	v24 =	vshra.s32 v23, $0x1;
	v23 =	vmul.f32 $5.000000000e-01, v23  }
0x131: {  	v24 =	vsub.s32 $0x5F3759DF, v24  }
0x132: {  	v25 =	vmul.f32 v24, v23;
	_ =	sdelay $0x1  }
0x133: {  	v25 =	vmul.f32 v24, v25;
	_ =	sdelay $0x1  }
0x134: {  	v25 =	vsub.f32 $1.500000000e+00, v25;
	_ =	sdelay $0x1  }
0x135: {  	v24 =	vmul.f32 v24, v25;
	_ =	sdelay $0x1  }
0x136: {  	v25 =	vmul.f32 v24, v23;
	_ =	sdelay $0x1  }
0x137: {  	v25 =	vmul.f32 v25, v24;
	_ =	sdelay $0x1  }
0x138: {  	v25 =	vsub.f32 $1.500000000e+00, v25;
	_ =	sdelay $0x1  }
0x139: {  	v24 =	vmul.f32 v25, v24;
	_ =	sdelay $0x1  }
0x13a: {  	v23 =	vmul.f32 v24, v23;
	_ =	sdelay $0x1  }
0x13b: {  	v23 =	vmul.f32 v23, v24;
	_ =	sdelay $0x1  }
0x13c: {  	v23 =	vsub.f32 $1.500000000e+00, v23;
	_ =	sdelay $0x1  }
0x13d: {  	v57 =	vor.u32 s12, v17;
	v23 =	vmul.f32 v23, v24  }
0x13e: {  	v24 =	vshll.u32 v57, $0x4  }
0x13f: {  	v18 =	vmul.f32 v23, v18;
	v23 =	vor.u32 $0x1, v24  }
0x140: {  	v58 =	vor.u32 $0x2, v24  }
0x141: {  	v26 =	vor.u32 $0x3, v24;
	v22 =	vmul.f32 v18, v22  }
0x142: {  	v21 =	vmul.f32 v18, v21  }
0x143: {  	v20 =	vmul.f32 v18, v20;
	[tilespmem:v24+s25+$0x0] =	vst.idx.msk $0xffff, v22  }
0x144: {  	v18 =	vmul.f32 v18, v19;
	[tilespmem:v23+s25+$0x0] =	vst.idx.msk $0xffff, v21  }
0x145: {  	[tilespmem:v58+s25+$0x0] =	vst.idx.msk $0xffff, v20  }
0x146: {  	s1 =	sadd.s32 $0x0, s13;
	[tilespmem:v26+s25+$0x0] =	vst.idx.msk $0xffff, v18  }
0x147: {  	s2 =	sadd.s32 $0x0, s3;
	v18 =	vld [tilespmem:s1+$0x0]  }
0x148: {  	v19 =	vld [tilespmem:s2+$0x0];
	_ =	sdelay $0x3  }
0x149: {  	v18 =	vmul.f32 $6.250000000e-02, v18  }
0x14a: {  	v19 =	vmul.f32 $6.250000000e-02, v19  }
0x14b: {  	v20 =	vtrunc.f32 v18  }
0x14c: {  	v21 =	vtrunc.f32 v19;
	v20 =	vcvt.f32.s32 v20  }
0x14d: {  	v21 =	vcvt.f32.s32 v21  }
0x14e: {  	v22 =	vcvt.s32.f32 v20;
	v20 =	vmul.u32 $0x9E3779B1, v20  }
0x14f: {  	v23 =	vcvt.s32.f32 v21  }
0x150: {  	v59 =	vadd.s32 $0x1, v21;
	v18 =	vsub.f32 v18, v22;
	v22 =	vadd.s32 $0x9E3779B1, v20  }
0x151: {  	s14 =	simm.s32 $0x0;
	v19 =	vsub.f32 v19, v23;
	v23 =	vxor.u32 v59, v22  }
0x152: {  	v24 =	vxor.u32 v59, v20;
	[tilespmem:s14+$0x1200] =	vst v18;
	v18 =	vshrl.u32 v23, $0x1;
	v60 =	vshrl.u32 v23, $0x3  }
0x153: {  	[tilespmem:s14+$0x1000] =	vst v19;
	v19 =	vand.u32 $0x7, v24;
	v18 =	vand.u32 $0xFFFC0, v18;
	v25 =	vand.u32 $0xF, v60  }
0x154: {  	[tilespmem:s14+$0x3500] =	vst v19;
	v19 =	vxor.u32 v21, v22;
	v18 =	vor.u32 v25, v18  }
0x155: {  	v62 =	vshrl.u32 v19, $0x3;
	v27 =	vshrl.u32 v19, $0x1;
	v19 =	vand.u32 $0x7, v19;
	[tilespmem:s14+$0x2000] =	vst v18  }
0x156: {  	v22 =	vor.u32 $0x20, v18;
	[tilespmem:s14+$0x3600] =	vst v19  }
0x157: {  	v61 =	vshrl.u32 v24, $0x3;
	v24 =	vshrl.u32 v24, $0x1;
	[tilespmem:s14+$0x2200] =	vst v22;
	v22 =	vor.u32 $0x30, v18  }
0x158: {  	v24 =	vand.u32 $0xFFFC0, v24;
	v19 =	vand.u32 $0xF, v61;
	v18 =	vor.u32 $0x10, v18;
	[tilespmem:s14+$0x2300] =	vst v22  }
0x159: {  	v63 =	vand.u32 $0xFFFC0, v27;
	[tilespmem:s14+$0x2100] =	vst v18;
	v18 =	vor.u32 v19, v24  }
0x15a: {  	v22 =	vand.u32 $0xF, v62;
	v19 =	vxor.u32 v21, v20;
	v20 =	vand.u32 $0x7, v23;
	[tilespmem:s14+$0x1800] =	vst v18  }
0x15b: {  	v22 =	vor.u32 v22, v63;
	[tilespmem:s14+$0x3700] =	vst v20  }
0x15c: {  	v21 =	vand.u32 $0x7, v19;
	[tilespmem:s14+$0x1C00] =	vst v22  }
0x15d: {  	v20 =	vshrl.u32 v19, $0x3;
	v19 =	vshrl.u32 v19, $0x1;
	v23 =	vor.u32 $0x30, v18;
	[tilespmem:s14+$0x3400] =	vst v21  }
0x15e: {  	v20 =	vand.u32 $0xF, v20;
	v19 =	vand.u32 $0xFFFC0, v19;
	[tilespmem:s14+$0x1B00] =	vst v23;
	v21 =	vor.u32 $0x30, v22  }
0x15f: {  	v23 =	vor.u32 v20, v19;
	[tilespmem:s14+$0x1F00] =	vst v21  }
0x160: {  	v19 =	vor.u32 $0x10, v22;
	[tilespmem:s14+$0x1400] =	vst v23  }
0x161: {  	s12 =	simm.s32 $0x10;
	v20 =	vor.u32 $0x20, v18;
	[tilespmem:s14+$0x1D00] =	vst v19  }
0x162: {  	s4 =	sadd.s32 $0x10, s13;
	s5 =	simm.s32 $0xC0;
	s28 =	sadd.s32 $0x20, s3;
	v18 =	vor.u32 $0x10, v18;
	v22 =	vor.u32 $0x20, v22;
	[tilespmem:s14+$0x1A00] =	vst v20  }
0x163: {  	s29 =	sadd.s32 $0x20, s13;
	s2 =	sadd.s32 $0x10, s3;
	s1 =	simm.s32 $0x20;
	v19 =	vor.u32 $0x10, v23;
	v20 =	vor.u32 $0x20, v23;
	v21 =	vor.u32 $0x30, v23;
	[tilespmem:s14+$0x1E00] =	vst v22  }
.LBB2_9:
0x164: {  	p0 =	sne.s32 s5, $0x3C0;
	[tilespmem:s14+$0x1900] =	vst v18;
	s11 =	smov.u32 s5;
	s5 =	sadd.s32 $0x40, s5  }
0x165: {  	[tilespmem:s14+$0x1700] =	vst v21  }
0x166: {  	[tilespmem:s14+$0x1600] =	vst v20  }
0x167: {  	[tilespmem:s14+$0x1500] =	vst v19;
	s14 =	smov.u32 s12;
	s12 =	smov.u32 s1  }
0x168: {  	v18 =	vld [tilespmem:s4+$0x0];
	s4 =	smov.u32 s29  }
0x169: {  	v19 =	vld [tilespmem:s2+$0x0];
	s2 =	smov.u32 s28;
	_ =	sdelay $0x3  }
0x16a: {  	v18 =	vmul.f32 $6.250000000e-02, v18  }
0x16b: {  	v19 =	vmul.f32 $6.250000000e-02, v19  }
0x16c: {  	v20 =	vtrunc.f32 v18  }
0x16d: {  	v21 =	vtrunc.f32 v19;
	v20 =	vcvt.f32.s32 v20  }
0x16e: {  	v21 =	vcvt.f32.s32 v21  }
0x16f: {  	v22 =	vcvt.s32.f32 v20;
	v20 =	vmul.u32 $0x9E3779B1, v20  }
0x170: {  	v23 =	vcvt.s32.f32 v21;
	v24 =	vadd.s32 $0x1, v21  }
0x171: {  	s1 =	sshra.s32 s11, $0x2;
	v18 =	vsub.f32 v18, v22;
	v22 =	vadd.s32 $0x9E3779B1, v20;
	v25 =	vxor.u32 v24, v20  }
0x172: {  	s29 =	sadd.s32 s1, s13;
	s28 =	sadd.s32 s1, s3;
	v19 =	vsub.f32 v19, v23;
	v23 =	vxor.u32 v21, v22;
	v22 =	vxor.u32 v24, v22  }
0x173: {  	[tilespmem:s14+$0x1200] =	vst v18;
	v18 =	vshrl.u32 v25, $0x3;
	v24 =	vshrl.u32 v22, $0x1;
	v26 =	vshrl.u32 v22, $0x3  }
0x174: {  	[tilespmem:s14+$0x1000] =	vst v19;
	v19 =	vand.u32 $0x7, v25;
	v24 =	vand.u32 $0xFFFC0, v24;
	v26 =	vand.u32 $0xF, v26  }
0x175: {  	v18 =	vand.u32 $0xF, v18;
	[tilespmem:s14+$0x3500] =	vst v19;
	v19 =	vshrl.u32 v23, $0x3;
	v24 =	vor.u32 v26, v24  }
0x176: {  	v25 =	vshrl.u32 v25, $0x1;
	[tilespmem:s14+$0x2000] =	vst v24;
	v26 =	vor.u32 $0x10, v24;
	v27 =	vor.u32 $0x20, v24  }
0x177: {  	v28 =	vshrl.u32 v23, $0x1;
	v19 =	vand.u32 $0xF, v19;
	v24 =	vor.u32 $0x30, v24;
	[tilespmem:s14+$0x2200] =	vst v27  }
0x178: {  	v20 =	vxor.u32 v21, v20;
	v21 =	vand.u32 $0xFFFC0, v28;
	v23 =	vand.u32 $0x7, v23;
	[tilespmem:s14+$0x2300] =	vst v24  }
0x179: {  	v24 =	vand.u32 $0xFFFC0, v25;
	v25 =	vor.u32 v19, v21;
	[tilespmem:s14+$0x3600] =	vst v23  }
0x17a: {  	v22 =	vand.u32 $0x7, v22;
	v19 =	vshrl.u32 v20, $0x3;
	v21 =	vor.u32 v18, v24;
	[tilespmem:s14+$0x2100] =	vst v26  }
0x17b: {  	v18 =	vshrl.u32 v20, $0x1;
	v19 =	vand.u32 $0xF, v19;
	v20 =	vand.u32 $0x7, v20;
	[tilespmem:s14+$0x1C00] =	vst v25  }
0x17c: {  	v24 =	vor.u32 $0x10, v25;
	v23 =	vand.u32 $0xFFFC0, v18;
	v18 =	vor.u32 $0x10, v21;
	[tilespmem:s14+$0x1800] =	vst v21  }
0x17d: {  	v26 =	vor.u32 $0x20, v21;
	v27 =	vor.u32 $0x30, v21;
	v23 =	vor.u32 v19, v23;
	[tilespmem:s14+$0x3700] =	vst v22  }
0x17e: {  	v19 =	vor.u32 $0x10, v23;
	v21 =	vor.u32 $0x30, v23;
	[tilespmem:s14+$0x3400] =	vst v20;
	v20 =	vor.u32 $0x20, v23  }
0x17f: {  	v22 =	vor.u32 $0x20, v25;
	v25 =	vor.u32 $0x30, v25;
	[tilespmem:s14+$0x1B00] =	vst v27  }
.Ltmp3:
0x180: {  	[tilespmem:s14+$0x1F00] =	vst v25;
	(pc) =	sbr.rel @p0 .LBB2_9-.Ltmp3, $4  }
0x181: {  	[tilespmem:s14+$0x1400] =	vst v23  }
0x182: {  	[tilespmem:s14+$0x1D00] =	vst v24  }
0x183: {  	[tilespmem:s14+$0x1A00] =	vst v26  }
0x184: {  	[tilespmem:s14+$0x1E00] =	vst v22  }
0x185: {  	[tilespmem:s14+$0x1900] =	vst v18  }
0x186: {  	[tilespmem:s14+$0x1700] =	vst v21  }
0x187: {  	[tilespmem:s14+$0x1600] =	vst v20  }
0x188: {  	[tilespmem:s14+$0x1500] =	vst v19  }
0x189: {  	v18 =	vld [tilespmem:s4+$0x0]  }
0x18a: {  	v19 =	vld [tilespmem:s2+$0x0];
	_ =	sdelay $0x3  }
0x18b: {  	v18 =	vmul.f32 $6.250000000e-02, v18  }
0x18c: {  	v19 =	vmul.f32 $6.250000000e-02, v19  }
0x18d: {  	v20 =	vtrunc.f32 v18  }
0x18e: {  	v21 =	vtrunc.f32 v19;
	v20 =	vcvt.f32.s32 v20  }
0x18f: {  	v21 =	vcvt.f32.s32 v21  }
0x190: {  	v22 =	vcvt.s32.f32 v20;
	v20 =	vmul.u32 $0x9E3779B1, v20  }
0x191: {  	v23 =	vcvt.s32.f32 v21  }
0x192: {  	v24 =	vadd.s32 $0x1, v21;
	v18 =	vsub.f32 v18, v22;
	v22 =	vadd.s32 $0x9E3779B1, v20  }
0x193: {  	v19 =	vsub.f32 v19, v23;
	v23 =	vxor.u32 v24, v22  }
0x194: {  	v24 =	vxor.u32 v24, v20;
	[tilespmem:s12+$0x1200] =	vst v18;
	v18 =	vshrl.u32 v23, $0x1;
	v25 =	vshrl.u32 v23, $0x3  }
0x195: {  	[tilespmem:s12+$0x1000] =	vst v19;
	v19 =	vand.u32 $0x7, v24;
	v18 =	vand.u32 $0xFFFC0, v18;
	v25 =	vand.u32 $0xF, v25  }
0x196: {  	[tilespmem:s12+$0x3500] =	vst v19;
	v19 =	vxor.u32 v21, v22;
	v18 =	vor.u32 v25, v18  }
0x197: {  	v26 =	vshrl.u32 v19, $0x3;
	v27 =	vshrl.u32 v19, $0x1;
	v19 =	vand.u32 $0x7, v19;
	[tilespmem:s12+$0x2000] =	vst v18  }
0x198: {  	v22 =	vor.u32 $0x20, v18;
	[tilespmem:s12+$0x3600] =	vst v19  }
0x199: {  	v25 =	vshrl.u32 v24, $0x3;
	v24 =	vshrl.u32 v24, $0x1;
	[tilespmem:s12+$0x2200] =	vst v22;
	v22 =	vor.u32 $0x30, v18  }
0x19a: {  	v19 =	vand.u32 $0xF, v25;
	v24 =	vand.u32 $0xFFFC0, v24;
	v18 =	vor.u32 $0x10, v18;
	[tilespmem:s12+$0x2300] =	vst v22  }
0x19b: {  	v22 =	vand.u32 $0xF, v26;
	[tilespmem:s12+$0x2100] =	vst v18;
	v18 =	vor.u32 v19, v24  }
0x19c: {  	v26 =	vand.u32 $0xFFFC0, v27;
	v19 =	vxor.u32 v21, v20;
	v20 =	vand.u32 $0x7, v23;
	[tilespmem:s12+$0x1800] =	vst v18  }
0x19d: {  	v22 =	vor.u32 v22, v26;
	[tilespmem:s12+$0x3700] =	vst v20  }
0x19e: {  	v21 =	vand.u32 $0x7, v19;
	[tilespmem:s12+$0x1C00] =	vst v22  }
0x19f: {  	v20 =	vshrl.u32 v19, $0x3;
	v19 =	vshrl.u32 v19, $0x1;
	v23 =	vor.u32 $0x30, v18;
	[tilespmem:s12+$0x3400] =	vst v21  }
0x1a0: {  	v20 =	vand.u32 $0xF, v20;
	v19 =	vand.u32 $0xFFFC0, v19;
	[tilespmem:s12+$0x1B00] =	vst v23;
	v21 =	vor.u32 $0x30, v22  }
0x1a1: {  	v19 =	vor.u32 v20, v19;
	[tilespmem:s12+$0x1F00] =	vst v21  }
0x1a2: {  	v20 =	vor.u32 $0x10, v22;
	[tilespmem:s12+$0x1400] =	vst v19  }
0x1a3: {  	v21 =	vor.u32 $0x20, v18;
	[tilespmem:s12+$0x1D00] =	vst v20  }
0x1a4: {  	v18 =	vor.u32 $0x10, v18;
	[tilespmem:s12+$0x1A00] =	vst v21  }
0x1a5: {  	v20 =	vor.u32 $0x20, v22;
	[tilespmem:s12+$0x1900] =	vst v18  }
0x1a6: {  	v18 =	vor.u32 $0x20, v19;
	[tilespmem:s12+$0x1E00] =	vst v20  }
0x1a7: {  	v20 =	vor.u32 $0x30, v19;
	[tilespmem:s12+$0x1600] =	vst v18  }
0x1a8: {  	v19 =	vor.u32 $0x10, v19;
	[tilespmem:s12+$0x1700] =	vst v20  }
0x1a9: {  	[tilespmem:s12+$0x1500] =	vst v19  }
0x1aa: {  	v18 =	vld [tilespmem:s29+$0x0]  }
0x1ab: {  	v19 =	vld [tilespmem:s28+$0x0];
	_ =	sdelay $0x3  }
0x1ac: {  	v18 =	vmul.f32 $6.250000000e-02, v18  }
0x1ad: {  	v19 =	vmul.f32 $6.250000000e-02, v19  }
0x1ae: {  	v20 =	vtrunc.f32 v18  }
0x1af: {  	v21 =	vtrunc.f32 v19;
	v20 =	vcvt.f32.s32 v20  }
0x1b0: {  	v21 =	vcvt.f32.s32 v21  }
0x1b1: {  	v22 =	vcvt.s32.f32 v20;
	v20 =	vmul.u32 $0x9E3779B1, v20  }
0x1b2: {  	v23 =	vcvt.s32.f32 v21  }
0x1b3: {  	v24 =	vadd.s32 $0x1, v21;
	v18 =	vsub.f32 v18, v22;
	v22 =	vadd.s32 $0x9E3779B1, v20  }
0x1b4: {  	v19 =	vsub.f32 v19, v23;
	v23 =	vxor.u32 v24, v22  }
0x1b5: {  	v24 =	vxor.u32 v24, v20;
	[tilespmem:s1+$0x1200] =	vst v18;
	v18 =	vshrl.u32 v23, $0x1;
	v25 =	vshrl.u32 v23, $0x3  }
0x1b6: {  	[tilespmem:s1+$0x1000] =	vst v19;
	v19 =	vand.u32 $0x7, v24;
	v18 =	vand.u32 $0xFFFC0, v18;
	v25 =	vand.u32 $0xF, v25  }
0x1b7: {  	[tilespmem:s1+$0x3500] =	vst v19;
	v19 =	vxor.u32 v21, v22;
	v18 =	vor.u32 v25, v18  }
0x1b8: {  	v26 =	vshrl.u32 v19, $0x3;
	v27 =	vshrl.u32 v19, $0x1;
	v19 =	vand.u32 $0x7, v19;
	[tilespmem:s1+$0x2000] =	vst v18  }
0x1b9: {  	v22 =	vor.u32 $0x20, v18;
	[tilespmem:s1+$0x3600] =	vst v19  }
0x1ba: {  	v25 =	vshrl.u32 v24, $0x3;
	v24 =	vshrl.u32 v24, $0x1;
	[tilespmem:s1+$0x2200] =	vst v22;
	v22 =	vor.u32 $0x30, v18  }
0x1bb: {  	v19 =	vand.u32 $0xF, v25;
	v24 =	vand.u32 $0xFFFC0, v24;
	v18 =	vor.u32 $0x10, v18;
	[tilespmem:s1+$0x2300] =	vst v22  }
0x1bc: {  	v22 =	vand.u32 $0xF, v26;
	[tilespmem:s1+$0x2100] =	vst v18;
	v18 =	vor.u32 v19, v24  }
0x1bd: {  	v26 =	vand.u32 $0xFFFC0, v27;
	v19 =	vxor.u32 v21, v20;
	v20 =	vand.u32 $0x7, v23;
	[tilespmem:s1+$0x1800] =	vst v18  }
0x1be: {  	v22 =	vor.u32 v22, v26;
	[tilespmem:s1+$0x3700] =	vst v20  }
0x1bf: {  	v21 =	vand.u32 $0x7, v19;
	[tilespmem:s1+$0x1C00] =	vst v22  }
0x1c0: {  	v20 =	vshrl.u32 v19, $0x3;
	v19 =	vshrl.u32 v19, $0x1;
	v23 =	vor.u32 $0x30, v18;
	[tilespmem:s1+$0x3400] =	vst v21  }
0x1c1: {  	v20 =	vand.u32 $0xF, v20;
	v19 =	vand.u32 $0xFFFC0, v19;
	[tilespmem:s1+$0x1B00] =	vst v23;
	v21 =	vor.u32 $0x30, v22  }
0x1c2: {  	v19 =	vor.u32 v20, v19;
	[tilespmem:s1+$0x1F00] =	vst v21  }
0x1c3: {  	v20 =	vor.u32 $0x10, v22;
	[tilespmem:s1+$0x1400] =	vst v19  }
0x1c4: {  	v21 =	vor.u32 $0x20, v18;
	[tilespmem:s1+$0x1D00] =	vst v20  }
0x1c5: {  	v18 =	vor.u32 $0x10, v18;
	[tilespmem:s1+$0x1A00] =	vst v21  }
0x1c6: {  	v20 =	vor.u32 $0x20, v22;
	[tilespmem:s1+$0x1900] =	vst v18  }
0x1c7: {  	v18 =	vor.u32 $0x20, v19;
	[tilespmem:s1+$0x1E00] =	vst v20  }
0x1c8: {  	v20 =	vor.u32 $0x30, v19;
	[tilespmem:s1+$0x1600] =	vst v18  }
0x1c9: {  	v19 =	vor.u32 $0x10, v19;
	[tilespmem:s1+$0x1700] =	vst v20  }
0x1ca: {  	[tilespmem:s1+$0x1500] =	vst v19  }
0x1cb: {  	[tilespmem:s17], [sflag:$0x1] =	stream.indirect.gather [hbm4b:s9+s15], $0x8, s16, s15, $0xb8;
	[tilespmem:$0x15C40] =	vst v63  }
0x1cc: {  	_ = 	snop  }
0x1cd: {  	[tilespmem:s19], [sflag:$0x1] =	stream.indirect.gather [hbm4b:s9+s15], $0x8, s18, s15, $0xb8;
	[tilespmem:$0x15C40] =	vst v63  }
0x1ce: {  	_ =	swait.ge [sflag:s26], $0x4000  }
0x1cf: {  	[sflag:s26] =	ssyncset.done $0x0  }
0x1d0: {  	v28 =	vor.u32 $0xE800, v1;
	v29 =	vor.u32 $0xB800, v1;
	s12 =	simm.s32 $0x0;
	[sflag:s26] =	ssyncadd.s32 $0xFFFFC000  }
0x1d1: {  	v30 =	vor.u32 $0xC000, v1;
	v31 =	vor.u32 $0xD000, v1;
	v25 =	vmov s12;
	_ =	swait.ge [sflag:s26], $0x4000  }
0x1d2: {  	v34 =	vshll.u32 v25, $0x3;
	v25 =	vor.u32 $0xD800, v1;
	v24 =	vor.u32 $0x8000, v1;
	[sflag:s26] =	ssyncset.done $0x0  }
0x1d3: {  	s14 =	simm.s32 $0x3B00;
	v35 =	vadd.s32 v25, v34;
	v27 =	vor.u32 $0x9000, v1;
	v45 =	vadd.s32 v28, v34;
	[sflag:s26] =	ssyncadd.s32 $0xFFFFC000  }
0x1d4: {  	v47 =	vadd.s32 v29, v34;
	v53 =	vadd.s32 v30, v34;
	v55 =	vadd.s32 v31, v34;
	v33 =	vld [tilespmem:s14+$0x0]  }
0x1d5: {  	v26 =	vor.u32 $0xB000, v1;
	v37 =	vadd.s32 v24, v34;
	v23 =	vor.u32 $0xA800, v1;
	v41 =	vld [tilespmem:s14+$0xFFFFFD00]  }
0x1d6: {  	v40 =	vadd.s32 v27, v34;
	v36 =	vadd.s32 v26, v34;
	v39 =	vadd.s32 v23, v34  }
0x1d7: {  	v21 =	vor.u32 $0xA000, v1;
	v22 =	vor.u32 $0x9800, v1;
	v18 =	vor.u32 $0x8800, v1;
	v46 =	vld [tilespmem:s14+$0xFFFFFE00]  }
0x1d8: {  	v43 =	vadd.s32 v22, v34;
	v44 =	vadd.s32 v21, v34;
	v19 =	vor.u32 $0xC800, v1  }
0x1d9: {  	v20 =	vor.u32 $0xE000, v1;
	v38 =	vadd.s32 v18, v34;
	v48 =	vand.u32 $0xFFFFFFF8, v33  }
0x1da: {  	v49 =	vand.u32 $0x7, v33;
	v63 =	vand.u32 $0xFFFFFFF8, v41;
	v62 =	vadd.s32 v45, v48  }
0x1db: {  	v41 =	vand.u32 $0x7, v41;
	v37 =	vadd.s32 v37, v63;
	v33 =	vor.u32 v49, v62  }
0x1dc: {  	v50 =	vld [tilespmem:s14+$0xFFFFFF00];
	v51 =	vand.u32 $0xFFFFFFF8, v46;
	v38 =	vadd.s32 v38, v63;
	v37 =	vor.u32 v41, v37  }
0x1dd: {  	s28 =	simm.s32 $0x1100;
	v46 =	vand.u32 $0x7, v46;
	v39 =	vadd.s32 v39, v51;
	v38 =	vor.u32 v41, v38  }
0x1de: {  	s29 =	simm.s32 $0x1300;
	v32 =	vadd.s32 v19, v34;
	v52 =	vld [tilespmem:s28+$0x0];
	v36 =	vadd.s32 v36, v51;
	v39 =	vor.u32 v46, v39  }
0x1df: {  	v42 =	vadd.s32 v20, v34;
	v54 =	vld [tilespmem:s29+$0x0];
	v40 =	vadd.s32 v40, v63;
	v36 =	vor.u32 v46, v36  }
0x1e0: {  	v42 =	vadd.s32 v42, v48;
	v59 =	vadd.s32 v44, v51;
	v40 =	vor.u32 v41, v40;
	v56 =	vld.idx.msk [tilespmem:v33+s17+$0x0], $0xffff  }
0x1e1: {  	v44 =	vand.u32 $0xFFFFFFF8, v50;
	v47 =	vadd.s32 v47, v51;
	v57 =	vor.u32 v46, v59;
	v37 =	vld.idx.msk [tilespmem:v37+s17+$0x0], $0xffff  }
0x1e2: {  	v50 =	vand.u32 $0x7, v50;
	v43 =	vadd.s32 v43, v63;
	v46 =	vor.u32 v46, v47;
	v38 =	vld.idx.msk [tilespmem:v38+s17+$0x0], $0xffff  }
0x1e3: {  	v42 =	vor.u32 v49, v42;
	v60 =	vadd.s32 v32, v44;
	v41 =	vor.u32 v41, v43;
	v39 =	vld.idx.msk [tilespmem:v39+s17+$0x0], $0xffff  }
0x1e4: {  	v53 =	vadd.s32 v53, v44;
	v55 =	vadd.s32 v55, v44;
	v58 =	vor.u32 v50, v60;
	v36 =	vld.idx.msk [tilespmem:v36+s17+$0x0], $0xffff  }
0x1e5: {  	v62 =	vsub.f32 $1.000000000e+00, v52;
	v47 =	vsub.f32 $1.000000000e+00, v54;
	v53 =	vor.u32 v50, v53;
	v40 =	vld.idx.msk [tilespmem:v40+s17+$0x0], $0xffff  }
0x1e6: {  	v35 =	vadd.s32 v35, v44;
	v51 =	vor.u32 v50, v55;
	v33 =	vor.u32 $0xF000, v1;
	v63 =	vld.idx.msk [tilespmem:v57+s17+$0x0], $0xffff  }
0x1e7: {  	v32 =	vor.u32 $0xF800, v1;
	v35 =	vor.u32 v50, v35;
	v46 =	vld.idx.msk [tilespmem:v46+s17+$0x0], $0xffff;
	v59 =	vadd.s32 v33, v34  }
0x1e8: {  	v60 =	vmul.f32 v54, v62;
	v45 =	vmul.f32 v47, v62;
	v41 =	vld.idx.msk [tilespmem:v41+s17+$0x0], $0xffff;
	v61 =	vadd.s32 v59, v48  }
0x1e9: {  	v47 =	vmul.f32 v47, v52;
	v34 =	vadd.s32 v32, v34;
	v44 =	vld.idx.msk [tilespmem:v58+s17+$0x0], $0xffff;
	v55 =	vor.u32 v49, v61  }
0x1ea: {  	v62 =	vmul.f32 v54, v52;
	v34 =	vadd.s32 v34, v48;
	v61 =	vld.idx.msk [tilespmem:v53+s17+$0x0], $0xffff;
	v37 =	vmul.f32 v37, v45  }
0x1eb: {  	v51 =	vld.idx.msk [tilespmem:v51+s17+$0x0], $0xffff;
	v34 =	vor.u32 v49, v34;
	v38 =	vmul.f32 v38, v45;
	v39 =	vmul.f32 v39, v47  }
0x1ec: {  	v42 =	vld.idx.msk [tilespmem:v42+s17+$0x0], $0xffff;
	v40 =	vmul.f32 v40, v45;
	v43 =	vmul.f32 v63, v47  }
0x1ed: {  	v35 =	vld.idx.msk [tilespmem:v35+s17+$0x0], $0xffff;
	v52 =	vmul.f32 v56, v62;
	v36 =	vmul.f32 v36, v47  }
0x1ee: {  	v41 =	vmul.f32 v41, v45;
	v44 =	vmul.f32 v44, v60;
	v63 =	vld.idx.msk [tilespmem:v55+s17+$0x0], $0xffff  }
0x1ef: {  	v38 =	vadd.f32 v39, v38;
	v37 =	vadd.f32 v43, v37;
	v53 =	vmul.f32 v61, v60  }
0x1f0: {  	v54 =	vmul.f32 v51, v60;
	v36 =	vadd.f32 v36, v40;
	v34 =	vld.idx.msk [tilespmem:v34+s17+$0x0], $0xffff;
	v55 =	vmul.f32 v46, v47  }
0x1f1: {  	v42 =	vmul.f32 v42, v62;
	v38 =	vadd.f32 v44, v38;
	v37 =	vadd.f32 v53, v37  }
0x1f2: {  	v35 =	vmul.f32 v35, v60;
	v36 =	vadd.f32 v54, v36;
	v40 =	vadd.f32 v55, v41  }
0x1f3: {  	v38 =	vadd.f32 v52, v38;
	v37 =	vadd.f32 v42, v37;
	v56 =	vmul.f32 v63, v62  }
0x1f4: {  	v35 =	vadd.f32 v35, v40  }
0x1f5: {  	v34 =	vmul.f32 v34, v62;
	v58 =	vadd.f32 v38, v37;
	v36 =	vadd.f32 v56, v36;
	_ =	sdelay $0x1  }
0x1f6: {  	v34 =	vadd.f32 v34, v35;
	v39 =	vadd.f32 v36, v58;
	_ =	sdelay $0x1  }
0x1f7: {  	v35 =	vadd.f32 v34, v39;
	_ =	sdelay $0x1  }
0x1f8: {  	v35 =	vmul.f32 $2.500000000e-01, v35;
	_ =	sdelay $0x1  }
0x1f9: {  	v37 =	vsub.f32 v37, v35;
	v38 =	vsub.f32 v38, v35;
	_ =	sdelay $0x1  }
0x1fa: {  	v39 =	vsub.f32 v36, v35;
	v59 =	vmul.f32 v37, v37;
	v60 =	vmul.f32 v38, v38;
	_ =	sdelay $0x1  }
0x1fb: {  	v36 =	vsub.f32 v34, v35;
	v62 =	vmul.f32 v39, v39;
	v61 =	vadd.f32 v60, v59;
	_ =	sdelay $0x1  }
0x1fc: {  	v63 =	vmul.f32 v36, v36;
	v34 =	vadd.f32 v61, v62;
	_ =	sdelay $0x1  }
0x1fd: {  	v34 =	vadd.f32 v34, v63;
	_ =	sdelay $0x1  }
0x1fe: {  	v34 =	vmul.f32 $2.500000000e-01, v34;
	_ =	sdelay $0x1  }
0x1ff: {  	v34 =	vadd.f32 $9.999999740e-06, v34;
	_ =	sdelay $0x1  }
0x200: {  	s1 =	simm.s32 $0x10;
	v35 =	vld [tilespmem:$0x15C10];
	v41 =	vshra.s32 v34, $0x1;
	v40 =	vmul.f32 $5.000000000e-01, v34  }
.LBB2_11:
0x201: {  	v34 =	vsub.s32 $0x5F3759DF, v41;
	s29 =	sadd.s32 $0x10, s29;
	s28 =	sadd.s32 $0x10, s28;
	s14 =	sadd.s32 $0x10, s14  }
0x202: {  	p0 =	sne.s32 s1, $0xF0;
	s2 =	smov.u32 s1;
	s1 =	sadd.s32 $0x10, s1;
	v41 =	vmul.f32 v34, v40  }
0x203: {  	_ = 	snop  }
0x204: {  	v41 =	vmul.f32 v34, v41;
	_ =	sdelay $0x1  }
0x205: {  	v41 =	vsub.f32 $1.500000000e+00, v41;
	_ =	sdelay $0x1  }
0x206: {  	v41 =	vmul.f32 v34, v41;
	_ =	sdelay $0x1  }
0x207: {  	v34 =	vmul.f32 v41, v40;
	_ =	sdelay $0x1  }
0x208: {  	v42 =	vmul.f32 v34, v41;
	v34 =	vmul.u32 $0x10, v0  }
0x209: {  	s4 =	sor.u32 s7, s12;
	s12 =	smov.u32 s2  }
0x20a: {  	v42 =	vsub.f32 $1.500000000e+00, v42  }
0x20b: {  	v44 =	vmov s4;
	v43 =	vmov s12  }
0x20c: {  	v43 =	vshll.u32 v43, $0x3;
	v41 =	vmul.f32 v42, v41  }
0x20d: {  	v44 =	vshll.u32 v44, $0x4;
	v42 =	vadd.s32 v25, v43  }
0x20e: {  	v45 =	vadd.s32 v19, v43;
	v46 =	vadd.s32 v26, v43;
	v40 =	vmul.f32 v41, v40  }
0x20f: {  	v47 =	vadd.s32 v24, v43;
	v48 =	vadd.s32 v18, v43  }
0x210: {  	v49 =	vadd.s32 v23, v43;
	v50 =	vadd.s32 v27, v43;
	v40 =	vmul.f32 v40, v41  }
0x211: {  	v51 =	vadd.s32 v20, v43;
	v52 =	vadd.s32 v22, v43;
	v44 =	vor.u32 v34, v44  }
0x212: {  	v53 =	vadd.s32 v21, v43;
	v40 =	vsub.f32 $1.500000000e+00, v40  }
0x213: {  	v54 =	vadd.s32 v28, v43;
	v55 =	vor.u32 $0x5, v44  }
0x214: {  	v40 =	vmul.f32 v40, v41;
	v41 =	vor.u32 $0x6, v44  }
0x215: {  	v56 =	vadd.s32 v29, v43;
	v57 =	vor.u32 $0x4, v44  }
0x216: {  	v58 =	vadd.s32 v30, v43;
	v40 =	vmul.f32 v40, v35  }
0x217: {  	v59 =	vadd.s32 v31, v43;
	v44 =	vor.u32 $0x7, v44  }
0x218: {  	v37 =	vmul.f32 v40, v37;
	v38 =	vmul.f32 v40, v38  }
0x219: {  	v39 =	vmul.f32 v40, v39  }
0x21a: {  	v60 =	vadd.s32 v32, v43;
	[tilespmem:v57+s25+$0x0] =	vst.idx.msk $0xffff, v37  }
0x21b: {  	v36 =	vmul.f32 v40, v36;
	v37 =	vadd.s32 v33, v43;
	[tilespmem:v55+s25+$0x0] =	vst.idx.msk $0xffff, v38  }
0x21c: {  	[tilespmem:v41+s25+$0x0] =	vst.idx.msk $0xffff, v39  }
0x21d: {  	[tilespmem:v44+s25+$0x0] =	vst.idx.msk $0xffff, v36  }
0x21e: {  	v36 =	vld [tilespmem:s14+$0x0]  }
0x21f: {  	v38 =	vld [tilespmem:s14+$0xFFFFFD00];
	_ =	sdelay $0x1  }
0x220: {  	v39 =	vld [tilespmem:s28+$0x0]  }
0x221: {  	v40 =	vld [tilespmem:s14+$0xFFFFFE00]  }
0x222: {  	v41 =	vand.u32 $0xFFFFFFF8, v36  }
0x223: {  	v36 =	vand.u32 $0x7, v36;
	v43 =	vand.u32 $0xFFFFFFF8, v38;
	v44 =	vadd.s32 v54, v41  }
0x224: {  	v38 =	vand.u32 $0x7, v38;
	v51 =	vadd.s32 v51, v41;
	v44 =	vor.u32 v36, v44  }
0x225: {  	v37 =	vadd.s32 v37, v41;
	v41 =	vadd.s32 v60, v41;
	v47 =	vadd.s32 v47, v43  }
0x226: {  	v48 =	vadd.s32 v48, v43;
	v41 =	vor.u32 v36, v41;
	v47 =	vor.u32 v38, v47  }
0x227: {  	v51 =	vor.u32 v36, v51;
	v48 =	vor.u32 v38, v48;
	v55 =	vand.u32 $0xFFFFFFF8, v40;
	v54 =	vld [tilespmem:s29+$0x0]  }
0x228: {  	v36 =	vor.u32 v36, v37;
	v57 =	vsub.f32 $1.000000000e+00, v39;
	v53 =	vadd.s32 v53, v55;
	v60 =	vld [tilespmem:s14+$0xFFFFFF00]  }
0x229: {  	v37 =	vand.u32 $0x7, v40;
	v40 =	vadd.s32 v49, v55;
	v49 =	vadd.s32 v56, v55  }
0x22a: {  	v46 =	vadd.s32 v46, v55;
	v53 =	vor.u32 v37, v53;
	v40 =	vor.u32 v37, v40  }
0x22b: {  	v50 =	vadd.s32 v50, v43;
	v46 =	vor.u32 v37, v46;
	v37 =	vor.u32 v37, v49  }
0x22c: {  	v43 =	vadd.s32 v52, v43;
	v50 =	vor.u32 v38, v50;
	v49 =	vsub.f32 $1.000000000e+00, v54;
	v44 =	vld.idx.msk [tilespmem:v44+s17+$0x0], $0xffff  }
0x22d: {  	v52 =	vmul.f32 v54, v57;
	v55 =	vand.u32 $0xFFFFFFF8, v60;
	v56 =	vand.u32 $0x7, v60;
	v51 =	vld.idx.msk [tilespmem:v51+s17+$0x0], $0xffff  }
0x22e: {  	v57 =	vmul.f32 v49, v57;
	v47 =	vld.idx.msk [tilespmem:v47+s17+$0x0], $0xffff;
	v58 =	vadd.s32 v58, v55;
	v45 =	vadd.s32 v45, v55  }
0x22f: {  	v59 =	vadd.s32 v59, v55;
	v58 =	vor.u32 v56, v58;
	v48 =	vld.idx.msk [tilespmem:v48+s17+$0x0], $0xffff;
	v45 =	vor.u32 v56, v45  }
0x230: {  	v38 =	vor.u32 v38, v43;
	v42 =	vadd.s32 v42, v55;
	v59 =	vor.u32 v56, v59;
	v40 =	vld.idx.msk [tilespmem:v40+s17+$0x0], $0xffff  }
0x231: {  	v42 =	vor.u32 v56, v42;
	v43 =	vld.idx.msk [tilespmem:v46+s17+$0x0], $0xffff  }
0x232: {  	v46 =	vld.idx.msk [tilespmem:v50+s17+$0x0], $0xffff  }
0x233: {  	v50 =	vmul.f32 v54, v39;
	v53 =	vld.idx.msk [tilespmem:v53+s17+$0x0], $0xffff  }
0x234: {  	v45 =	vld.idx.msk [tilespmem:v45+s17+$0x0], $0xffff  }
0x235: {  	v54 =	vld.idx.msk [tilespmem:v58+s17+$0x0], $0xffff  }
0x236: {  	v39 =	vmul.f32 v49, v39;
	v47 =	vmul.f32 v47, v57;
	v49 =	vld.idx.msk [tilespmem:v59+s17+$0x0], $0xffff  }
0x237: {  	v48 =	vmul.f32 v48, v57;
	v37 =	vld.idx.msk [tilespmem:v37+s17+$0x0], $0xffff  }
0x238: {  	v40 =	vmul.f32 v40, v39;
	v46 =	vmul.f32 v46, v57;
	v38 =	vld.idx.msk [tilespmem:v38+s17+$0x0], $0xffff  }
0x239: {  	v53 =	vmul.f32 v53, v39;
	v36 =	vld.idx.msk [tilespmem:v36+s17+$0x0], $0xffff  }
0x23a: {  	v44 =	vmul.f32 v44, v50;
	v40 =	vadd.f32 v40, v48;
	v45 =	vmul.f32 v45, v52;
	v42 =	vld.idx.msk [tilespmem:v42+s17+$0x0], $0xffff  }
0x23b: {  	v43 =	vmul.f32 v43, v39;
	v47 =	vadd.f32 v53, v47;
	v48 =	vmul.f32 v54, v52  }
0x23c: {  	v51 =	vmul.f32 v51, v50;
	v40 =	vadd.f32 v45, v40;
	v45 =	vmul.f32 v49, v52;
	v41 =	vld.idx.msk [tilespmem:v41+s17+$0x0], $0xffff  }
0x23d: {  	v43 =	vadd.f32 v43, v46;
	v47 =	vadd.f32 v48, v47;
	v37 =	vmul.f32 v37, v39  }
0x23e: {  	v39 =	vadd.f32 v44, v40;
	v38 =	vmul.f32 v38, v57  }
0x23f: {  	v43 =	vadd.f32 v45, v43;
	v40 =	vadd.f32 v51, v47;
	v36 =	vmul.f32 v36, v50  }
0x240: {  	v37 =	vadd.f32 v37, v38;
	v38 =	vmul.f32 v42, v52  }
0x241: {  	v36 =	vadd.f32 v36, v43;
	v42 =	vadd.f32 v39, v40  }
0x242: {  	v37 =	vadd.f32 v38, v37;
	v38 =	vmul.f32 v41, v50  }
0x243: {  	v41 =	vadd.f32 v36, v42  }
0x244: {  	v42 =	vadd.f32 v38, v37;
	_ =	sdelay $0x1  }
0x245: {  	v37 =	vadd.f32 v42, v41;
	_ =	sdelay $0x1  }
0x246: {  	v41 =	vmul.f32 $2.500000000e-01, v37;
	_ =	sdelay $0x1  }
0x247: {  	v37 =	vsub.f32 v40, v41;
	v38 =	vsub.f32 v39, v41  }
0x248: {  	v39 =	vsub.f32 v36, v41;
	v36 =	vsub.f32 v42, v41  }
0x249: {  	v40 =	vmul.f32 v37, v37;
	v41 =	vmul.f32 v38, v38;
	_ =	sdelay $0x1  }
0x24a: {  	v40 =	vadd.f32 v41, v40;
	v41 =	vmul.f32 v39, v39;
	_ =	sdelay $0x1  }
0x24b: {  	v40 =	vadd.f32 v40, v41;
	v41 =	vmul.f32 v36, v36;
	_ =	sdelay $0x1  }
0x24c: {  	v40 =	vadd.f32 v40, v41;
	_ =	sdelay $0x1  }
.Ltmp4:
0x24d: {  	v40 =	vmul.f32 $2.500000000e-01, v40;
	(pc) =	sbr.rel @p0 .LBB2_11-.Ltmp4, $3  }
0x24e: {  	_ = 	snop  }
0x24f: {  	v40 =	vadd.f32 $9.999999740e-06, v40;
	_ =	sdelay $0x1  }
0x250: {  	v41 =	vshra.s32 v40, $0x1;
	v40 =	vmul.f32 $5.000000000e-01, v40  }
0x251: {  	v41 =	vsub.s32 $0x5F3759DF, v41  }
0x252: {  	v42 =	vmul.f32 v41, v40;
	_ =	sdelay $0x1  }
0x253: {  	v42 =	vmul.f32 v41, v42;
	_ =	sdelay $0x1  }
0x254: {  	v42 =	vsub.f32 $1.500000000e+00, v42;
	_ =	sdelay $0x1  }
0x255: {  	v41 =	vmul.f32 v41, v42;
	_ =	sdelay $0x1  }
0x256: {  	v42 =	vmul.f32 v41, v40;
	_ =	sdelay $0x1  }
0x257: {  	v42 =	vmul.f32 v42, v41;
	_ =	sdelay $0x1  }
0x258: {  	v42 =	vsub.f32 $1.500000000e+00, v42;
	_ =	sdelay $0x1  }
0x259: {  	v41 =	vmul.f32 v42, v41;
	_ =	sdelay $0x1  }
0x25a: {  	v48 =	vmul.f32 v41, v40;
	_ =	sdelay $0x1  }
0x25b: {  	v40 =	vmul.f32 v48, v41  }
0x25c: {  	s1 =	sor.u32 s7, s12  }
0x25d: {  	v49 =	vmov s1;
	v40 =	vsub.f32 $1.500000000e+00, v40  }
0x25e: {  	v42 =	vshll.u32 v49, $0x4  }
0x25f: {  	v42 =	vor.u32 v34, v42;
	v40 =	vmul.f32 v40, v41  }
0x260: {  	v50 =	vor.u32 $0x4, v42  }
0x261: {  	v43 =	vor.u32 $0x5, v42;
	v35 =	vmul.f32 v40, v35  }
0x262: {  	v51 =	vor.u32 $0x6, v42  }
0x263: {  	v42 =	vor.u32 $0x7, v42;
	v37 =	vmul.f32 v35, v37  }
0x264: {  	v38 =	vmul.f32 v35, v38  }
0x265: {  	v39 =	vmul.f32 v35, v39;
	[tilespmem:v50+s25+$0x0] =	vst.idx.msk $0xffff, v37  }
0x266: {  	v35 =	vmul.f32 v35, v36;
	[tilespmem:v43+s25+$0x0] =	vst.idx.msk $0xffff, v38  }
0x267: {  	[tilespmem:v51+s25+$0x0] =	vst.idx.msk $0xffff, v39  }
0x268: {  	s14 =	sadd.s32 $0x0, s13;
	[tilespmem:v42+s25+$0x0] =	vst.idx.msk $0xffff, v35  }
0x269: {  	s2 =	sadd.s32 $0x0, s3;
	v35 =	vld [tilespmem:s14+$0x0]  }
0x26a: {  	v52 =	vld [tilespmem:s2+$0x0];
	_ =	sdelay $0x3  }
0x26b: {  	v35 =	vmul.f32 $3.125000000e-02, v35  }
0x26c: {  	v36 =	vmul.f32 $3.125000000e-02, v52  }
0x26d: {  	v53 =	vtrunc.f32 v35  }
0x26e: {  	v54 =	vtrunc.f32 v36;
	v37 =	vcvt.f32.s32 v53  }
0x26f: {  	v38 =	vcvt.f32.s32 v54  }
0x270: {  	v55 =	vcvt.s32.f32 v37  }
0x271: {  	v37 =	vmul.u32 $0x9E3779B1, v37;
	v56 =	vcvt.s32.f32 v38  }
0x272: {  	v57 =	vadd.s32 $0x1, v38;
	v35 =	vsub.f32 v35, v55  }
0x273: {  	s14 =	simm.s32 $0x0;
	v58 =	vadd.s32 $0x9E3779B1, v37;
	v36 =	vsub.f32 v36, v56;
	v41 =	vxor.u32 v57, v37  }
0x274: {  	v56 =	vxor.u32 v38, v37;
	v59 =	vxor.u32 v57, v58;
	v62 =	vand.u32 $0x7, v41;
	[tilespmem:s14+$0x1300] =	vst v35  }
0x275: {  	v63 =	vxor.u32 v38, v58;
	v49 =	vshrl.u32 v41, $0x3;
	v41 =	vshrl.u32 v41, $0x1;
	[tilespmem:s14+$0x1100] =	vst v36  }
0x276: {  	v38 =	vand.u32 $0x7, v56;
	v60 =	vshrl.u32 v59, $0x1;
	v61 =	vshrl.u32 v59, $0x3;
	[tilespmem:s14+$0x3900] =	vst v62  }
0x277: {  	v50 =	vshrl.u32 v63, $0x3;
	v44 =	vshrl.u32 v63, $0x1;
	v36 =	vand.u32 $0x7, v63;
	[tilespmem:s14+$0x3800] =	vst v38  }
0x278: {  	v54 =	vand.u32 $0xF, v49;
	v41 =	vand.u32 $0xFFFC0, v41;
	v57 =	vand.u32 $0x7, v59;
	[tilespmem:s14+$0x3A00] =	vst v36  }
0x279: {  	v35 =	vand.u32 $0xFFFC0, v60;
	v42 =	vand.u32 $0xF, v61;
	v55 =	vor.u32 v54, v41;
	[tilespmem:s14+$0x3B00] =	vst v57  }
0x27a: {  	v52 =	vand.u32 $0xF, v50;
	v53 =	vand.u32 $0xFFFC0, v44;
	v35 =	vor.u32 v42, v35;
	[tilespmem:s14+$0x2800] =	vst v55  }
0x27b: {  	v39 =	vor.u32 v52, v53;
	[tilespmem:s14+$0x3000] =	vst v35  }
0x27c: {  	v59 =	vor.u32 $0x30, v55;
	[tilespmem:s14+$0x2C00] =	vst v39  }
0x27d: {  	v63 =	vor.u32 $0x20, v55;
	[tilespmem:s14+$0x2B00] =	vst v59  }
0x27e: {  	v48 =	vor.u32 $0x20, v35;
	[tilespmem:s14+$0x2A00] =	vst v63  }
0x27f: {  	v51 =	vor.u32 $0x30, v35;
	[tilespmem:s14+$0x3200] =	vst v48  }
0x280: {  	v58 =	vshrl.u32 v56, $0x3;
	v36 =	vshrl.u32 v56, $0x1;
	v35 =	vor.u32 $0x10, v35;
	[tilespmem:s14+$0x3300] =	vst v51  }
0x281: {  	v37 =	vand.u32 $0xF, v58;
	v36 =	vand.u32 $0xFFFC0, v36;
	v60 =	vor.u32 $0x30, v39;
	[tilespmem:s14+$0x3100] =	vst v35  }
0x282: {  	v61 =	vor.u32 v37, v36;
	[tilespmem:s14+$0x2F00] =	vst v60  }
0x283: {  	s12 =	simm.s32 $0x10;
	v62 =	vor.u32 $0x10, v39;
	[tilespmem:s14+$0x2400] =	vst v61  }
0x284: {  	s4 =	sadd.s32 $0x10, s13;
	s5 =	simm.s32 $0xC0;
	s28 =	sadd.s32 $0x20, s3;
	v39 =	vor.u32 $0x20, v39;
	[tilespmem:s14+$0x2D00] =	vst v62;
	v35 =	vor.u32 $0x10, v55  }
0x285: {  	s29 =	sadd.s32 $0x20, s13;
	s1 =	simm.s32 $0x20;
	s2 =	sadd.s32 $0x10, s3;
	v36 =	vor.u32 $0x10, v61;
	v37 =	vor.u32 $0x20, v61;
	v38 =	vor.u32 $0x30, v61;
	[tilespmem:s14+$0x2E00] =	vst v39  }
.LBB2_13:
0x286: {  	p0 =	sne.s32 s5, $0x3C0;
	[tilespmem:s14+$0x2900] =	vst v35;
	s11 =	smov.u32 s5;
	s5 =	sadd.s32 $0x40, s5  }
0x287: {  	[tilespmem:s14+$0x2700] =	vst v38  }
0x288: {  	[tilespmem:s14+$0x2600] =	vst v37  }
0x289: {  	[tilespmem:s14+$0x2500] =	vst v36;
	s14 =	smov.u32 s12;
	s12 =	smov.u32 s1  }
0x28a: {  	v35 =	vld [tilespmem:s4+$0x0];
	s4 =	smov.u32 s29  }
0x28b: {  	v36 =	vld [tilespmem:s2+$0x0];
	s2 =	smov.u32 s28;
	_ =	sdelay $0x3  }
0x28c: {  	v35 =	vmul.f32 $3.125000000e-02, v35  }
0x28d: {  	v36 =	vmul.f32 $3.125000000e-02, v36  }
0x28e: {  	v37 =	vtrunc.f32 v35  }
0x28f: {  	v38 =	vtrunc.f32 v36;
	v37 =	vcvt.f32.s32 v37  }
0x290: {  	v38 =	vcvt.f32.s32 v38  }
0x291: {  	v39 =	vcvt.s32.f32 v37;
	v37 =	vmul.u32 $0x9E3779B1, v37  }
0x292: {  	v40 =	vcvt.s32.f32 v38;
	v41 =	vadd.s32 $0x1, v38  }
0x293: {  	s1 =	sshra.s32 s11, $0x2;
	v35 =	vsub.f32 v35, v39;
	v39 =	vadd.s32 $0x9E3779B1, v37;
	v42 =	vxor.u32 v41, v37  }
0x294: {  	s29 =	sadd.s32 s1, s13;
	s28 =	sadd.s32 s1, s3;
	v36 =	vsub.f32 v36, v40;
	v40 =	vxor.u32 v38, v39;
	v39 =	vxor.u32 v41, v39  }
0x295: {  	[tilespmem:s14+$0x1300] =	vst v35;
	v35 =	vshrl.u32 v42, $0x3;
	v41 =	vshrl.u32 v39, $0x1;
	v43 =	vshrl.u32 v39, $0x3  }
0x296: {  	[tilespmem:s14+$0x1100] =	vst v36;
	v36 =	vand.u32 $0x7, v42;
	v41 =	vand.u32 $0xFFFC0, v41;
	v43 =	vand.u32 $0xF, v43  }
0x297: {  	v35 =	vand.u32 $0xF, v35;
	[tilespmem:s14+$0x3900] =	vst v36;
	v36 =	vshrl.u32 v40, $0x3;
	v41 =	vor.u32 v43, v41  }
0x298: {  	v42 =	vshrl.u32 v42, $0x1;
	[tilespmem:s14+$0x3000] =	vst v41;
	v43 =	vor.u32 $0x10, v41;
	v44 =	vor.u32 $0x20, v41  }
0x299: {  	v45 =	vshrl.u32 v40, $0x1;
	v36 =	vand.u32 $0xF, v36;
	v41 =	vor.u32 $0x30, v41;
	[tilespmem:s14+$0x3200] =	vst v44  }
0x29a: {  	v37 =	vxor.u32 v38, v37;
	v38 =	vand.u32 $0xFFFC0, v45;
	v40 =	vand.u32 $0x7, v40;
	[tilespmem:s14+$0x3300] =	vst v41  }
0x29b: {  	v41 =	vand.u32 $0xFFFC0, v42;
	v42 =	vor.u32 v36, v38;
	[tilespmem:s14+$0x3A00] =	vst v40  }
0x29c: {  	v39 =	vand.u32 $0x7, v39;
	v36 =	vshrl.u32 v37, $0x3;
	v38 =	vor.u32 v35, v41;
	[tilespmem:s14+$0x3100] =	vst v43  }
0x29d: {  	v35 =	vshrl.u32 v37, $0x1;
	v36 =	vand.u32 $0xF, v36;
	v37 =	vand.u32 $0x7, v37;
	[tilespmem:s14+$0x2C00] =	vst v42  }
0x29e: {  	v41 =	vor.u32 $0x10, v42;
	v40 =	vand.u32 $0xFFFC0, v35;
	v35 =	vor.u32 $0x10, v38;
	[tilespmem:s14+$0x2800] =	vst v38  }
0x29f: {  	v43 =	vor.u32 $0x20, v38;
	v44 =	vor.u32 $0x30, v38;
	v40 =	vor.u32 v36, v40;
	[tilespmem:s14+$0x3B00] =	vst v39  }
0x2a0: {  	v36 =	vor.u32 $0x10, v40;
	v38 =	vor.u32 $0x30, v40;
	[tilespmem:s14+$0x3800] =	vst v37;
	v37 =	vor.u32 $0x20, v40  }
0x2a1: {  	v39 =	vor.u32 $0x20, v42;
	v42 =	vor.u32 $0x30, v42;
	[tilespmem:s14+$0x2B00] =	vst v44  }
.Ltmp5:
0x2a2: {  	[tilespmem:s14+$0x2F00] =	vst v42;
	(pc) =	sbr.rel @p0 .LBB2_13-.Ltmp5, $4  }
0x2a3: {  	[tilespmem:s14+$0x2400] =	vst v40  }
0x2a4: {  	[tilespmem:s14+$0x2D00] =	vst v41  }
0x2a5: {  	[tilespmem:s14+$0x2A00] =	vst v43  }
0x2a6: {  	[tilespmem:s14+$0x2E00] =	vst v39  }
0x2a7: {  	[tilespmem:s14+$0x2900] =	vst v35  }
0x2a8: {  	[tilespmem:s14+$0x2700] =	vst v38  }
0x2a9: {  	[tilespmem:s14+$0x2600] =	vst v37  }
0x2aa: {  	[tilespmem:s14+$0x2500] =	vst v36  }
0x2ab: {  	v35 =	vld [tilespmem:s4+$0x0]  }
0x2ac: {  	v36 =	vld [tilespmem:s2+$0x0];
	_ =	sdelay $0x3  }
0x2ad: {  	v35 =	vmul.f32 $3.125000000e-02, v35  }
0x2ae: {  	v36 =	vmul.f32 $3.125000000e-02, v36  }
0x2af: {  	v45 =	vtrunc.f32 v35  }
0x2b0: {  	v46 =	vtrunc.f32 v36;
	v37 =	vcvt.f32.s32 v45  }
0x2b1: {  	v38 =	vcvt.f32.s32 v46  }
0x2b2: {  	v39 =	vcvt.s32.f32 v37  }
0x2b3: {  	v37 =	vmul.u32 $0x9E3779B1, v37;
	v40 =	vcvt.s32.f32 v38  }
0x2b4: {  	v41 =	vadd.s32 $0x1, v38;
	v35 =	vsub.f32 v35, v39  }
0x2b5: {  	v47 =	vadd.s32 $0x9E3779B1, v37;
	v36 =	vsub.f32 v36, v40;
	v59 =	vxor.u32 v38, v37  }
0x2b6: {  	v48 =	vxor.u32 v41, v47;
	v41 =	vxor.u32 v41, v37;
	v51 =	vxor.u32 v38, v47;
	[tilespmem:s12+$0x1300] =	vst v35  }
0x2b7: {  	v38 =	vand.u32 $0x7, v59;
	v49 =	vshrl.u32 v48, $0x1;
	v42 =	vshrl.u32 v48, $0x3;
	[tilespmem:s12+$0x1100] =	vst v36  }
0x2b8: {  	v50 =	vand.u32 $0x7, v41;
	v53 =	vshrl.u32 v41, $0x3;
	v43 =	vshrl.u32 v51, $0x3;
	[tilespmem:s12+$0x3800] =	vst v38  }
0x2b9: {  	v41 =	vshrl.u32 v41, $0x1;
	v44 =	vshrl.u32 v51, $0x1;
	v36 =	vand.u32 $0x7, v51;
	[tilespmem:s12+$0x3900] =	vst v50  }
0x2ba: {  	v60 =	vand.u32 $0x7, v48;
	v35 =	vand.u32 $0xFFFC0, v49;
	v42 =	vand.u32 $0xF, v42;
	[tilespmem:s12+$0x3A00] =	vst v36  }
0x2bb: {  	v55 =	vand.u32 $0xF, v43;
	v56 =	vand.u32 $0xFFFC0, v44;
	[tilespmem:s12+$0x3B00] =	vst v60;
	v35 =	vor.u32 v42, v35  }
0x2bc: {  	v57 =	vand.u32 $0xF, v53;
	v41 =	vand.u32 $0xFFFC0, v41;
	v39 =	vor.u32 v55, v56;
	[tilespmem:s12+$0x3000] =	vst v35  }
0x2bd: {  	v58 =	vor.u32 v57, v41;
	[tilespmem:s12+$0x2C00] =	vst v39  }
0x2be: {  	v52 =	vor.u32 $0x20, v35;
	[tilespmem:s12+$0x2800] =	vst v58  }
0x2bf: {  	v54 =	vor.u32 $0x30, v35;
	[tilespmem:s12+$0x3200] =	vst v52  }
0x2c0: {  	v35 =	vor.u32 $0x10, v35;
	[tilespmem:s12+$0x3300] =	vst v54  }
0x2c1: {  	v61 =	vshrl.u32 v59, $0x3;
	v36 =	vshrl.u32 v59, $0x1;
	v62 =	vor.u32 $0x30, v58;
	[tilespmem:s12+$0x3100] =	vst v35  }
0x2c2: {  	v37 =	vand.u32 $0xF, v61;
	v36 =	vand.u32 $0xFFFC0, v36;
	v63 =	vor.u32 $0x30, v39;
	[tilespmem:s12+$0x2B00] =	vst v62  }
0x2c3: {  	v36 =	vor.u32 v37, v36;
	[tilespmem:s12+$0x2F00] =	vst v63  }
0x2c4: {  	v40 =	vor.u32 $0x10, v39;
	[tilespmem:s12+$0x2400] =	vst v36  }
0x2c5: {  	v41 =	vor.u32 $0x20, v58;
	[tilespmem:s12+$0x2D00] =	vst v40  }
0x2c6: {  	v42 =	vor.u32 $0x20, v39;
	[tilespmem:s12+$0x2A00] =	vst v41  }
0x2c7: {  	v35 =	vor.u32 $0x10, v58;
	[tilespmem:s12+$0x2E00] =	vst v42  }
0x2c8: {  	v43 =	vor.u32 $0x30, v36;
	[tilespmem:s12+$0x2900] =	vst v35  }
0x2c9: {  	v44 =	vor.u32 $0x20, v36;
	[tilespmem:s12+$0x2700] =	vst v43  }
0x2ca: {  	v36 =	vor.u32 $0x10, v36;
	[tilespmem:s12+$0x2600] =	vst v44  }
0x2cb: {  	[tilespmem:s12+$0x2500] =	vst v36  }
0x2cc: {  	v35 =	vld [tilespmem:s29+$0x0]  }
0x2cd: {  	v36 =	vld [tilespmem:s28+$0x0];
	_ =	sdelay $0x3  }
0x2ce: {  	v35 =	vmul.f32 $3.125000000e-02, v35  }
0x2cf: {  	v36 =	vmul.f32 $3.125000000e-02, v36  }
0x2d0: {  	v45 =	vtrunc.f32 v35  }
0x2d1: {  	v46 =	vtrunc.f32 v36;
	v37 =	vcvt.f32.s32 v45  }
0x2d2: {  	v38 =	vcvt.f32.s32 v46  }
0x2d3: {  	v47 =	vcvt.s32.f32 v37  }
0x2d4: {  	v37 =	vmul.u32 $0x9E3779B1, v37;
	v48 =	vcvt.s32.f32 v38  }
0x2d5: {  	v49 =	vadd.s32 $0x1, v38;
	v35 =	vsub.f32 v35, v47  }
0x2d6: {  	v50 =	vadd.s32 $0x9E3779B1, v37;
	v36 =	vsub.f32 v36, v48;
	v41 =	vxor.u32 v49, v37  }
0x2d7: {  	v45 =	vxor.u32 v38, v37;
	v51 =	vxor.u32 v49, v50;
	v54 =	vand.u32 $0x7, v41;
	[tilespmem:s1+$0x1300] =	vst v35  }
0x2d8: {  	v55 =	vxor.u32 v38, v50;
	v57 =	vshrl.u32 v41, $0x3;
	v41 =	vshrl.u32 v41, $0x1;
	[tilespmem:s1+$0x1100] =	vst v36  }
0x2d9: {  	v38 =	vand.u32 $0x7, v45;
	v52 =	vshrl.u32 v51, $0x1;
	v53 =	vshrl.u32 v51, $0x3;
	[tilespmem:s1+$0x3900] =	vst v54  }
0x2da: {  	v58 =	vshrl.u32 v55, $0x3;
	v60 =	vshrl.u32 v55, $0x1;
	v36 =	vand.u32 $0x7, v55;
	[tilespmem:s1+$0x3800] =	vst v38  }
0x2db: {  	v63 =	vand.u32 $0xF, v57;
	v41 =	vand.u32 $0xFFFC0, v41;
	v46 =	vand.u32 $0x7, v51;
	[tilespmem:s1+$0x3A00] =	vst v36  }
0x2dc: {  	v35 =	vand.u32 $0xFFFC0, v52;
	v42 =	vand.u32 $0xF, v53;
	v44 =	vor.u32 v63, v41;
	[tilespmem:s1+$0x3B00] =	vst v46  }
0x2dd: {  	v61 =	vand.u32 $0xF, v58;
	v62 =	vand.u32 $0xFFFC0, v60;
	v35 =	vor.u32 v42, v35;
	[tilespmem:s1+$0x2800] =	vst v44  }
0x2de: {  	v39 =	vor.u32 v61, v62;
	[tilespmem:s1+$0x3000] =	vst v35  }
0x2df: {  	v48 =	vor.u32 $0x30, v44;
	[tilespmem:s1+$0x2C00] =	vst v39  }
0x2e0: {  	v51 =	vor.u32 $0x20, v44;
	[tilespmem:s1+$0x2B00] =	vst v48  }
0x2e1: {  	v56 =	vor.u32 $0x20, v35;
	[tilespmem:s1+$0x2A00] =	vst v51  }
0x2e2: {  	v59 =	vor.u32 $0x30, v35;
	[tilespmem:s1+$0x3200] =	vst v56  }
0x2e3: {  	v47 =	vshrl.u32 v45, $0x3;
	v36 =	vshrl.u32 v45, $0x1;
	v35 =	vor.u32 $0x10, v35;
	[tilespmem:s1+$0x3300] =	vst v59  }
0x2e4: {  	v37 =	vand.u32 $0xF, v47;
	v36 =	vand.u32 $0xFFFC0, v36;
	v49 =	vor.u32 $0x30, v39;
	[tilespmem:s1+$0x3100] =	vst v35  }
0x2e5: {  	v36 =	vor.u32 v37, v36;
	[tilespmem:s1+$0x2F00] =	vst v49  }
0x2e6: {  	v50 =	vor.u32 $0x10, v39;
	[tilespmem:s1+$0x2400] =	vst v36  }
0x2e7: {  	v52 =	vor.u32 $0x20, v39;
	[tilespmem:s1+$0x2D00] =	vst v50  }
0x2e8: {  	v35 =	vor.u32 $0x10, v44;
	[tilespmem:s1+$0x2E00] =	vst v52  }
0x2e9: {  	v53 =	vor.u32 $0x30, v36;
	[tilespmem:s1+$0x2900] =	vst v35  }
0x2ea: {  	v54 =	vor.u32 $0x20, v36;
	[tilespmem:s1+$0x2700] =	vst v53  }
0x2eb: {  	v36 =	vor.u32 $0x10, v36;
	[tilespmem:s1+$0x2600] =	vst v54  }
0x2ec: {  	[tilespmem:s1+$0x2500] =	vst v36  }
0x2ed: {  	[tilespmem:s21], [sflag:$0x2] =	stream.indirect.gather [hbm4b:s10+s15], $0x8, s20, s15, $0xb8;
	[tilespmem:$0x15C40] =	vst v63  }
0x2ee: {  	_ = 	snop  }
0x2ef: {  	[tilespmem:s23], [sflag:$0x2] =	stream.indirect.gather [hbm4b:s10+s15], $0x8, s22, s15, $0xb8;
	[tilespmem:$0x15C40] =	vst v63  }
0x2f0: {  	_ =	swait.ge [sflag:s24], $0x4000  }
0x2f1: {  	[sflag:s24] =	ssyncset.done $0x0  }
0x2f2: {  	[sflag:s24] =	ssyncadd.s32 $0xFFFFC000  }
0x2f3: {  	_ =	swait.ge [sflag:s24], $0x4000  }
0x2f4: {  	[sflag:s24] =	ssyncset.done $0x0  }
0x2f5: {  	s3 =	simm.s32 $0x0;
	s12 =	simm.s32 $0x3600;
	[sflag:s24] =	ssyncadd.s32 $0xFFFFC000  }
0x2f6: {  	v55 =	vmov s3;
	v56 =	vld [tilespmem:s12+$0xFFFFFF00]  }
0x2f7: {  	v35 =	vshll.u32 v55, $0x3;
	v60 =	vld [tilespmem:s12+$0x100]  }
0x2f8: {  	v38 =	vadd.s32 v7, v35;
	v61 =	vadd.s32 v14, v35  }
0x2f9: {  	v62 =	vor.u32 v1, v35;
	v63 =	vadd.s32 v9, v35;
	v58 =	vadd.s32 v16, v35;
	v57 =	vld [tilespmem:s12+$0xFFFFFE00]  }
0x2fa: {  	v59 =	vadd.s32 v13, v35;
	v45 =	vadd.s32 v12, v35;
	v46 =	vadd.s32 v8, v35  }
0x2fb: {  	v48 =	vadd.s32 v11, v35;
	v55 =	vadd.s32 v5, v35;
	v49 =	vld [tilespmem:s12+$0x0];
	v47 =	vand.u32 $0xFFFFFFF8, v56  }
0x2fc: {  	v36 =	vand.u32 $0x7, v56;
	v50 =	vand.u32 $0xFFFFFFF8, v60;
	v43 =	vadd.s32 v58, v47  }
0x2fd: {  	v37 =	vand.u32 $0x7, v60;
	v39 =	vadd.s32 v61, v50;
	v43 =	vor.u32 v36, v43  }
0x2fe: {  	v51 =	vand.u32 $0xFFFFFFF8, v57;
	v45 =	vadd.s32 v45, v47;
	v39 =	vor.u32 v37, v39  }
0x2ff: {  	s13 =	simm.s32 $0x1200;
	v42 =	vand.u32 $0x7, v57;
	v44 =	vadd.s32 v59, v51;
	v45 =	vor.u32 v36, v45  }
0x300: {  	s14 =	simm.s32 $0x1000;
	v52 =	vld [tilespmem:s13+$0x0];
	v53 =	vand.u32 $0xFFFFFFF8, v49;
	v46 =	vadd.s32 v46, v47;
	v44 =	vor.u32 v42, v44  }
0x301: {  	v54 =	vld [tilespmem:s14+$0x0];
	v49 =	vand.u32 $0x7, v49;
	v48 =	vadd.s32 v48, v53;
	v46 =	vor.u32 v36, v46  }
0x302: {  	v56 =	vadd.s32 v4, v35;
	v40 =	vadd.s32 v62, v51;
	v48 =	vor.u32 v49, v48;
	v43 =	vld.idx.msk [tilespmem:v43+s17+$0x0], $0xffff  }
0x303: {  	v57 =	vadd.s32 v15, v35;
	v41 =	vadd.s32 v63, v51;
	v40 =	vor.u32 v42, v40;
	v39 =	vld.idx.msk [tilespmem:v39+s17+$0x0], $0xffff  }
0x304: {  	v60 =	vadd.s32 v10, v35;
	v47 =	vadd.s32 v56, v47;
	v41 =	vor.u32 v42, v41;
	v45 =	vld.idx.msk [tilespmem:v45+s17+$0x0], $0xffff  }
0x305: {  	v38 =	vadd.s32 v38, v53;
	v61 =	vadd.s32 v3, v35;
	v36 =	vor.u32 v36, v47;
	v44 =	vld.idx.msk [tilespmem:v44+s17+$0x0], $0xffff  }
0x306: {  	v57 =	vadd.s32 v57, v53;
	v56 =	vadd.s32 v60, v50;
	v38 =	vor.u32 v49, v38;
	v46 =	vld.idx.msk [tilespmem:v46+s17+$0x0], $0xffff  }
0x307: {  	v51 =	vadd.s32 v55, v51;
	v62 =	vsub.f32 $1.000000000e+00, v54;
	v57 =	vor.u32 v49, v57;
	v48 =	vld.idx.msk [tilespmem:v48+s17+$0x0], $0xffff  }
0x308: {  	v63 =	vsub.f32 $1.000000000e+00, v52;
	v58 =	vadd.s32 v6, v35;
	v42 =	vor.u32 v42, v51;
	v40 =	vld.idx.msk [tilespmem:v40+s17+$0x0], $0xffff  }
0x309: {  	v35 =	vadd.s32 v2, v35;
	v56 =	vor.u32 v37, v56;
	v47 =	vadd.s32 v61, v53;
	v41 =	vld.idx.msk [tilespmem:v41+s17+$0x0], $0xffff  }
0x30a: {  	v58 =	vadd.s32 v58, v50;
	v47 =	vor.u32 v49, v47;
	v59 =	vmul.f32 v63, v62;
	v36 =	vld.idx.msk [tilespmem:v36+s17+$0x0], $0xffff  }
0x30b: {  	v49 =	vor.u32 v37, v58;
	v55 =	vmul.f32 v63, v54;
	v60 =	vmul.f32 v52, v62;
	v38 =	vld.idx.msk [tilespmem:v38+s17+$0x0], $0xffff  }
0x30c: {  	v35 =	vadd.s32 v35, v50;
	v52 =	vmul.f32 v52, v54;
	v61 =	vld.idx.msk [tilespmem:v57+s17+$0x0], $0xffff;
	v44 =	vmul.f32 v44, v59  }
0x30d: {  	v35 =	vor.u32 v37, v35;
	v42 =	vld.idx.msk [tilespmem:v42+s17+$0x0], $0xffff;
	v62 =	vmul.f32 v45, v55;
	v43 =	vmul.f32 v43, v55  }
0x30e: {  	v63 =	vld.idx.msk [tilespmem:v56+s17+$0x0], $0xffff;
	v48 =	vmul.f32 v48, v60;
	v40 =	vmul.f32 v40, v59  }
0x30f: {  	v47 =	vld.idx.msk [tilespmem:v47+s17+$0x0], $0xffff;
	v46 =	vmul.f32 v46, v55;
	v39 =	vmul.f32 v39, v52  }
0x310: {  	v49 =	vld.idx.msk [tilespmem:v49+s17+$0x0], $0xffff;
	v41 =	vmul.f32 v41, v59;
	v38 =	vmul.f32 v38, v60  }
0x311: {  	v51 =	vmul.f32 v61, v60;
	v37 =	vadd.f32 v62, v44;
	v40 =	vadd.f32 v43, v40  }
0x312: {  	v35 =	vld.idx.msk [tilespmem:v35+s17+$0x0], $0xffff;
	v36 =	vmul.f32 v36, v55;
	v42 =	vmul.f32 v42, v59;
	v41 =	vadd.f32 v46, v41  }
0x313: {  	v45 =	vmul.f32 v63, v52;
	v37 =	vadd.f32 v48, v37;
	v40 =	vadd.f32 v51, v40  }
0x314: {  	v54 =	vmul.f32 v47, v60;
	v36 =	vadd.f32 v36, v42;
	v38 =	vadd.f32 v38, v41  }
0x315: {  	v55 =	vmul.f32 v49, v52;
	v37 =	vadd.f32 v45, v37;
	v39 =	vadd.f32 v39, v40  }
0x316: {  	v36 =	vadd.f32 v54, v36  }
0x317: {  	v35 =	vmul.f32 v35, v52;
	v38 =	vadd.f32 v55, v38;
	v40 =	vadd.f32 v37, v39;
	_ =	sdelay $0x1  }
0x318: {  	v35 =	vadd.f32 v35, v36;
	v56 =	vadd.f32 v38, v40;
	_ =	sdelay $0x1  }
0x319: {  	v36 =	vadd.f32 v35, v56;
	_ =	sdelay $0x1  }
0x31a: {  	v36 =	vmul.f32 $2.500000000e-01, v36;
	_ =	sdelay $0x1  }
0x31b: {  	v39 =	vsub.f32 v39, v36;
	v37 =	vsub.f32 v37, v36;
	_ =	sdelay $0x1  }
0x31c: {  	v38 =	vsub.f32 v38, v36;
	v57 =	vmul.f32 v39, v39;
	v58 =	vmul.f32 v37, v37;
	_ =	sdelay $0x1  }
0x31d: {  	v36 =	vsub.f32 v35, v36;
	v60 =	vmul.f32 v38, v38;
	v59 =	vadd.f32 v58, v57;
	_ =	sdelay $0x1  }
0x31e: {  	v61 =	vmul.f32 v36, v36;
	v35 =	vadd.f32 v59, v60;
	_ =	sdelay $0x1  }
0x31f: {  	v35 =	vadd.f32 v35, v61;
	_ =	sdelay $0x1  }
0x320: {  	v35 =	vmul.f32 $2.500000000e-01, v35;
	_ =	sdelay $0x1  }
0x321: {  	v35 =	vadd.f32 $9.999999740e-06, v35;
	_ =	sdelay $0x1  }
0x322: {  	v62 =	vshra.s32 v35, $0x1;
	v40 =	vmul.f32 $5.000000000e-01, v35  }
0x323: {  	v41 =	vsub.s32 $0x5F3759DF, v62  }
0x324: {  	v35 =	vmul.f32 v41, v40;
	_ =	sdelay $0x1  }
0x325: {  	v35 =	vmul.f32 v41, v35;
	_ =	sdelay $0x1  }
0x326: {  	v63 =	vsub.f32 $1.500000000e+00, v35;
	_ =	sdelay $0x1  }
0x327: {  	s1 =	simm.s32 $0x10;
	v35 =	vld [tilespmem:$0x15C20];
	v41 =	vmul.f32 v41, v63  }
.LBB2_15:
0x328: {  	s14 =	sadd.s32 $0x10, s14;
	s13 =	sadd.s32 $0x10, s13;
	s12 =	sadd.s32 $0x10, s12  }
0x329: {  	p0 =	sne.s32 s1, $0xF0;
	s2 =	smov.u32 s1;
	s1 =	sadd.s32 $0x10, s1;
	v42 =	vmul.f32 v41, v40  }
0x32a: {  	_ = 	snop  }
0x32b: {  	v42 =	vmul.f32 v42, v41;
	_ =	sdelay $0x1  }
0x32c: {  	v42 =	vsub.f32 $1.500000000e+00, v42;
	_ =	sdelay $0x1  }
0x32d: {  	v41 =	vmul.f32 v42, v41;
	_ =	sdelay $0x1  }
0x32e: {  	v40 =	vmul.f32 v41, v40;
	_ =	sdelay $0x1  }
0x32f: {  	v40 =	vmul.f32 v40, v41;
	_ =	sdelay $0x1  }
0x330: {  	v40 =	vsub.f32 $1.500000000e+00, v40  }
0x331: {  	v43 =	vor.u32 s3, v17;
	s3 =	smov.u32 s2;
	v42 =	vmov s2  }
0x332: {  	v42 =	vshll.u32 v42, $0x3;
	v40 =	vmul.f32 v40, v41;
	v41 =	vshll.u32 v43, $0x4  }
0x333: {  	v43 =	vadd.s32 v7, v42;
	v44 =	vor.u32 $0x8, v41;
	v45 =	vor.u32 $0xB, v41  }
0x334: {  	v46 =	vadd.s32 v14, v42;
	v47 =	vor.u32 $0x9, v41;
	v40 =	vmul.f32 v40, v35  }
0x335: {  	v48 =	vor.u32 v1, v42;
	v49 =	vadd.s32 v9, v42;
	v41 =	vor.u32 $0xA, v41  }
0x336: {  	v50 =	vadd.s32 v16, v42;
	v51 =	vadd.s32 v13, v42;
	v39 =	vmul.f32 v40, v39  }
0x337: {  	v52 =	vadd.s32 v5, v42;
	v37 =	vmul.f32 v40, v37;
	v38 =	vmul.f32 v40, v38  }
0x338: {  	v53 =	vadd.s32 v12, v42;
	v54 =	vadd.s32 v8, v42;
	[tilespmem:v44+s25+$0x0] =	vst.idx.msk $0xffff, v39  }
0x339: {  	v36 =	vmul.f32 v40, v36;
	v39 =	vadd.s32 v15, v42;
	[tilespmem:v47+s25+$0x0] =	vst.idx.msk $0xffff, v37  }
0x33a: {  	[tilespmem:v41+s25+$0x0] =	vst.idx.msk $0xffff, v38  }
0x33b: {  	[tilespmem:v45+s25+$0x0] =	vst.idx.msk $0xffff, v36  }
0x33c: {  	v37 =	vadd.s32 v10, v42;
	v36 =	vld [tilespmem:s12+$0xFFFFFF00];
	_ =	sdelay $0x1  }
0x33d: {  	v38 =	vld [tilespmem:s12+$0x100];
	_ =	sdelay $0x1  }
0x33e: {  	v40 =	vadd.s32 v6, v42;
	v44 =	vadd.s32 v2, v42;
	v41 =	vadd.s32 v4, v42  }
0x33f: {  	v55 =	vadd.s32 v11, v42;
	v42 =	vadd.s32 v3, v42;
	v45 =	vld [tilespmem:s12+$0xFFFFFE00];
	v47 =	vand.u32 $0xFFFFFFF8, v36  }
0x340: {  	v36 =	vand.u32 $0x7, v36;
	v56 =	vld [tilespmem:s12+$0x0];
	v50 =	vadd.s32 v50, v47;
	v53 =	vadd.s32 v53, v47  }
0x341: {  	v50 =	vor.u32 v36, v50;
	v57 =	vand.u32 $0xFFFFFFF8, v38;
	v53 =	vor.u32 v36, v53  }
0x342: {  	v38 =	vand.u32 $0x7, v38;
	v46 =	vadd.s32 v46, v57;
	v37 =	vadd.s32 v37, v57  }
0x343: {  	v54 =	vadd.s32 v54, v47;
	v46 =	vor.u32 v38, v46;
	v37 =	vor.u32 v38, v37  }
0x344: {  	v54 =	vor.u32 v36, v54;
	v58 =	vand.u32 $0xFFFFFFF8, v45;
	v45 =	vand.u32 $0x7, v45  }
0x345: {  	v59 =	vld [tilespmem:s13+$0x0];
	v48 =	vadd.s32 v48, v58;
	v60 =	vand.u32 $0xFFFFFFF8, v56;
	v51 =	vadd.s32 v51, v58  }
0x346: {  	v56 =	vand.u32 $0x7, v56;
	v61 =	vld [tilespmem:s14+$0x0];
	v51 =	vor.u32 v45, v51;
	v43 =	vadd.s32 v43, v60  }
0x347: {  	v48 =	vor.u32 v45, v48;
	v55 =	vadd.s32 v55, v60;
	v50 =	vld.idx.msk [tilespmem:v50+s17+$0x0], $0xffff;
	v43 =	vor.u32 v56, v43  }
0x348: {  	v39 =	vadd.s32 v39, v60;
	v42 =	vadd.s32 v42, v60;
	v55 =	vor.u32 v56, v55;
	v46 =	vld.idx.msk [tilespmem:v46+s17+$0x0], $0xffff  }
0x349: {  	v49 =	vadd.s32 v49, v58;
	v39 =	vor.u32 v56, v39;
	v42 =	vor.u32 v56, v42;
	v37 =	vld.idx.msk [tilespmem:v37+s17+$0x0], $0xffff  }
0x34a: {  	v41 =	vadd.s32 v41, v47;
	v52 =	vadd.s32 v52, v58;
	v49 =	vor.u32 v45, v49;
	v53 =	vld.idx.msk [tilespmem:v53+s17+$0x0], $0xffff  }
0x34b: {  	v36 =	vor.u32 v36, v41;
	v40 =	vadd.s32 v40, v57;
	v45 =	vor.u32 v45, v52;
	v47 =	vld.idx.msk [tilespmem:v51+s17+$0x0], $0xffff  }
0x34c: {  	v44 =	vadd.s32 v44, v57;
	v40 =	vor.u32 v38, v40;
	v41 =	vsub.f32 $1.000000000e+00, v61;
	v51 =	vld.idx.msk [tilespmem:v54+s17+$0x0], $0xffff  }
0x34d: {  	v38 =	vor.u32 v38, v44;
	v52 =	vsub.f32 $1.000000000e+00, v59;
	v54 =	vld.idx.msk [tilespmem:v55+s17+$0x0], $0xffff  }
0x34e: {  	v44 =	vld.idx.msk [tilespmem:v48+s17+$0x0], $0xffff  }
0x34f: {  	v48 =	vmul.f32 v52, v41;
	v52 =	vmul.f32 v52, v61;
	v49 =	vld.idx.msk [tilespmem:v49+s17+$0x0], $0xffff  }
0x350: {  	v41 =	vmul.f32 v59, v41;
	v36 =	vld.idx.msk [tilespmem:v36+s17+$0x0], $0xffff  }
0x351: {  	v47 =	vmul.f32 v47, v48;
	v53 =	vmul.f32 v53, v52;
	v43 =	vld.idx.msk [tilespmem:v43+s17+$0x0], $0xffff  }
0x352: {  	v50 =	vmul.f32 v50, v52;
	v45 =	vld.idx.msk [tilespmem:v45+s17+$0x0], $0xffff  }
0x353: {  	v55 =	vmul.f32 v59, v61;
	v47 =	vadd.f32 v53, v47;
	v53 =	vmul.f32 v54, v41;
	v39 =	vld.idx.msk [tilespmem:v39+s17+$0x0], $0xffff  }
0x354: {  	v51 =	vmul.f32 v51, v52;
	v44 =	vmul.f32 v44, v48;
	v42 =	vld.idx.msk [tilespmem:v42+s17+$0x0], $0xffff  }
0x355: {  	v46 =	vmul.f32 v46, v55;
	v47 =	vadd.f32 v53, v47;
	v49 =	vmul.f32 v49, v48;
	v40 =	vld.idx.msk [tilespmem:v40+s17+$0x0], $0xffff  }
0x356: {  	v37 =	vmul.f32 v37, v55;
	v44 =	vadd.f32 v50, v44  }
0x357: {  	v36 =	vmul.f32 v36, v52;
	v49 =	vadd.f32 v51, v49;
	v43 =	vmul.f32 v43, v41;
	v38 =	vld.idx.msk [tilespmem:v38+s17+$0x0], $0xffff  }
0x358: {  	v45 =	vmul.f32 v45, v48  }
0x359: {  	v39 =	vmul.f32 v39, v41;
	v43 =	vadd.f32 v43, v49  }
0x35a: {  	v36 =	vadd.f32 v36, v45;
	v41 =	vmul.f32 v42, v41  }
0x35b: {  	v37 =	vadd.f32 v37, v47;
	v39 =	vadd.f32 v39, v44;
	v40 =	vmul.f32 v40, v55  }
0x35c: {  	v36 =	vadd.f32 v41, v36  }
0x35d: {  	v39 =	vadd.f32 v46, v39;
	v40 =	vadd.f32 v40, v43;
	v38 =	vmul.f32 v38, v55;
	_ =	sdelay $0x1  }
0x35e: {  	v36 =	vadd.f32 v38, v36;
	v38 =	vadd.f32 v37, v39;
	_ =	sdelay $0x1  }
0x35f: {  	v38 =	vadd.f32 v40, v38;
	_ =	sdelay $0x1  }
0x360: {  	v38 =	vadd.f32 v36, v38;
	_ =	sdelay $0x1  }
0x361: {  	v41 =	vmul.f32 $2.500000000e-01, v38;
	_ =	sdelay $0x1  }
0x362: {  	v39 =	vsub.f32 v39, v41;
	v37 =	vsub.f32 v37, v41  }
0x363: {  	v38 =	vsub.f32 v40, v41;
	v36 =	vsub.f32 v36, v41  }
0x364: {  	v40 =	vmul.f32 v39, v39;
	v41 =	vmul.f32 v37, v37;
	_ =	sdelay $0x1  }
0x365: {  	v40 =	vadd.f32 v41, v40;
	v41 =	vmul.f32 v38, v38;
	_ =	sdelay $0x1  }
0x366: {  	v40 =	vadd.f32 v40, v41;
	v41 =	vmul.f32 v36, v36;
	_ =	sdelay $0x1  }
0x367: {  	v40 =	vadd.f32 v40, v41;
	_ =	sdelay $0x1  }
0x368: {  	v40 =	vmul.f32 $2.500000000e-01, v40;
	_ =	sdelay $0x1  }
0x369: {  	v40 =	vadd.f32 $9.999999740e-06, v40;
	_ =	sdelay $0x1  }
0x36a: {  	v41 =	vshra.s32 v40, $0x1;
	v40 =	vmul.f32 $5.000000000e-01, v40  }
0x36b: {  	v41 =	vsub.s32 $0x5F3759DF, v41  }
0x36c: {  	v42 =	vmul.f32 v41, v40;
	_ =	sdelay $0x1  }
.Ltmp6:
0x36d: {  	v42 =	vmul.f32 v41, v42;
	(pc) =	sbr.rel @p0 .LBB2_15-.Ltmp6, $3  }
0x36e: {  	_ = 	snop  }
0x36f: {  	v42 =	vsub.f32 $1.500000000e+00, v42;
	_ =	sdelay $0x1  }
0x370: {  	v41 =	vmul.f32 v41, v42  }
0x371: {  	_ = 	snop  }
0x372: {  	v42 =	vmul.f32 v41, v40;
	_ =	sdelay $0x1  }
0x373: {  	v42 =	vmul.f32 v42, v41;
	_ =	sdelay $0x1  }
0x374: {  	v42 =	vsub.f32 $1.500000000e+00, v42;
	_ =	sdelay $0x1  }
0x375: {  	v59 =	vmul.f32 v42, v41;
	_ =	sdelay $0x1  }
0x376: {  	v60 =	vmul.f32 v59, v40;
	_ =	sdelay $0x1  }
0x377: {  	v40 =	vmul.f32 v60, v59;
	_ =	sdelay $0x1  }
0x378: {  	v40 =	vsub.f32 $1.500000000e+00, v40  }
0x379: {  	v17 =	vor.u32 s3, v17  }
0x37a: {  	v17 =	vshll.u32 v17, $0x4;
	v40 =	vmul.f32 v40, v59  }
0x37b: {  	v61 =	vor.u32 $0x8, v17  }
0x37c: {  	v62 =	vor.u32 $0x9, v17;
	v35 =	vmul.f32 v40, v35  }
0x37d: {  	v63 =	vor.u32 $0xA, v17  }
0x37e: {  	v17 =	vor.u32 $0xB, v17;
	v39 =	vmul.f32 v35, v39  }
0x37f: {  	v37 =	vmul.f32 v35, v37  }
0x380: {  	v38 =	vmul.f32 v35, v38;
	[tilespmem:v61+s25+$0x0] =	vst.idx.msk $0xffff, v39  }
0x381: {  	v35 =	vmul.f32 v35, v36;
	[tilespmem:v62+s25+$0x0] =	vst.idx.msk $0xffff, v37  }
0x382: {  	[tilespmem:v63+s25+$0x0] =	vst.idx.msk $0xffff, v38  }
0x383: {  	[tilespmem:v17+s25+$0x0] =	vst.idx.msk $0xffff, v35  }
0x384: {  	_ =	swait.ge [sflag:s26], $0x4000  }
0x385: {  	[sflag:s26] =	ssyncset.done $0x0  }
0x386: {  	[sflag:s26] =	ssyncadd.s32 $0xFFFFC000  }
0x387: {  	_ =	swait.ge [sflag:s26], $0x4000  }
0x388: {  	[sflag:s26] =	ssyncset.done $0x0  }
0x389: {  	s1 =	simm.s32 $0x0;
	[sflag:s26] =	ssyncadd.s32 $0xFFFFC000  }
0x38a: {  	s3 =	simm.s32 $0x1300;
	s12 =	simm.s32 $0x1100;
	s13 =	simm.s32 $0x3B00;
	v17 =	vld [tilespmem:$0x15C30]  }
.LBB2_17:
0x38b: {  	v37 =	vld [tilespmem:s13+$0xFFFFFD00]  }
0x38c: {  	v38 =	vld [tilespmem:s13+$0xFFFFFE00]  }
0x38d: {  	v39 =	vld [tilespmem:s13+$0xFFFFFF00];
	v40 =	vmov s1  }
0x38e: {  	v40 =	vshll.u32 v40, $0x3  }
0x38f: {  	v43 =	vld [tilespmem:s13+$0x0];
	v45 =	vadd.s32 v24, v40;
	v47 =	vadd.s32 v21, v40  }
0x390: {  	v49 =	vadd.s32 v30, v40;
	v51 =	vadd.s32 v20, v40;
	v52 =	vadd.s32 v18, v40  }
0x391: {  	v44 =	vand.u32 $0xFFFFFFF8, v37;
	v37 =	vand.u32 $0x7, v37;
	v46 =	vand.u32 $0xFFFFFFF8, v38  }
0x392: {  	v38 =	vand.u32 $0x7, v38;
	v48 =	vand.u32 $0xFFFFFFF8, v39;
	v45 =	vadd.s32 v45, v44  }
0x393: {  	v39 =	vand.u32 $0x7, v39;
	v47 =	vadd.s32 v47, v46;
	v45 =	vor.u32 v37, v45  }
0x394: {  	v50 =	vand.u32 $0xFFFFFFF8, v43;
	v49 =	vadd.s32 v49, v48;
	v47 =	vor.u32 v38, v47  }
0x395: {  	v43 =	vand.u32 $0x7, v43;
	v51 =	vadd.s32 v51, v50;
	v49 =	vor.u32 v39, v49  }
0x396: {  	v35 =	vld [tilespmem:s12+$0x0];
	v53 =	vadd.s32 v23, v40;
	v52 =	vadd.s32 v52, v44;
	v51 =	vor.u32 v43, v51  }
0x397: {  	v36 =	vld [tilespmem:s3+$0x0];
	v54 =	vadd.s32 v19, v40;
	v53 =	vadd.s32 v53, v46;
	v52 =	vor.u32 v37, v52  }
0x398: {  	v55 =	vadd.s32 v28, v40;
	v54 =	vadd.s32 v54, v48;
	v53 =	vor.u32 v38, v53;
	v45 =	vld.idx.msk [tilespmem:v45+s17+$0x0], $0xffff  }
0x399: {  	v56 =	vadd.s32 v27, v40;
	v55 =	vadd.s32 v55, v50;
	v54 =	vor.u32 v39, v54;
	v47 =	vld.idx.msk [tilespmem:v47+s17+$0x0], $0xffff  }
0x39a: {  	v57 =	vadd.s32 v26, v40;
	v56 =	vadd.s32 v56, v44;
	v55 =	vor.u32 v43, v55;
	v49 =	vld.idx.msk [tilespmem:v49+s17+$0x0], $0xffff  }
0x39b: {  	v58 =	vadd.s32 v31, v40;
	v57 =	vadd.s32 v57, v46;
	v56 =	vor.u32 v37, v56;
	v51 =	vld.idx.msk [tilespmem:v51+s17+$0x0], $0xffff  }
0x39c: {  	v59 =	vadd.s32 v22, v40;
	v58 =	vadd.s32 v58, v48;
	v57 =	vor.u32 v38, v57;
	v52 =	vld.idx.msk [tilespmem:v52+s17+$0x0], $0xffff  }
0x39d: {  	v60 =	vadd.s32 v29, v40;
	v44 =	vadd.s32 v59, v44;
	v58 =	vor.u32 v39, v58;
	v53 =	vld.idx.msk [tilespmem:v53+s17+$0x0], $0xffff  }
0x39e: {  	v62 =	vadd.s32 v25, v40;
	v37 =	vor.u32 v37, v44;
	v44 =	vadd.s32 v60, v46;
	v54 =	vld.idx.msk [tilespmem:v54+s17+$0x0], $0xffff  }
0x39f: {  	v41 =	vsub.f32 $1.000000000e+00, v35;
	v42 =	vsub.f32 $1.000000000e+00, v36;
	v38 =	vor.u32 v38, v44;
	v44 =	vld.idx.msk [tilespmem:v55+s17+$0x0], $0xffff  }
0x3a0: {  	v61 =	vadd.s32 v33, v40;
	v40 =	vadd.s32 v32, v40;
	v46 =	vadd.s32 v62, v48;
	v56 =	vld.idx.msk [tilespmem:v56+s17+$0x0], $0xffff  }
0x3a1: {  	v63 =	vadd.s32 v61, v50;
	v48 =	vmul.f32 v42, v41;
	v39 =	vor.u32 v39, v46;
	v60 =	vld.idx.msk [tilespmem:v57+s17+$0x0], $0xffff  }
0x3a2: {  	v42 =	vmul.f32 v42, v35;
	v41 =	vmul.f32 v36, v41;
	v55 =	vor.u32 v43, v63;
	v61 =	vld.idx.msk [tilespmem:v58+s17+$0x0], $0xffff  }
0x3a3: {  	v40 =	vadd.s32 v40, v50;
	v35 =	vmul.f32 v36, v35;
	v37 =	vld.idx.msk [tilespmem:v37+s17+$0x0], $0xffff;
	v45 =	vmul.f32 v45, v48  }
0x3a4: {  	v40 =	vor.u32 v43, v40;
	v38 =	vld.idx.msk [tilespmem:v38+s17+$0x0], $0xffff;
	v47 =	vmul.f32 v47, v42;
	v63 =	vmul.f32 v49, v41  }
0x3a5: {  	v52 =	vmul.f32 v52, v48;
	v53 =	vmul.f32 v53, v42  }
0x3a6: {  	v39 =	vld.idx.msk [tilespmem:v39+s17+$0x0], $0xffff;
	v58 =	vmul.f32 v56, v48;
	v46 =	vmul.f32 v60, v42  }
0x3a7: {  	v57 =	vld.idx.msk [tilespmem:v55+s17+$0x0], $0xffff;
	v59 =	vmul.f32 v51, v35;
	v60 =	vmul.f32 v54, v41  }
0x3a8: {  	v61 =	vmul.f32 v61, v41;
	v62 =	vadd.f32 v47, v45;
	v45 =	vadd.f32 v53, v52  }
0x3a9: {  	v40 =	vld.idx.msk [tilespmem:v40+s17+$0x0], $0xffff;
	v37 =	vmul.f32 v37, v48;
	v38 =	vmul.f32 v38, v42;
	v43 =	vadd.f32 v46, v58  }
0x3aa: {  	v44 =	vmul.f32 v44, v35;
	v36 =	vadd.f32 v63, v62;
	v45 =	vadd.f32 v60, v45  }
0x3ab: {  	v47 =	vmul.f32 v39, v41;
	v37 =	vadd.f32 v38, v37;
	v62 =	vadd.f32 v61, v43  }
0x3ac: {  	v63 =	vmul.f32 v57, v35;
	v36 =	vadd.f32 v59, v36;
	v44 =	vadd.f32 v44, v45  }
0x3ad: {  	v37 =	vadd.f32 v47, v37  }
0x3ae: {  	v35 =	vmul.f32 v40, v35;
	v48 =	vadd.f32 v63, v62;
	v49 =	vadd.f32 v44, v36;
	_ =	sdelay $0x1  }
0x3af: {  	v35 =	vadd.f32 v35, v37;
	v50 =	vadd.f32 v48, v49;
	_ =	sdelay $0x1  }
0x3b0: {  	v37 =	vadd.f32 v35, v50;
	_ =	sdelay $0x1  }
0x3b1: {  	v37 =	vmul.f32 $2.500000000e-01, v37;
	_ =	sdelay $0x1  }
0x3b2: {  	v36 =	vsub.f32 v36, v37;
	v51 =	vsub.f32 v44, v37;
	_ =	sdelay $0x1  }
0x3b3: {  	v39 =	vsub.f32 v48, v37;
	v52 =	vmul.f32 v36, v36;
	v53 =	vmul.f32 v51, v51;
	_ =	sdelay $0x1  }
0x3b4: {  	v35 =	vsub.f32 v35, v37;
	v55 =	vmul.f32 v39, v39;
	v54 =	vadd.f32 v53, v52;
	_ =	sdelay $0x1  }
0x3b5: {  	v56 =	vmul.f32 v35, v35;
	v37 =	vadd.f32 v54, v55;
	_ =	sdelay $0x1  }
0x3b6: {  	v37 =	vadd.f32 v37, v56;
	_ =	sdelay $0x1  }
0x3b7: {  	v37 =	vmul.f32 $2.500000000e-01, v37;
	_ =	sdelay $0x1  }
0x3b8: {  	v37 =	vadd.f32 $9.999999740e-06, v37;
	_ =	sdelay $0x1  }
0x3b9: {  	v57 =	vshra.s32 v37, $0x1;
	v37 =	vmul.f32 $5.000000000e-01, v37  }
0x3ba: {  	v40 =	vsub.s32 $0x5F3759DF, v57  }
0x3bb: {  	v58 =	vmul.f32 v40, v37;
	_ =	sdelay $0x1  }
0x3bc: {  	v41 =	vmul.f32 v40, v58;
	_ =	sdelay $0x1  }
0x3bd: {  	v41 =	vsub.f32 $1.500000000e+00, v41;
	_ =	sdelay $0x1  }
0x3be: {  	v40 =	vmul.f32 v40, v41;
	_ =	sdelay $0x1  }
0x3bf: {  	v41 =	vmul.f32 v40, v37;
	_ =	sdelay $0x1  }
0x3c0: {  	v41 =	vmul.f32 v41, v40;
	_ =	sdelay $0x1  }
0x3c1: {  	v41 =	vsub.f32 $1.500000000e+00, v41;
	_ =	sdelay $0x1  }
0x3c2: {  	v40 =	vmul.f32 v41, v40;
	_ =	sdelay $0x1  }
0x3c3: {  	v37 =	vmul.f32 v40, v37;
	_ =	sdelay $0x1  }
0x3c4: {  	v37 =	vmul.f32 v37, v40  }
0x3c5: {  	s2 =	sor.u32 s7, s1  }
0x3c6: {  	v59 =	vmov s2;
	v37 =	vsub.f32 $1.500000000e+00, v37  }
0x3c7: {  	v41 =	vshll.u32 v59, $0x4  }
0x3c8: {  	v60 =	vor.u32 v34, v41;
	v37 =	vmul.f32 v37, v40  }
0x3c9: {  	v41 =	vor.u32 $0xC, v60  }
0x3ca: {  	v61 =	vor.u32 $0xD, v60;
	v37 =	vmul.f32 v37, v17  }
0x3cb: {  	v62 =	vor.u32 $0xE, v60  }
0x3cc: {  	p0 =	sne.s32 s1, $0xF0;
	v40 =	vor.u32 $0xF, v60;
	v36 =	vmul.f32 v37, v36  }
.Ltmp7:
0x3cd: {  	v38 =	vmul.f32 v37, v51;
	(pc) =	sbr.rel @p0 .LBB2_17-.Ltmp7, $4  }
0x3ce: {  	v63 =	vmul.f32 v37, v39;
	[tilespmem:v41+s25+$0x0] =	vst.idx.msk $0xffff, v36  }
0x3cf: {  	v35 =	vmul.f32 v37, v35;
	[tilespmem:v61+s25+$0x0] =	vst.idx.msk $0xffff, v38  }
0x3d0: {  	s3 =	sadd.s32 $0x10, s3;
	[tilespmem:v62+s25+$0x0] =	vst.idx.msk $0xffff, v63  }
0x3d1: {  	s12 =	sadd.s32 $0x10, s12;
	s13 =	sadd.s32 $0x10, s13;
	s1 =	sadd.s32 $0x10, s1;
	[tilespmem:v40+s25+$0x0] =	vst.idx.msk $0xffff, v35  }
0x3d2: {  	s31 =	sadd.s32 $0x1, s31  }
0x3d3: {  	p0 =	sne.s32 s31, $0x80  }
.Ltmp8:
0x3d4: {  	_ = 	snop;
	(pc) =	sbr.rel @p0 .LBB2_2-.Ltmp8, $4  }
0x3d5: {  	s0 =	sshll.u32 s0, $0x1  }
0x3d6: {  	s1 =	sshll.u32 s7, $0x4;
	s2 =	rddreg [dreg:$0x4];
	s29 =	simm.s32 $0x0  }
0x3d7: {  	s30 =	sadd.s32 $0x1, s30;
	s0 =	sadd.s32 s2, s0;
	s1 =	sadd.s32 $0x13C00, s1  }
0x3d8: {  	[hbm4b:s0+s29] =	stream.linear.scatter [tilespmem:s1], [sflag:$0x3], $0x1000, $0x38;
	[tilespmem:$0x15C40] =	vst v63  }
0x3d9: {  	s1 =	simm.s32 $0x3  }
0x3da: {  	_ =	swait.ge [sflag:s1], $0x1000  }
0x3db: {  	[sflag:s1] =	ssyncset.done $0x0  }
0x3dc: {  	[sflag:s1] =	ssyncadd.s32 $0xFFFFF000  }
0x3dd: {  	_ =	swait.ge [sflag:s1], $0x1000  }
0x3de: {  	s2 =	rddreg [dreg:$0x8]  }
0x3df: {  	s0 =	rddreg [dreg:$0x7];
	s2 =	sadd.s32 $0x1, s2  }
0x3e0: {  	p0 =	sne.s32 s2, s0  }
.Ltmp9:
0x3e1: {  	_ = 	snop;
	(pc) =	sbr.rel @p0 .LBB2_1-.Ltmp9, $3  }
0x3e2: {  	_ =	sdelay $0x1  }
0x3e3: {  	[sflag:s1] =	ssyncset.done $0x0  }
0x3e4: {  	[sflag:s1] =	ssyncadd.s32 $0xFFFFF000  }
0x3e5: {  	_ =	sfence.sel $0x180000  }
0x3e6: {  	[bflag:$0x0] =	sbarrier.arrive $0xFFFF  }
0x3e7: {  	_ =	strace $0x90000047  }
0x3e8: {  	s0 =	stileid.u32;
	[bflag:$0x2] =	sbarrier.arrive $0xFFFF  }
0x3e9: {  	p0 =	sne.s32 s0, $0x0;
	s0 =	rddreg [dreg:$0x5]  }
0x3ea: {  	s0 =	sadd.s32 @!p0 $0x100000, s0  }
0x3eb: {  	[sflag:s0] =	ssyncadd.tile.s32 @!p0 $0x1;
	_ =	shalt  }
.Lfunc_end2:
_tile_overlayer_lowered:
.L_overlay_start_2:
0x3ec: {  	(tag) =	ssettag $0x2  }
0x3ed: {  	s0 =	rddreg [dreg:$0x0];
	s2 =	stileid.u32  }
0x3ee: {  	s1 =	rddreg [dreg:$0x1];
	p0 =	sne.s32 s2, $0x0  }
0x3ef: {  	s3 =	rddreg [dreg:$0x2];
	[bflag:$0x3] =	sbarrier.arrive $0xFFFF;
	s2 =	simm.s32 @!p0 $0x1C04  }
0x3f0: {  	[timem:s3], [sflag:s2] =	dma.local @!p0 [hbm:s0], s1  }
0x3f1: {  	s0 =	simm.s32 @!p0 $0x4  }
0x3f2: {  	_ =	swait.ge @!p0 [sflag:s0], s1  }
0x3f3: {  	s1 =	ssub.s32 @!p0 $0x0, s1;
	[sflag:s0] =	ssyncset.done @!p0 $0x0  }
0x3f4: {  	[sflag:s0] =	ssyncadd.s32 @!p0 s1  }
0x3f5: {  	[bflag:$0x3] =	sbarrier.arrive $0xFFFF  }
0x3f6: {  	_ =	shalt  }

// kernel: sparse-core-data-format-call.cloned.1.call-start
scs
called_computation_lowered:
.L_overlay_start_0:
0x0: {  	s2 =	sld [smem:$0x3FD9]  }
0x1: {  	s3 =	sld [smem:$0x3FFE];
	_ =	sdelay $0x1  }
0x2: {  	s1 =	srdreg.scid  }
0x3: {  	s0 =	sand.u32 $0x1, s1  }
0x4: {  	s18 =	sshll.u32 s0, $0xA;
	s2 =	sadd.s32 s3, s2  }
0x5: {  	s2 =	sadd.s32 s2, s18  }
0x6: {  	[smem:$0x3FC1] =	sst s2  }
0x7: {  	_ = 	snop  }
0x8: {  	s2 =	sld [smem:$0x3FD0];
	(tm) =	ssettm $0x1  }
0x9: {  	s19 =	sld [smem:$0x3FFB];
	_ =	sdelay $0x3  }
0xa: {  	_ =	strace s19  }
0xb: {  	s3 =	sld [smem:$0x3FFC];
	_ =	sdelay $0x3  }
0xc: {  	_ =	strace s3  }
0xd: {  	s3 =	sld [smem:$0x3FFD];
	_ =	sdelay $0x3  }
0xe: {  	_ =	strace s3  }
0xf: {  	_ =	strace $0x8FFFFFFF  }
0x10: {  	s20 =	sld [smem:$0x3FDB];
	_ =	sdelay $0x1  }
0x11: {  	s4 =	simm.s32 $_scs_section_size  }
0x12: {  	s5 =	simm.s32 $_size__tile_overlayer_lowered;
	s6 =	simm.s32 $_tile_overlayer_lowered  }
0x13: {  	s23 =	simm.s32 $0x1BFF;
	s22 =	sshll.u32 s6, $0x1;
	s3 =	sadd.s32 s4, s20  }
0x14: {  	s7 =	simm.s32 $0x0;
	s21 =	sshll.u32 s5, $0x1;
	s5 =	sadd.s32 s22, s3  }
0x15: {  	[timem:s7], [sflag:s23] =	dma.local [hbm:s5], s21  }
0x16: {  	_ =	swait.ge [sflag:s23], s21  }
0x17: {  	s4 =	ssub.s32 $0x0, s21;
	[sflag:s23] =	ssyncset.done $0x0  }
0x18: {  	[sflag:s23] =	ssyncadd.s32 s4;
	_ =	sdelay $0x1  }
0x19: {  	s24 =	simm.s32 $0x1B8B  }
0x1a: {  	_ =	swait.ge [sflag:s24], $0x1  }
0x1b: {  	[sflag:s24] =	ssyncset.done $0x0  }
0x1c: {  	s26 =	simm.s32 $0x1B8E;
	s25 =	sld [smem:$0x3FFE];
	[sflag:s24] =	ssyncadd.s32 $0xFFFFFFFF  }
0x1d: {  	s27 =	simm.s32 $execute0_lowered;
	[smem:$0x3FD2] =	sst s26  }
0x1e: {  	s5 =	sshll.u32 s27, $0x1;
	_ =	strace $0x80000049;
	[dreg:$0x1] =	wrdreg $0xFFFFFFFF  }
0x1f: {  	s28 =	simm.s32 $_size_execute0_lowered;
	s3 =	sadd.s32 s3, s5;
	[dreg:$0x0] =	wrdreg $0x0  }
0x20: {  	s5 =	sshll.u32 s28, $0x1;
	[dreg:$0x2] =	wrdreg s3  }
0x21: {  	[dreg:$0x3] =	wrdreg s5  }
0x22: {  	[dreg:$0x4] =	wrdreg $0xC0  }
0x23: {  	_ =	task [dreg:s7], $0x5FFFF  }
0x24: {  	[dreg:$0x1] =	wrdreg $0xFFFFFFFF  }
0x25: {  	[dreg:$0x0] =	wrdreg $0x60  }
0x26: {  	[dreg:$0x2] =	wrdreg s25  }
0x27: {  	[dreg:$0x3] =	wrdreg s2  }
0x28: {  	[dreg:$0x4] =	wrdreg $0x9  }
0x29: {  	_ =	task.clear_ibuf [dreg:s7], $0x5FFFF;
	_ =	strace $0x90000049  }
0x2a: {  	s29 =	simm.s32 $0x9;
	_ =	strace $0x8000004B  }
0x2b: {  	_ =	swait.ge [sflag:s29], $0x1  }
0x2c: {  	[sflag:s29] =	ssyncadd.s32 $0xFFFFFFFF  }
0x2d: {  	_ =	strace $0x9000004B  }
0x2e: {  	_ =	sfence  }
0x2f: {  	s30 =	sld [smem:$0x0];
	_ =	sdelay $0x2  }
0x30: {  	s31 =	sshll.u32 s1, $0xD;
	s1 =	sshrl.u32 s1, $0x2  }
0x31: {  	s3 =	sand.u32 $0x4000, s31;
	s1 =	sadd.s32 s1, s30  }
0x32: {  	s0 =	sor.u32 s3, s0;
	s1 =	sshll.u32 s1, $0x11  }
0x33: {  	s0 =	sor.u32 s1, s0  }
0x34: {  	s0 =	sadd.s32 $0x8F2B, s0  }
0x35: {  	[sflag:s0] =	ssyncadd.remote.s32 $0x1  }
0x36: {  	_ =	sfence.sel $0xFFFF  }
0x37: {  	[dreg:$0x0] =	wrdreg $0xFFFFFFFF;
	(pc) =	sbr.abs _section_cstart, $3  }
0x38: {  	[dreg:$0x1] =	wrdreg $0xFFFFFFFF  }
0x39: {  	_ =	task.clear_ibuf [dreg:s7], $0x2FFFF;
	_ =	strace $0x9FFFFFFF  }
0x3a: {  	(tm) =	ssettm $0x7FFFFFFF  }
0x3b: {  	_ =	shalt  }
tec
execute0_lowered:
.L_overlay_start_1:
0x0: {  	(tag) =	ssettag $0x1  }
0x1: {  	s0 =	srdreg.scid  }
0x2: {  	s1 =	sshll.u32 s0, $0x4  }
0x3: {  	s4 =	rddreg [dreg:$0x0];
	s0 =	stileid.u32;
	s1 =	sand.u32 $0x10, s1  }
0x4: {  	s2 =	rddreg [dreg:$0x1];
	s7 =	simm.s32 $0x1;
	s1 =	sor.u32 s0, s1  }
0x5: {  	s8 =	simm.s32 $0x2;
	s11 =	simm.s32 $0x0;
	s3 =	sshll.u32 s1, $0x7  }
0x6: {  	s10 =	simm.s32 $0x0;
	s4 =	sadd.s32 $0x800, s4;
	s6 =	ssub.s32 $0x100000, s3  }
.Ltmp0:
0x7: {  	s1 =	rddreg [dreg:$0x2];
	s5 =	sand.u32 $0xF80, s6;
	(pc) =	sbr.rel .LBB1_1-.Ltmp0, $4  }
0x8: {  	_ =	strace $0x8000004A;
	s9 =	smov.u32 s3;
	p0 =	sne.s32 s5, $0x0  }
0x9: {  	s6 =	sshrl.u32 s6, $0xC;
	s5 =	simm.s32 $0x1;
	s7 =	simm.s32 @!p0 $0x0  }
0xa: {  	[sflag:s5] =	ssyncpa.u1 $0x0;
	p0 =	por $0x0, $0x0;
	s6 =	sadd.s32 s7, s6  }
0xb: {  	[sflag:s8] =	ssyncpa.u1 $0x0;
	s8 =	simm.s32 $0x800000;
	s7 =	sadd.s32 $0x1, s6  }
.LBB1_4:
0xc: {  	[tilespmem:s12+$0xFFFFFFFC ss:$0x81] =	vst.msk $0xffff, v2;
	s14 =	sshll.u32 s11, $0x3  }
0xd: {  	[tilespmem:s12+$0xFFFFFFFD ss:$0x81] =	vst.msk $0xffff, v3;
	s15 =	sand.u32 $0x78, s11;
	s14 =	sand.u32 $0xFFC00, s14  }
0xe: {  	[tilespmem:s12+$0xFFFFFFFE ss:$0x81] =	vst.msk $0xffff, v1;
	s29 =	sand.u32 $0x1E0000, s11;
	s30 =	sand.u32 $0x7, s11;
	s14 =	sor.u32 s15, s14  }
0xf: {  	[tilespmem:s12+$0xFFFFFFFF ss:$0x81] =	vst.msk $0xffff, v4;
	s11 =	sshll.u32 s30, $0x12;
	s15 =	sadd.s32 s2, s29;
	s14 =	sshrl.u32 s14, $0x3  }
0x10: {  	[tilespmem:s12+$0xFFFFFFF9 ss:$0x81] =	vst.msk $0xffff, v0;
	s11 =	sor.u32 $0x400, s11;
	s31 =	sadd.s32 s14, s15  }
0x11: {  	[hbm4b:s31+s11] =	stream.strided.scatter [tilespmem:s13], [sflag:$0x2], $0x800, s8, s11, $0x20;
	[tilespmem:$0x2020] =	vst v63  }
.LBB1_5:
0x12: {  	s13 =	sadd.s32 $0x1000, s9  }
0x13: {  	p2 =	sgt.s32 s13, $0xFFFFF  }
0x14: {  	s13 =	smov.u32 @p2 s3;
	p2 =	sne.s32 s10, s7  }
.Ltmp1:
0x15: {  	p1 =	slt.u32 s10, $0x2;
	(pc) =	sbr.rel @!p2 .LBB1_6-.Ltmp1, $4  }
0x16: {  	s12 =	simm.s32 @!p1 $0x2  }
0x17: {  	s14 =	sadd.s32 $0x1, s10;
	_ =	swait.ge @!p1 [sflag:s12], $0x800  }
0x18: {  	s11 =	smov.u32 s9;
	p0 =	por !p0, !p0;
	[sflag:s12] =	ssyncset.done @!p1 $0x0  }
0x19: {  	s10 =	smov.u32 s14;
	s9 =	smov.u32 s13;
	[sflag:s12] =	ssyncadd.s32 @!p1 $0xFFFFF800  }
.LBB1_1:
0x1a: {  	p1 =	sge.u32 s10, s6  }
0x1b: {  	s31 =	sadd.s32 $0xFFFFFFFF, s10;
	s12 =	sxor.u32 @!p1 $0xFFFFFFFF, s10;
	s13 =	sshll.u32 @!p1 s9, $0x4  }
0x1c: {  	s14 =	simm.s32 @!p1 $0x10;
	s12 =	sshll.u32 @!p1 s12, $0xB;
	s13 =	sand.u32 @!p1 $0xFFFFF0, s13  }
0x1d: {  	s15 =	simm.s32 @!p1 $0x80;
	s12 =	sand.u32 @!p1 $0x800, s12;
	s13 =	sadd.s32 @!p1 s4, s13  }
0x1e: {  	[tilespmem:s12], [sflag:$0x1] =	stream.strided.gather @!p1 [hbm4b:s13+s14], $0x800, s15, s14, $0x38;
	[tilespmem:$0x2020] =	vst v63  }
0x1f: {  	p1 =	sge.u32 s31, s6  }
.Ltmp2:
0x20: {  	_ = 	snop;
	(pc) =	sbr.rel @p1 .LBB1_5-.Ltmp2, $1  }
0x21: {  	_ =	sdelay $0x3  }
0x22: {  	s12 =	simm.s32 $0x1  }
0x23: {  	_ =	swait.ge [sflag:s5], $0x800;
	s12 =	simm.s32 @!p0 $0x0  }
0x24: {  	[sflag:s5] =	ssyncset.done $0x0;
	s13 =	sshll.u32 s12, $0xB  }
0x25: {  	[sflag:s5] =	ssyncadd.s32 $0xFFFFF800;
	s15 =	sor.u32 $0x40, s13  }
0x26: {  	v0 =	vld [tilespmem:s15+$0x30]  }
0x27: {  	s12 =	smul.u32 $0x2040, s12;
	v4 =	vld [tilespmem:s15+$0xFFFFFFD0]  }
0x28: {  	v5 =	vld [tilespmem:s15+$0xFFFFFFE0]  }
0x29: {  	s31 =	sand.u32 $0x1, s10;
	s12 =	sshrl.u32 s12, $0x2;
	v2 =	vld [tilespmem:s15+$0xFFFFFFF0]  }
0x2a: {  	s13 =	smul.u32 $0x2040, s31;
	v3 =	vld [tilespmem:s15+$0x0];
	s12 =	sor.u32 $0x1007, s12  }
0x2b: {  	v1 =	vld [tilespmem:s15+$0x10];
	[tilespmem:s12+$0x0 ss:$0x81] =	vst.msk $0xffff, v0  }
0x2c: {  	s13 =	sshrl.u32 s13, $0x2;
	[tilespmem:s12+$0xFFFFFFFA ss:$0x81] =	vst.msk $0xffff, v4;
	v4 =	vld [tilespmem:s15+$0x20]  }
0x2d: {  	s14 =	simm.s32 $0x0;
	s13 =	sor.u32 $0x1000, s13;
	v0 =	vld [tilespmem:s15+$0xFFFFFFC0];
	[tilespmem:s12+$0xFFFFFFFB ss:$0x81] =	vst.msk $0xffff, v5;
	s15 =	sadd.s32 $0x80, s15  }
.LBB1_3:
0x2e: {  	v5 =	vld [tilespmem:s15+$0x30];
	s14 =	sadd.s32 $0x8, s14;
	[tilespmem:s12+$0xFFFFFFFC ss:$0x81] =	vst.msk $0xffff, v2  }
0x2f: {  	v6 =	vld [tilespmem:s15+$0xFFFFFFD0];
	p1 =	slt.u32 s14, $0x78;
	[tilespmem:s12+$0xFFFFFFFD ss:$0x81] =	vst.msk $0xffff, v3  }
0x30: {  	v7 =	vld [tilespmem:s15+$0xFFFFFFE0];
	[tilespmem:s12+$0xFFFFFFFE ss:$0x81] =	vst.msk $0xffff, v1  }
.Ltmp3:
0x31: {  	v2 =	vld [tilespmem:s15+$0xFFFFFFF0];
	[tilespmem:s12+$0xFFFFFFFF ss:$0x81] =	vst.msk $0xffff, v4;
	(pc) =	sbr.rel @p1 .LBB1_3-.Ltmp3, $4  }
0x32: {  	v3 =	vld [tilespmem:s15+$0x0];
	[tilespmem:s12+$0xFFFFFFF9 ss:$0x81] =	vst.msk $0xffff, v0;
	s12 =	sadd.s32 $0x8, s12  }
0x33: {  	v1 =	vld [tilespmem:s15+$0x10];
	[tilespmem:s12+$0x0 ss:$0x81] =	vst.msk $0xffff, v5  }
0x34: {  	[tilespmem:s12+$0xFFFFFFFA ss:$0x81] =	vst.msk $0xffff, v6;
	v4 =	vld [tilespmem:s15+$0x20]  }
0x35: {  	v0 =	vld [tilespmem:s15+$0xFFFFFFC0];
	[tilespmem:s12+$0xFFFFFFFB ss:$0x81] =	vst.msk $0xffff, v7;
	s15 =	sadd.s32 $0x80, s15  }
.Ltmp4:
0x36: {  	_ = 	snop;
	(pc) =	sbr.rel .LBB1_4-.Ltmp4, $1  }
0x37: {  	_ =	sdelay $0x3  }
.LBB1_6:
0x38: {  	_ =	sfence.sel $0x180000  }
0x39: {  	s2 =	simm.s32 $0x1;
	[bflag:$0x0] =	sbarrier.arrive $0xFFFF  }
0x3a: {  	s31 =	simm.s32 $0x2;
	[sflag:s2] =	ssyncpa.u1 $0x1  }
0x3b: {  	[sflag:s31] =	ssyncpa.u1 $0x1  }
0x3c: {  	p0 =	sne.s32 s0, $0x0;
	_ =	strace $0x9000004A  }
0x3d: {  	s0 =	sadd.s32 @!p0 $0x100000, s1;
	[bflag:$0x2] =	sbarrier.arrive $0xFFFF  }
0x3e: {  	[sflag:s0] =	ssyncadd.tile.s32 @!p0 $0x1;
	_ =	shalt  }
.Lfunc_end1:
_tile_overlayer_lowered:
.L_overlay_start_2:
0x3f: {  	(tag) =	ssettag $0x2  }
0x40: {  	s0 =	rddreg [dreg:$0x0];
	s2 =	stileid.u32  }
0x41: {  	s1 =	rddreg [dreg:$0x1];
	p0 =	sne.s32 s2, $0x0  }
0x42: {  	s3 =	rddreg [dreg:$0x2];
	[bflag:$0x3] =	sbarrier.arrive $0xFFFF;
	s2 =	simm.s32 @!p0 $0x1C01  }
0x43: {  	[timem:s3], [sflag:s2] =	dma.local @!p0 [hbm:s0], s1  }
0x44: {  	s0 =	simm.s32 @!p0 $0x1  }
0x45: {  	_ =	swait.ge @!p0 [sflag:s0], s1  }
0x46: {  	s1 =	ssub.s32 @!p0 $0x0, s1;
	[sflag:s0] =	ssyncset.done @!p0 $0x0  }
0x47: {  	[sflag:s0] =	ssyncadd.s32 @!p0 s1  }
0x48: {  	[bflag:$0x3] =	sbarrier.arrive $0xFFFF  }
0x49: {  	_ =	shalt  }

</sc_bundles>
